<compile_context>
chip_gen: v7x
topology: tpu7x:2x2x1
jax: 0.10.2.dev20260603
libtpu: 0.0.44.dev20260713+nightly
codegen_flags: <defaults>
</compile_context>

<pallas_src>
import jax
import jax.numpy as jnp
from jax import lax
from jax.experimental import pallas as pl
from jax.experimental.pallas import tpu as pltpu
from jax.experimental.pallas import tpu_sc as plsc

_B = 16384 * 50
_D = 64
_CHUNK = 128
_NW = 32
_CPW = _B // (_NW * _CHUNK)
_NBUF = 10
_LAG = 8


def _body(table_hbm, idx_hbm, out_hbm, idx_v, bufs, gsem, ssem):
  c = lax.axis_index("c")
  s = lax.axis_index("s")
  wid = s * 2 + c
  row0 = wid * _CPW
  out0 = row0 * _CHUNK

  pltpu.sync_copy(idx_hbm.at[pl.ds(row0, _CPW)], idx_v)

  def fire_gather(j, b):
    pltpu.async_copy(table_hbm.at[idx_v.at[j]], bufs.at[b], gsem.at[b])

  def wait_gather(j, b):
    pltpu.make_async_copy(table_hbm.at[idx_v.at[j]], bufs.at[b],
                          gsem.at[b]).wait()

  def fire_store(i, b):
    pltpu.async_copy(bufs.at[b], out_hbm.at[pl.ds(out0 + i * _CHUNK, _CHUNK)],
                     ssem.at[b])

  def wait_store(i, b):
    pltpu.make_async_copy(bufs.at[b],
                          out_hbm.at[pl.ds(out0 + i * _CHUNK, _CHUNK)],
                          ssem.at[b]).wait()

  for j in range(_NBUF):
    fire_gather(j, j % _NBUF)
    if j >= _LAG:
      i = j - _LAG
      wait_gather(i, i % _NBUF)
      fire_store(i, i % _NBUF)

  @pl.loop(1, _CPW // _NBUF)
  def _steady(g):
    for b in range(_NBUF):
      j = g * _NBUF + b
      wait_store(j - _NBUF, b)
      fire_gather(j, b)
      i = j - _LAG
      bi = (b - _LAG) % _NBUF
      wait_gather(i, bi)
      fire_store(i, bi)

  for i in range(_CPW - _LAG, _CPW):
    wait_gather(i, i % _NBUF)
    fire_store(i, i % _NBUF)
  for i in range(_CPW - _NBUF, _CPW):
    wait_store(i, i % _NBUF)


@jax.jit
def _gather(table, idx2d):
  mesh = plsc.VectorSubcoreMesh(core_axis_name="c", subcore_axis_name="s")
  run = pl.kernel(
      _body,
      out_type=jax.ShapeDtypeStruct((_B, _D), jnp.float32),
      mesh=mesh,
      compiler_params=pltpu.CompilerParams(use_tc_tiling_on_sc=False),
      scratch_types=[
          pltpu.VMEM((_CPW, _CHUNK), jnp.int32),
          pltpu.VMEM((_NBUF, _CHUNK, _D), jnp.float32),
          pltpu.SemaphoreType.DMA((_NBUF,)),
          pltpu.SemaphoreType.DMA((_NBUF,)),
      ],
  )
  return run(table, idx2d)


def kernel(x, embedding):
  idx2d = x.astype(jnp.int32).reshape(_B // _CHUNK, _CHUNK)
  out = _gather(embedding, idx2d)
  return out.reshape(x.shape[0], x.shape[1], _D)

# --- scband reference (transcript-rebuilt; emitter-appended) ---
"""Pipeline reference for scband-embedding-1984274890953 (READ-ONLY COPY).

The authoritative reference and input builder live on the scoring server;
editing this copy changes nothing except your own understanding.
"""

import jax, jax.numpy as jnp
import numpy as np

VOCAB_SIZE = 1000000
EMBED_DIM = 64

def setup_inputs(seed: int = 0) -> dict:
    key = jax.random.key(seed)
    k1, k2 = jax.random.split(key)
    x = jax.random.randint(k1, (16384, 50), 0, VOCAB_SIZE, dtype=jnp.int64 if jax.config.jax_enable_x64 else jnp.int32)
    # glorot_normal init for embedding table [vocab, dim]
    stddev = float(np.sqrt(2.0 / (VOCAB_SIZE + EMBED_DIM)))
    embedding = jax.random.normal(k2, (VOCAB_SIZE, EMBED_DIM), dtype=jnp.float32) * stddev
    return {"x": x, "embedding": embedding}

def reference(x, embedding):
    # tf.nn.embedding_lookup(embedding, x) -> gather rows
    return jnp.take(embedding, x, axis=0)

if __name__ == "__main__":
    import jax
    _d = setup_inputs()
    print(jax.jit(kernel)(*tuple(_d.values())))

</pallas_src>

<mosaic_0001>
#map = affine_map<(d0, d1) -> (0, 0)>
module attributes {stable_mosaic.version = 14 : i64} {
  func.func @_body(%arg0: i32, %arg1: i32, %arg2: memref<1000000x64xf32, #tpu.memory_space<hbm>>, %arg3: memref<6400x128xi32, #tpu.memory_space<hbm>>, %arg4: memref<819200x64xf32, #tpu.memory_space<hbm>>, %arg5: memref<200x128xi32, #tpu.memory_space<vmem>>, %arg6: memref<10x128x64xf32, #tpu.memory_space<vmem>>, %arg7: memref<10x!tpu.dma_semaphore, #tpu.memory_space<semaphore_mem>>, %arg8: memref<10x!tpu.dma_semaphore, #tpu.memory_space<semaphore_mem>>) attributes {dimension_semantics = [#tpu.dimension_semantics<core_parallel>, #tpu.dimension_semantics<subcore_parallel>], iteration_bounds = array<i64: 2, 16>, scalar_prefetch = 0 : i64, scratch_operands = 4 : i64, tpu.core_type = #tpu.core_type<sc_vector_subcore>, window_params = [{transform_indices = #map}, {transform_indices = #map}, {transform_indices = #map}]} {
    %mul3A = arith.constant 2 : i32
    %mul3A_0 = arith.muli %arg1, %mul3A : i32
    %add3A = arith.addi %mul3A_0, %arg0 : i32
    %mul3A_1 = arith.constant 200 : i32
    %mul3A_2 = arith.muli %add3A, %mul3A_1 : i32
    %mul3A_3 = arith.constant 128 : i32
    %mul3A_4 = arith.muli %mul3A_2, %mul3A_3 : i32
    "tpu.region"() ({
      %run_scoped3A = tpu.sem_alloc : memref<!tpu.dma_semaphore, #tpu.memory_space<semaphore_mem>>
      %dma_start3A_667 = arith.constant 0 : i32
      %dma_start3A_668 = tpu.memref_slice %arg3[%mul3A_2, %dma_start3A_667] : memref<6400x128xi32, #tpu.memory_space<hbm>> -> memref<200x128xi32, #tpu.memory_space<hbm>>
      %dma_start3A_669 = arith.constant 0 : i32
      %dma_start3A_670 = tpu.memref_slice %arg3[%mul3A_2, %dma_start3A_669] : memref<6400x128xi32, #tpu.memory_space<hbm>> -> memref<200x128xi32, #tpu.memory_space<hbm>>
      tpu.enqueue_dma source(%dma_start3A_670 : memref<200x128xi32, #tpu.memory_space<hbm>>) target(%arg5 : memref<200x128xi32, #tpu.memory_space<vmem>>) target_semaphore(%run_scoped3A : memref<!tpu.dma_semaphore, #tpu.memory_space<semaphore_mem>>)
      %dma_wait3A_671 = arith.constant 0 : i32
      %dma_wait3A_672 = tpu.memref_slice %arg3[%mul3A_2, %dma_wait3A_671] : memref<6400x128xi32, #tpu.memory_space<hbm>> -> memref<200x128xi32, #tpu.memory_space<hbm>>
      %dma_wait3A_673 = arith.constant 0 : i32
      %dma_wait3A_674 = tpu.memref_slice %arg3[%mul3A_2, %dma_wait3A_673] : memref<6400x128xi32, #tpu.memory_space<hbm>> -> memref<200x128xi32, #tpu.memory_space<hbm>>
      tpu.wait_dma2 semaphore(%run_scoped3A : memref<!tpu.dma_semaphore, #tpu.memory_space<semaphore_mem>>) src(%dma_wait3A_674 : memref<200x128xi32, #tpu.memory_space<hbm>>) dst(%arg5 : memref<200x128xi32, #tpu.memory_space<vmem>>)
      tpu.yield
    }) : () -> ()
    %dma_start3A = arith.constant 0 : i32
    %dma_start3A_5 = arith.constant 0 : i32
    %dma_start3A_6 = arith.constant 0 : i32
    %dma_start3A_7 = arith.constant 0 : i32
    %dma_start3A_8 = arith.constant 0 : i32
    %dma_start3A_9 = tpu.memref_slice %arg6[%dma_start3A_5, %dma_start3A_7, %dma_start3A_8] : memref<10x128x64xf32, #tpu.memory_space<vmem>> -> memref<1x128x64xf32, #tpu.memory_space<vmem>>
    %dma_start3A_10 = tpu.memref_squeeze %dma_start3A_9 : memref<1x128x64xf32, #tpu.memory_space<vmem>> -> memref<128x64xf32, #tpu.memory_space<vmem>>
    %dma_start3A_11 = arith.constant 0 : i32
    %dma_start3A_12 = tpu.memref_slice %arg5[%dma_start3A, %dma_start3A_11] : memref<200x128xi32, #tpu.memory_space<vmem>> -> memref<1x128xi32, #tpu.memory_space<vmem>>
    %dma_start3A_13 = tpu.memref_squeeze %dma_start3A_12 : memref<1x128xi32, #tpu.memory_space<vmem>> -> memref<128xi32, #tpu.memory_space<vmem>>
    %dma_start3A_14 = arith.constant 0 : i32
    %dma_start3A_15 = arith.constant 0 : i32
    %dma_start3A_16 = tpu.memref_slice %arg2[%dma_start3A_14, %dma_start3A_15] : memref<1000000x64xf32, #tpu.memory_space<hbm>> -> memref<1000000x64xf32, #tpu.memory_space<hbm>>
    %dma_start3A_17 = tpu.memref_slice %arg7[%dma_start3A_6] : memref<10x!tpu.dma_semaphore, #tpu.memory_space<semaphore_mem>> -> memref<1x!tpu.dma_semaphore, #tpu.memory_space<semaphore_mem>>
    %dma_start3A_18 = tpu.memref_squeeze %dma_start3A_17 : memref<1x!tpu.dma_semaphore, #tpu.memory_space<semaphore_mem>> -> memref<!tpu.dma_semaphore, #tpu.memory_space<semaphore_mem>>
    tpu.enqueue_indirect_dma source(%dma_start3A_16 : memref<1000000x64xf32, #tpu.memory_space<hbm>>) target(%dma_start3A_10 : memref<128x64xf32, #tpu.memory_space<vmem>>) offsets(%dma_start3A_13 : memref<128xi32, #tpu.memory_space<vmem>>) semaphore(%dma_start3A_18 : memref<!tpu.dma_semaphore, #tpu.memory_space<semaphore_mem>>)
    %dma_start3A_19 = arith.constant 1 : i32
    %dma_start3A_20 = arith.constant 1 : i32
    %dma_start3A_21 = arith.constant 1 : i32
    %dma_start3A_22 = arith.constant 0 : i32
    %dma_start3A_23 = arith.constant 0 : i32
    %dma_start3A_24 = tpu.memref_slice %arg6[%dma_start3A_20, %dma_start3A_22, %dma_start3A_23] : memref<10x128x64xf32, #tpu.memory_space<vmem>> -> memref<1x128x64xf32, #tpu.memory_space<vmem>>
    %dma_start3A_25 = tpu.memref_squeeze %dma_start3A_24 : memref<1x128x64xf32, #tpu.memory_space<vmem>> -> memref<128x64xf32, #tpu.memory_space<vmem>>
    %dma_start3A_26 = arith.constant 0 : i32
    %dma_start3A_27 = tpu.memref_slice %arg5[%dma_start3A_19, %dma_start3A_26] : memref<200x128xi32, #tpu.memory_space<vmem>> -> memref<1x128xi32, #tpu.memory_space<vmem>>
    %dma_start3A_28 = tpu.memref_squeeze %dma_start3A_27 : memref<1x128xi32, #tpu.memory_space<vmem>> -> memref<128xi32, #tpu.memory_space<vmem>>
    %dma_start3A_29 = arith.constant 0 : i32
    %dma_start3A_30 = arith.constant 0 : i32
    %dma_start3A_31 = tpu.memref_slice %arg2[%dma_start3A_29, %dma_start3A_30] : memref<1000000x64xf32, #tpu.memory_space<hbm>> -> memref<1000000x64xf32, #tpu.memory_space<hbm>>
    %dma_start3A_32 = tpu.memref_slice %arg7[%dma_start3A_21] : memref<10x!tpu.dma_semaphore, #tpu.memory_space<semaphore_mem>> -> memref<1x!tpu.dma_semaphore, #tpu.memory_space<semaphore_mem>>
    %dma_start3A_33 = tpu.memref_squeeze %dma_start3A_32 : memref<1x!tpu.dma_semaphore, #tpu.memory_space<semaphore_mem>> -> memref<!tpu.dma_semaphore, #tpu.memory_space<semaphore_mem>>
    tpu.enqueue_indirect_dma source(%dma_start3A_31 : memref<1000000x64xf32, #tpu.memory_space<hbm>>) target(%dma_start3A_25 : memref<128x64xf32, #tpu.memory_space<vmem>>) offsets(%dma_start3A_28 : memref<128xi32, #tpu.memory_space<vmem>>) semaphore(%dma_start3A_33 : memref<!tpu.dma_semaphore, #tpu.memory_space<semaphore_mem>>)
    %dma_start3A_34 = arith.constant 2 : i32
    %dma_start3A_35 = arith.constant 2 : i32
    %dma_start3A_36 = arith.constant 2 : i32
    %dma_start3A_37 = arith.constant 0 : i32
    %dma_start3A_38 = arith.constant 0 : i32
    %dma_start3A_39 = tpu.memref_slice %arg6[%dma_start3A_35, %dma_start3A_37, %dma_start3A_38] : memref<10x128x64xf32, #tpu.memory_space<vmem>> -> memref<1x128x64xf32, #tpu.memory_space<vmem>>
    %dma_start3A_40 = tpu.memref_squeeze %dma_start3A_39 : memref<1x128x64xf32, #tpu.memory_space<vmem>> -> memref<128x64xf32, #tpu.memory_space<vmem>>
    %dma_start3A_41 = arith.constant 0 : i32
    %dma_start3A_42 = tpu.memref_slice %arg5[%dma_start3A_34, %dma_start3A_41] : memref<200x128xi32, #tpu.memory_space<vmem>> -> memref<1x128xi32, #tpu.memory_space<vmem>>
    %dma_start3A_43 = tpu.memref_squeeze %dma_start3A_42 : memref<1x128xi32, #tpu.memory_space<vmem>> -> memref<128xi32, #tpu.memory_space<vmem>>
    %dma_start3A_44 = arith.constant 0 : i32
    %dma_start3A_45 = arith.constant 0 : i32
    %dma_start3A_46 = tpu.memref_slice %arg2[%dma_start3A_44, %dma_start3A_45] : memref<1000000x64xf32, #tpu.memory_space<hbm>> -> memref<1000000x64xf32, #tpu.memory_space<hbm>>
    %dma_start3A_47 = tpu.memref_slice %arg7[%dma_start3A_36] : memref<10x!tpu.dma_semaphore, #tpu.memory_space<semaphore_mem>> -> memref<1x!tpu.dma_semaphore, #tpu.memory_space<semaphore_mem>>
    %dma_start3A_48 = tpu.memref_squeeze %dma_start3A_47 : memref<1x!tpu.dma_semaphore, #tpu.memory_space<semaphore_mem>> -> memref<!tpu.dma_semaphore, #tpu.memory_space<semaphore_mem>>
    tpu.enqueue_indirect_dma source(%dma_start3A_46 : memref<1000000x64xf32, #tpu.memory_space<hbm>>) target(%dma_start3A_40 : memref<128x64xf32, #tpu.memory_space<vmem>>) offsets(%dma_start3A_43 : memref<128xi32, #tpu.memory_space<vmem>>) semaphore(%dma_start3A_48 : memref<!tpu.dma_semaphore, #tpu.memory_space<semaphore_mem>>)
    %dma_start3A_49 = arith.constant 3 : i32
    %dma_start3A_50 = arith.constant 3 : i32
    %dma_start3A_51 = arith.constant 3 : i32
    %dma_start3A_52 = arith.constant 0 : i32
    %dma_start3A_53 = arith.constant 0 : i32
    %dma_start3A_54 = tpu.memref_slice %arg6[%dma_start3A_50, %dma_start3A_52, %dma_start3A_53] : memref<10x128x64xf32, #tpu.memory_space<vmem>> -> memref<1x128x64xf32, #tpu.memory_space<vmem>>
    %dma_start3A_55 = tpu.memref_squeeze %dma_start3A_54 : memref<1x128x64xf32, #tpu.memory_space<vmem>> -> memref<128x64xf32, #tpu.memory_space<vmem>>
    %dma_start3A_56 = arith.constant 0 : i32
    %dma_start3A_57 = tpu.memref_slice %arg5[%dma_start3A_49, %dma_start3A_56] : memref<200x128xi32, #tpu.memory_space<vmem>> -> memref<1x128xi32, #tpu.memory_space<vmem>>
    %dma_start3A_58 = tpu.memref_squeeze %dma_start3A_57 : memref<1x128xi32, #tpu.memory_space<vmem>> -> memref<128xi32, #tpu.memory_space<vmem>>
    %dma_start3A_59 = arith.constant 0 : i32
    %dma_start3A_60 = arith.constant 0 : i32
    %dma_start3A_61 = tpu.memref_slice %arg2[%dma_start3A_59, %dma_start3A_60] : memref<1000000x64xf32, #tpu.memory_space<hbm>> -> memref<1000000x64xf32, #tpu.memory_space<hbm>>
    %dma_start3A_62 = tpu.memref_slice %arg7[%dma_start3A_51] : memref<10x!tpu.dma_semaphore, #tpu.memory_space<semaphore_mem>> -> memref<1x!tpu.dma_semaphore, #tpu.memory_space<semaphore_mem>>
    %dma_start3A_63 = tpu.memref_squeeze %dma_start3A_62 : memref<1x!tpu.dma_semaphore, #tpu.memory_space<semaphore_mem>> -> memref<!tpu.dma_semaphore, #tpu.memory_space<semaphore_mem>>
    tpu.enqueue_indirect_dma source(%dma_start3A_61 : memref<1000000x64xf32, #tpu.memory_space<hbm>>) target(%dma_start3A_55 : memref<128x64xf32, #tpu.memory_space<vmem>>) offsets(%dma_start3A_58 : memref<128xi32, #tpu.memory_space<vmem>>) semaphore(%dma_start3A_63 : memref<!tpu.dma_semaphore, #tpu.memory_space<semaphore_mem>>)
    %dma_start3A_64 = arith.constant 4 : i32
    %dma_start3A_65 = arith.constant 4 : i32
    %dma_start3A_66 = arith.constant 4 : i32
    %dma_start3A_67 = arith.constant 0 : i32
    %dma_start3A_68 = arith.constant 0 : i32
    %dma_start3A_69 = tpu.memref_slice %arg6[%dma_start3A_65, %dma_start3A_67, %dma_start3A_68] : memref<10x128x64xf32, #tpu.memory_space<vmem>> -> memref<1x128x64xf32, #tpu.memory_space<vmem>>
    %dma_start3A_70 = tpu.memref_squeeze %dma_start3A_69 : memref<1x128x64xf32, #tpu.memory_space<vmem>> -> memref<128x64xf32, #tpu.memory_space<vmem>>
    %dma_start3A_71 = arith.constant 0 : i32
    %dma_start3A_72 = tpu.memref_slice %arg5[%dma_start3A_64, %dma_start3A_71] : memref<200x128xi32, #tpu.memory_space<vmem>> -> memref<1x128xi32, #tpu.memory_space<vmem>>
    %dma_start3A_73 = tpu.memref_squeeze %dma_start3A_72 : memref<1x128xi32, #tpu.memory_space<vmem>> -> memref<128xi32, #tpu.memory_space<vmem>>
    %dma_start3A_74 = arith.constant 0 : i32
    %dma_start3A_75 = arith.constant 0 : i32
    %dma_start3A_76 = tpu.memref_slice %arg2[%dma_start3A_74, %dma_start3A_75] : memref<1000000x64xf32, #tpu.memory_space<hbm>> -> memref<1000000x64xf32, #tpu.memory_space<hbm>>
    %dma_start3A_77 = tpu.memref_slice %arg7[%dma_start3A_66] : memref<10x!tpu.dma_semaphore, #tpu.memory_space<semaphore_mem>> -> memref<1x!tpu.dma_semaphore, #tpu.memory_space<semaphore_mem>>
    %dma_start3A_78 = tpu.memref_squeeze %dma_start3A_77 : memref<1x!tpu.dma_semaphore, #tpu.memory_space<semaphore_mem>> -> memref<!tpu.dma_semaphore, #tpu.memory_space<semaphore_mem>>
    tpu.enqueue_indirect_dma source(%dma_start3A_76 : memref<1000000x64xf32, #tpu.memory_space<hbm>>) target(%dma_start3A_70 : memref<128x64xf32, #tpu.memory_space<vmem>>) offsets(%dma_start3A_73 : memref<128xi32, #tpu.memory_space<vmem>>) semaphore(%dma_start3A_78 : memref<!tpu.dma_semaphore, #tpu.memory_space<semaphore_mem>>)
    %dma_start3A_79 = arith.constant 5 : i32
    %dma_start3A_80 = arith.constant 5 : i32
    %dma_start3A_81 = arith.constant 5 : i32
    %dma_start3A_82 = arith.constant 0 : i32
    %dma_start3A_83 = arith.constant 0 : i32
    %dma_start3A_84 = tpu.memref_slice %arg6[%dma_start3A_80, %dma_start3A_82, %dma_start3A_83] : memref<10x128x64xf32, #tpu.memory_space<vmem>> -> memref<1x128x64xf32, #tpu.memory_space<vmem>>
    %dma_start3A_85 = tpu.memref_squeeze %dma_start3A_84 : memref<1x128x64xf32, #tpu.memory_space<vmem>> -> memref<128x64xf32, #tpu.memory_space<vmem>>
    %dma_start3A_86 = arith.constant 0 : i32
    %dma_start3A_87 = tpu.memref_slice %arg5[%dma_start3A_79, %dma_start3A_86] : memref<200x128xi32, #tpu.memory_space<vmem>> -> memref<1x128xi32, #tpu.memory_space<vmem>>
    %dma_start3A_88 = tpu.memref_squeeze %dma_start3A_87 : memref<1x128xi32, #tpu.memory_space<vmem>> -> memref<128xi32, #tpu.memory_space<vmem>>
    %dma_start3A_89 = arith.constant 0 : i32
    %dma_start3A_90 = arith.constant 0 : i32
    %dma_start3A_91 = tpu.memref_slice %arg2[%dma_start3A_89, %dma_start3A_90] : memref<1000000x64xf32, #tpu.memory_space<hbm>> -> memref<1000000x64xf32, #tpu.memory_space<hbm>>
    %dma_start3A_92 = tpu.memref_slice %arg7[%dma_start3A_81] : memref<10x!tpu.dma_semaphore, #tpu.memory_space<semaphore_mem>> -> memref<1x!tpu.dma_semaphore, #tpu.memory_space<semaphore_mem>>
    %dma_start3A_93 = tpu.memref_squeeze %dma_start3A_92 : memref<1x!tpu.dma_semaphore, #tpu.memory_space<semaphore_mem>> -> memref<!tpu.dma_semaphore, #tpu.memory_space<semaphore_mem>>
    tpu.enqueue_indirect_dma source(%dma_start3A_91 : memref<1000000x64xf32, #tpu.memory_space<hbm>>) target(%dma_start3A_85 : memref<128x64xf32, #tpu.memory_space<vmem>>) offsets(%dma_start3A_88 : memref<128xi32, #tpu.memory_space<vmem>>) semaphore(%dma_start3A_93 : memref<!tpu.dma_semaphore, #tpu.memory_space<semaphore_mem>>)
    %dma_start3A_94 = arith.constant 6 : i32
    %dma_start3A_95 = arith.constant 6 : i32
    %dma_start3A_96 = arith.constant 6 : i32
    %dma_start3A_97 = arith.constant 0 : i32
    %dma_start3A_98 = arith.constant 0 : i32
    %dma_start3A_99 = tpu.memref_slice %arg6[%dma_start3A_95, %dma_start3A_97, %dma_start3A_98] : memref<10x128x64xf32, #tpu.memory_space<vmem>> -> memref<1x128x64xf32, #tpu.memory_space<vmem>>
    %dma_start3A_100 = tpu.memref_squeeze %dma_start3A_99 : memref<1x128x64xf32, #tpu.memory_space<vmem>> -> memref<128x64xf32, #tpu.memory_space<vmem>>
    %dma_start3A_101 = arith.constant 0 : i32
    %dma_start3A_102 = tpu.memref_slice %arg5[%dma_start3A_94, %dma_start3A_101] : memref<200x128xi32, #tpu.memory_space<vmem>> -> memref<1x128xi32, #tpu.memory_space<vmem>>
    %dma_start3A_103 = tpu.memref_squeeze %dma_start3A_102 : memref<1x128xi32, #tpu.memory_space<vmem>> -> memref<128xi32, #tpu.memory_space<vmem>>
    %dma_start3A_104 = arith.constant 0 : i32
    %dma_start3A_105 = arith.constant 0 : i32
    %dma_start3A_106 = tpu.memref_slice %arg2[%dma_start3A_104, %dma_start3A_105] : memref<1000000x64xf32, #tpu.memory_space<hbm>> -> memref<1000000x64xf32, #tpu.memory_space<hbm>>
    %dma_start3A_107 = tpu.memref_slice %arg7[%dma_start3A_96] : memref<10x!tpu.dma_semaphore, #tpu.memory_space<semaphore_mem>> -> memref<1x!tpu.dma_semaphore, #tpu.memory_space<semaphore_mem>>
    %dma_start3A_108 = tpu.memref_squeeze %dma_start3A_107 : memref<1x!tpu.dma_semaphore, #tpu.memory_space<semaphore_mem>> -> memref<!tpu.dma_semaphore, #tpu.memory_space<semaphore_mem>>
    tpu.enqueue_indirect_dma source(%dma_start3A_106 : memref<1000000x64xf32, #tpu.memory_space<hbm>>) target(%dma_start3A_100 : memref<128x64xf32, #tpu.memory_space<vmem>>) offsets(%dma_start3A_103 : memref<128xi32, #tpu.memory_space<vmem>>) semaphore(%dma_start3A_108 : memref<!tpu.dma_semaphore, #tpu.memory_space<semaphore_mem>>)
    %dma_start3A_109 = arith.constant 7 : i32
    %dma_start3A_110 = arith.constant 7 : i32
    %dma_start3A_111 = arith.constant 7 : i32
    %dma_start3A_112 = arith.constant 0 : i32
    %dma_start3A_113 = arith.constant 0 : i32
    %dma_start3A_114 = tpu.memref_slice %arg6[%dma_start3A_110, %dma_start3A_112, %dma_start3A_113] : memref<10x128x64xf32, #tpu.memory_space<vmem>> -> memref<1x128x64xf32, #tpu.memory_space<vmem>>
    %dma_start3A_115 = tpu.memref_squeeze %dma_start3A_114 : memref<1x128x64xf32, #tpu.memory_space<vmem>> -> memref<128x64xf32, #tpu.memory_space<vmem>>
    %dma_start3A_116 = arith.constant 0 : i32
    %dma_start3A_117 = tpu.memref_slice %arg5[%dma_start3A_109, %dma_start3A_116] : memref<200x128xi32, #tpu.memory_space<vmem>> -> memref<1x128xi32, #tpu.memory_space<vmem>>
    %dma_start3A_118 = tpu.memref_squeeze %dma_start3A_117 : memref<1x128xi32, #tpu.memory_space<vmem>> -> memref<128xi32, #tpu.memory_space<vmem>>
    %dma_start3A_119 = arith.constant 0 : i32
    %dma_start3A_120 = arith.constant 0 : i32
    %dma_start3A_121 = tpu.memref_slice %arg2[%dma_start3A_119, %dma_start3A_120] : memref<1000000x64xf32, #tpu.memory_space<hbm>> -> memref<1000000x64xf32, #tpu.memory_space<hbm>>
    %dma_start3A_122 = tpu.memref_slice %arg7[%dma_start3A_111] : memref<10x!tpu.dma_semaphore, #tpu.memory_space<semaphore_mem>> -> memref<1x!tpu.dma_semaphore, #tpu.memory_space<semaphore_mem>>
    %dma_start3A_123 = tpu.memref_squeeze %dma_start3A_122 : memref<1x!tpu.dma_semaphore, #tpu.memory_space<semaphore_mem>> -> memref<!tpu.dma_semaphore, #tpu.memory_space<semaphore_mem>>
    tpu.enqueue_indirect_dma source(%dma_start3A_121 : memref<1000000x64xf32, #tpu.memory_space<hbm>>) target(%dma_start3A_115 : memref<128x64xf32, #tpu.memory_space<vmem>>) offsets(%dma_start3A_118 : memref<128xi32, #tpu.memory_space<vmem>>) semaphore(%dma_start3A_123 : memref<!tpu.dma_semaphore, #tpu.memory_space<semaphore_mem>>)
    %dma_start3A_124 = arith.constant 8 : i32
    %dma_start3A_125 = arith.constant 8 : i32
    %dma_start3A_126 = arith.constant 8 : i32
    %dma_start3A_127 = arith.constant 0 : i32
    %dma_start3A_128 = arith.constant 0 : i32
    %dma_start3A_129 = tpu.memref_slice %arg6[%dma_start3A_125, %dma_start3A_127, %dma_start3A_128] : memref<10x128x64xf32, #tpu.memory_space<vmem>> -> memref<1x128x64xf32, #tpu.memory_space<vmem>>
    %dma_start3A_130 = tpu.memref_squeeze %dma_start3A_129 : memref<1x128x64xf32, #tpu.memory_space<vmem>> -> memref<128x64xf32, #tpu.memory_space<vmem>>
    %dma_start3A_131 = arith.constant 0 : i32
    %dma_start3A_132 = tpu.memref_slice %arg5[%dma_start3A_124, %dma_start3A_131] : memref<200x128xi32, #tpu.memory_space<vmem>> -> memref<1x128xi32, #tpu.memory_space<vmem>>
    %dma_start3A_133 = tpu.memref_squeeze %dma_start3A_132 : memref<1x128xi32, #tpu.memory_space<vmem>> -> memref<128xi32, #tpu.memory_space<vmem>>
    %dma_start3A_134 = arith.constant 0 : i32
    %dma_start3A_135 = arith.constant 0 : i32
    %dma_start3A_136 = tpu.memref_slice %arg2[%dma_start3A_134, %dma_start3A_135] : memref<1000000x64xf32, #tpu.memory_space<hbm>> -> memref<1000000x64xf32, #tpu.memory_space<hbm>>
    %dma_start3A_137 = tpu.memref_slice %arg7[%dma_start3A_126] : memref<10x!tpu.dma_semaphore, #tpu.memory_space<semaphore_mem>> -> memref<1x!tpu.dma_semaphore, #tpu.memory_space<semaphore_mem>>
    %dma_start3A_138 = tpu.memref_squeeze %dma_start3A_137 : memref<1x!tpu.dma_semaphore, #tpu.memory_space<semaphore_mem>> -> memref<!tpu.dma_semaphore, #tpu.memory_space<semaphore_mem>>
    tpu.enqueue_indirect_dma source(%dma_start3A_136 : memref<1000000x64xf32, #tpu.memory_space<hbm>>) target(%dma_start3A_130 : memref<128x64xf32, #tpu.memory_space<vmem>>) offsets(%dma_start3A_133 : memref<128xi32, #tpu.memory_space<vmem>>) semaphore(%dma_start3A_138 : memref<!tpu.dma_semaphore, #tpu.memory_space<semaphore_mem>>)
    %dma_wait3A = arith.constant 0 : i32
    %dma_wait3A_139 = arith.constant 0 : i32
    %dma_wait3A_140 = arith.constant 0 : i32
    %dma_wait3A_141 = arith.constant 0 : i32
    %dma_wait3A_142 = arith.constant 0 : i32
    %dma_wait3A_143 = tpu.memref_slice %arg6[%dma_wait3A_139, %dma_wait3A_141, %dma_wait3A_142] : memref<10x128x64xf32, #tpu.memory_space<vmem>> -> memref<1x128x64xf32, #tpu.memory_space<vmem>>
    %dma_wait3A_144 = tpu.memref_squeeze %dma_wait3A_143 : memref<1x128x64xf32, #tpu.memory_space<vmem>> -> memref<128x64xf32, #tpu.memory_space<vmem>>
    %dma_wait3A_145 = arith.constant 0 : i32
    %dma_wait3A_146 = tpu.memref_slice %arg5[%dma_wait3A, %dma_wait3A_145] : memref<200x128xi32, #tpu.memory_space<vmem>> -> memref<1x128xi32, #tpu.memory_space<vmem>>
    %dma_wait3A_147 = tpu.memref_squeeze %dma_wait3A_146 : memref<1x128xi32, #tpu.memory_space<vmem>> -> memref<128xi32, #tpu.memory_space<vmem>>
    %dma_wait3A_148 = arith.constant 0 : i32
    %dma_wait3A_149 = arith.constant 0 : i32
    %dma_wait3A_150 = tpu.memref_slice %arg2[%dma_wait3A_148, %dma_wait3A_149] : memref<1000000x64xf32, #tpu.memory_space<hbm>> -> memref<1000000x64xf32, #tpu.memory_space<hbm>>
    %dma_wait3A_151 = tpu.memref_slice %arg7[%dma_wait3A_140] : memref<10x!tpu.dma_semaphore, #tpu.memory_space<semaphore_mem>> -> memref<1x!tpu.dma_semaphore, #tpu.memory_space<semaphore_mem>>
    %dma_wait3A_152 = tpu.memref_squeeze %dma_wait3A_151 : memref<1x!tpu.dma_semaphore, #tpu.memory_space<semaphore_mem>> -> memref<!tpu.dma_semaphore, #tpu.memory_space<semaphore_mem>>
    tpu.wait_indirect_dma semaphore(%dma_wait3A_152 : memref<!tpu.dma_semaphore, #tpu.memory_space<semaphore_mem>>) src(%dma_wait3A_150 : memref<1000000x64xf32, #tpu.memory_space<hbm>>) dst(%dma_wait3A_144 : memref<128x64xf32, #tpu.memory_space<vmem>>)
    %add3A_153 = arith.constant 0 : i32
    %add3A_154 = arith.addi %mul3A_4, %add3A_153 : i32
    %dma_start3A_155 = arith.constant 0 : i32
    %dma_start3A_156 = arith.constant 0 : i32
    %dma_start3A_157 = arith.constant 0 : i32
    %dma_start3A_158 = arith.constant 0 : i32
    %dma_start3A_159 = tpu.memref_slice %arg6[%dma_start3A_155, %dma_start3A_157, %dma_start3A_158] : memref<10x128x64xf32, #tpu.memory_space<vmem>> -> memref<1x128x64xf32, #tpu.memory_space<vmem>>
    %dma_start3A_160 = tpu.memref_squeeze %dma_start3A_159 : memref<1x128x64xf32, #tpu.memory_space<vmem>> -> memref<128x64xf32, #tpu.memory_space<vmem>>
    %dma_start3A_161 = arith.constant 0 : i32
    %dma_start3A_162 = tpu.memref_slice %arg4[%add3A_154, %dma_start3A_161] : memref<819200x64xf32, #tpu.memory_space<hbm>> -> memref<128x64xf32, #tpu.memory_space<hbm>>
    %dma_start3A_163 = tpu.memref_slice %arg8[%dma_start3A_156] : memref<10x!tpu.dma_semaphore, #tpu.memory_space<semaphore_mem>> -> memref<1x!tpu.dma_semaphore, #tpu.memory_space<semaphore_mem>>
    %dma_start3A_164 = tpu.memref_squeeze %dma_start3A_163 : memref<1x!tpu.dma_semaphore, #tpu.memory_space<semaphore_mem>> -> memref<!tpu.dma_semaphore, #tpu.memory_space<semaphore_mem>>
    %dma_start3A_165 = arith.constant 0 : i32
    %dma_start3A_166 = tpu.memref_slice %arg4[%add3A_154, %dma_start3A_165] : memref<819200x64xf32, #tpu.memory_space<hbm>> -> memref<128x64xf32, #tpu.memory_space<hbm>>
    %dma_start3A_167 = arith.constant 0 : i32
    %dma_start3A_168 = arith.constant 0 : i32
    %dma_start3A_169 = tpu.memref_slice %arg6[%dma_start3A_155, %dma_start3A_167, %dma_start3A_168] : memref<10x128x64xf32, #tpu.memory_space<vmem>> -> memref<1x128x64xf32, #tpu.memory_space<vmem>>
    %dma_start3A_170 = tpu.memref_squeeze %dma_start3A_169 : memref<1x128x64xf32, #tpu.memory_space<vmem>> -> memref<128x64xf32, #tpu.memory_space<vmem>>
    tpu.enqueue_dma source(%dma_start3A_170 : memref<128x64xf32, #tpu.memory_space<vmem>>) target(%dma_start3A_166 : memref<128x64xf32, #tpu.memory_space<hbm>>) target_semaphore(%dma_start3A_164 : memref<!tpu.dma_semaphore, #tpu.memory_space<semaphore_mem>>)
    %dma_start3A_171 = arith.constant 9 : i32
    %dma_start3A_172 = arith.constant 9 : i32
    %dma_start3A_173 = arith.constant 9 : i32
    %dma_start3A_174 = arith.constant 0 : i32
    %dma_start3A_175 = arith.constant 0 : i32
    %dma_start3A_176 = tpu.memref_slice %arg6[%dma_start3A_172, %dma_start3A_174, %dma_start3A_175] : memref<10x128x64xf32, #tpu.memory_space<vmem>> -> memref<1x128x64xf32, #tpu.memory_space<vmem>>
    %dma_start3A_177 = tpu.memref_squeeze %dma_start3A_176 : memref<1x128x64xf32, #tpu.memory_space<vmem>> -> memref<128x64xf32, #tpu.memory_space<vmem>>
    %dma_start3A_178 = arith.constant 0 : i32
    %dma_start3A_179 = tpu.memref_slice %arg5[%dma_start3A_171, %dma_start3A_178] : memref<200x128xi32, #tpu.memory_space<vmem>> -> memref<1x128xi32, #tpu.memory_space<vmem>>
    %dma_start3A_180 = tpu.memref_squeeze %dma_start3A_179 : memref<1x128xi32, #tpu.memory_space<vmem>> -> memref<128xi32, #tpu.memory_space<vmem>>
    %dma_start3A_181 = arith.constant 0 : i32
    %dma_start3A_182 = arith.constant 0 : i32
    %dma_start3A_183 = tpu.memref_slice %arg2[%dma_start3A_181, %dma_start3A_182] : memref<1000000x64xf32, #tpu.memory_space<hbm>> -> memref<1000000x64xf32, #tpu.memory_space<hbm>>
    %dma_start3A_184 = tpu.memref_slice %arg7[%dma_start3A_173] : memref<10x!tpu.dma_semaphore, #tpu.memory_space<semaphore_mem>> -> memref<1x!tpu.dma_semaphore, #tpu.memory_space<semaphore_mem>>
    %dma_start3A_185 = tpu.memref_squeeze %dma_start3A_184 : memref<1x!tpu.dma_semaphore, #tpu.memory_space<semaphore_mem>> -> memref<!tpu.dma_semaphore, #tpu.memory_space<semaphore_mem>>
    tpu.enqueue_indirect_dma source(%dma_start3A_183 : memref<1000000x64xf32, #tpu.memory_space<hbm>>) target(%dma_start3A_177 : memref<128x64xf32, #tpu.memory_space<vmem>>) offsets(%dma_start3A_180 : memref<128xi32, #tpu.memory_space<vmem>>) semaphore(%dma_start3A_185 : memref<!tpu.dma_semaphore, #tpu.memory_space<semaphore_mem>>)
    %dma_wait3A_186 = arith.constant 1 : i32
    %dma_wait3A_187 = arith.constant 1 : i32
    %dma_wait3A_188 = arith.constant 1 : i32
    %dma_wait3A_189 = arith.constant 0 : i32
    %dma_wait3A_190 = arith.constant 0 : i32
    %dma_wait3A_191 = tpu.memref_slice %arg6[%dma_wait3A_187, %dma_wait3A_189, %dma_wait3A_190] : memref<10x128x64xf32, #tpu.memory_space<vmem>> -> memref<1x128x64xf32, #tpu.memory_space<vmem>>
    %dma_wait3A_192 = tpu.memref_squeeze %dma_wait3A_191 : memref<1x128x64xf32, #tpu.memory_space<vmem>> -> memref<128x64xf32, #tpu.memory_space<vmem>>
    %dma_wait3A_193 = arith.constant 0 : i32
    %dma_wait3A_194 = tpu.memref_slice %arg5[%dma_wait3A_186, %dma_wait3A_193] : memref<200x128xi32, #tpu.memory_space<vmem>> -> memref<1x128xi32, #tpu.memory_space<vmem>>
    %dma_wait3A_195 = tpu.memref_squeeze %dma_wait3A_194 : memref<1x128xi32, #tpu.memory_space<vmem>> -> memref<128xi32, #tpu.memory_space<vmem>>
    %dma_wait3A_196 = arith.constant 0 : i32
    %dma_wait3A_197 = arith.constant 0 : i32
    %dma_wait3A_198 = tpu.memref_slice %arg2[%dma_wait3A_196, %dma_wait3A_197] : memref<1000000x64xf32, #tpu.memory_space<hbm>> -> memref<1000000x64xf32, #tpu.memory_space<hbm>>
    %dma_wait3A_199 = tpu.memref_slice %arg7[%dma_wait3A_188] : memref<10x!tpu.dma_semaphore, #tpu.memory_space<semaphore_mem>> -> memref<1x!tpu.dma_semaphore, #tpu.memory_space<semaphore_mem>>
    %dma_wait3A_200 = tpu.memref_squeeze %dma_wait3A_199 : memref<1x!tpu.dma_semaphore, #tpu.memory_space<semaphore_mem>> -> memref<!tpu.dma_semaphore, #tpu.memory_space<semaphore_mem>>
    tpu.wait_indirect_dma semaphore(%dma_wait3A_200 : memref<!tpu.dma_semaphore, #tpu.memory_space<semaphore_mem>>) src(%dma_wait3A_198 : memref<1000000x64xf32, #tpu.memory_space<hbm>>) dst(%dma_wait3A_192 : memref<128x64xf32, #tpu.memory_space<vmem>>)
    %add3A_201 = arith.constant 128 : i32
    %add3A_202 = arith.addi %mul3A_4, %add3A_201 : i32
    %dma_start3A_203 = arith.constant 1 : i32
    %dma_start3A_204 = arith.constant 1 : i32
    %dma_start3A_205 = arith.constant 0 : i32
    %dma_start3A_206 = arith.constant 0 : i32
    %dma_start3A_207 = tpu.memref_slice %arg6[%dma_start3A_203, %dma_start3A_205, %dma_start3A_206] : memref<10x128x64xf32, #tpu.memory_space<vmem>> -> memref<1x128x64xf32, #tpu.memory_space<vmem>>
    %dma_start3A_208 = tpu.memref_squeeze %dma_start3A_207 : memref<1x128x64xf32, #tpu.memory_space<vmem>> -> memref<128x64xf32, #tpu.memory_space<vmem>>
    %dma_start3A_209 = arith.constant 0 : i32
    %dma_start3A_210 = tpu.memref_slice %arg4[%add3A_202, %dma_start3A_209] : memref<819200x64xf32, #tpu.memory_space<hbm>> -> memref<128x64xf32, #tpu.memory_space<hbm>>
    %dma_start3A_211 = tpu.memref_slice %arg8[%dma_start3A_204] : memref<10x!tpu.dma_semaphore, #tpu.memory_space<semaphore_mem>> -> memref<1x!tpu.dma_semaphore, #tpu.memory_space<semaphore_mem>>
    %dma_start3A_212 = tpu.memref_squeeze %dma_start3A_211 : memref<1x!tpu.dma_semaphore, #tpu.memory_space<semaphore_mem>> -> memref<!tpu.dma_semaphore, #tpu.memory_space<semaphore_mem>>
    %dma_start3A_213 = arith.constant 0 : i32
    %dma_start3A_214 = tpu.memref_slice %arg4[%add3A_202, %dma_start3A_213] : memref<819200x64xf32, #tpu.memory_space<hbm>> -> memref<128x64xf32, #tpu.memory_space<hbm>>
    %dma_start3A_215 = arith.constant 0 : i32
    %dma_start3A_216 = arith.constant 0 : i32
    %dma_start3A_217 = tpu.memref_slice %arg6[%dma_start3A_203, %dma_start3A_215, %dma_start3A_216] : memref<10x128x64xf32, #tpu.memory_space<vmem>> -> memref<1x128x64xf32, #tpu.memory_space<vmem>>
    %dma_start3A_218 = tpu.memref_squeeze %dma_start3A_217 : memref<1x128x64xf32, #tpu.memory_space<vmem>> -> memref<128x64xf32, #tpu.memory_space<vmem>>
    tpu.enqueue_dma source(%dma_start3A_218 : memref<128x64xf32, #tpu.memory_space<vmem>>) target(%dma_start3A_214 : memref<128x64xf32, #tpu.memory_space<hbm>>) target_semaphore(%dma_start3A_212 : memref<!tpu.dma_semaphore, #tpu.memory_space<semaphore_mem>>)
    %scan3A = arith.constant 0 : i32
    %scan3A_219 = arith.constant 19 : i32
    %scan3A_220 = arith.addi %scan3A, %scan3A_219 : i32
    %scan3A_221 = arith.constant 1 : i32
    scf.for %scan3A_667 = %scan3A to %scan3A_220 step %scan3A_221  : i32 {
      %mul3A_668 = arith.constant 1 : i32
      %mul3A_669 = arith.muli %scan3A_667, %mul3A_668 : i32
      %add3A_670 = arith.constant 1 : i32
      %add3A_671 = arith.addi %add3A_670, %mul3A_669 : i32
      %mul3A_672 = arith.constant 10 : i32
      %mul3A_673 = arith.muli %add3A_671, %mul3A_672 : i32
      %add3A_674 = arith.constant 0 : i32
      %add3A_675 = arith.addi %mul3A_673, %add3A_674 : i32
      %sub3A = arith.constant 10 : i32
      %sub3A_676 = arith.subi %add3A_675, %sub3A : i32
      %mul3A_677 = arith.constant 128 : i32
      %mul3A_678 = arith.muli %sub3A_676, %mul3A_677 : i32
      %add3A_679 = arith.addi %mul3A_4, %mul3A_678 : i32
      %dma_wait3A_680 = arith.constant 0 : i32
      %dma_wait3A_681 = arith.constant 0 : i32
      %dma_wait3A_682 = arith.constant 0 : i32
      %dma_wait3A_683 = arith.constant 0 : i32
      %dma_wait3A_684 = tpu.memref_slice %arg6[%dma_wait3A_680, %dma_wait3A_682, %dma_wait3A_683] : memref<10x128x64xf32, #tpu.memory_space<vmem>> -> memref<1x128x64xf32, #tpu.memory_space<vmem>>
      %dma_wait3A_685 = tpu.memref_squeeze %dma_wait3A_684 : memref<1x128x64xf32, #tpu.memory_space<vmem>> -> memref<128x64xf32, #tpu.memory_space<vmem>>
      %dma_wait3A_686 = arith.constant 0 : i32
      %dma_wait3A_687 = tpu.memref_slice %arg4[%add3A_679, %dma_wait3A_686] : memref<819200x64xf32, #tpu.memory_space<hbm>> -> memref<128x64xf32, #tpu.memory_space<hbm>>
      %dma_wait3A_688 = tpu.memref_slice %arg8[%dma_wait3A_681] : memref<10x!tpu.dma_semaphore, #tpu.memory_space<semaphore_mem>> -> memref<1x!tpu.dma_semaphore, #tpu.memory_space<semaphore_mem>>
      %dma_wait3A_689 = tpu.memref_squeeze %dma_wait3A_688 : memref<1x!tpu.dma_semaphore, #tpu.memory_space<semaphore_mem>> -> memref<!tpu.dma_semaphore, #tpu.memory_space<semaphore_mem>>
      %dma_wait3A_690 = arith.constant 0 : i32
      %dma_wait3A_691 = tpu.memref_slice %arg4[%add3A_679, %dma_wait3A_690] : memref<819200x64xf32, #tpu.memory_space<hbm>> -> memref<128x64xf32, #tpu.memory_space<hbm>>
      %dma_wait3A_692 = arith.constant 0 : i32
      %dma_wait3A_693 = arith.constant 0 : i32
      %dma_wait3A_694 = tpu.memref_slice %arg6[%dma_wait3A_680, %dma_wait3A_692, %dma_wait3A_693] : memref<10x128x64xf32, #tpu.memory_space<vmem>> -> memref<1x128x64xf32, #tpu.memory_space<vmem>>
      %dma_wait3A_695 = tpu.memref_squeeze %dma_wait3A_694 : memref<1x128x64xf32, #tpu.memory_space<vmem>> -> memref<128x64xf32, #tpu.memory_space<vmem>>
      tpu.wait_dma2 semaphore(%dma_wait3A_689 : memref<!tpu.dma_semaphore, #tpu.memory_space<semaphore_mem>>) src(%dma_wait3A_695 : memref<128x64xf32, #tpu.memory_space<vmem>>) dst(%dma_wait3A_691 : memref<128x64xf32, #tpu.memory_space<hbm>>)
      %dma_start3A_696 = arith.constant 0 : i32
      %dma_start3A_697 = arith.constant 0 : i32
      %dma_start3A_698 = arith.constant 0 : i32
      %dma_start3A_699 = arith.constant 0 : i32
      %dma_start3A_700 = tpu.memref_slice %arg6[%dma_start3A_696, %dma_start3A_698, %dma_start3A_699] : memref<10x128x64xf32, #tpu.memory_space<vmem>> -> memref<1x128x64xf32, #tpu.memory_space<vmem>>
      %dma_start3A_701 = tpu.memref_squeeze %dma_start3A_700 : memref<1x128x64xf32, #tpu.memory_space<vmem>> -> memref<128x64xf32, #tpu.memory_space<vmem>>
      %dma_start3A_702 = arith.constant 0 : i32
      %dma_start3A_703 = tpu.memref_slice %arg5[%add3A_675, %dma_start3A_702] : memref<200x128xi32, #tpu.memory_space<vmem>> -> memref<1x128xi32, #tpu.memory_space<vmem>>
      %dma_start3A_704 = tpu.memref_squeeze %dma_start3A_703 : memref<1x128xi32, #tpu.memory_space<vmem>> -> memref<128xi32, #tpu.memory_space<vmem>>
      %dma_start3A_705 = arith.constant 0 : i32
      %dma_start3A_706 = arith.constant 0 : i32
      %dma_start3A_707 = tpu.memref_slice %arg2[%dma_start3A_705, %dma_start3A_706] : memref<1000000x64xf32, #tpu.memory_space<hbm>> -> memref<1000000x64xf32, #tpu.memory_space<hbm>>
      %dma_start3A_708 = tpu.memref_slice %arg7[%dma_start3A_697] : memref<10x!tpu.dma_semaphore, #tpu.memory_space<semaphore_mem>> -> memref<1x!tpu.dma_semaphore, #tpu.memory_space<semaphore_mem>>
      %dma_start3A_709 = tpu.memref_squeeze %dma_start3A_708 : memref<1x!tpu.dma_semaphore, #tpu.memory_space<semaphore_mem>> -> memref<!tpu.dma_semaphore, #tpu.memory_space<semaphore_mem>>
      tpu.enqueue_indirect_dma source(%dma_start3A_707 : memref<1000000x64xf32, #tpu.memory_space<hbm>>) target(%dma_start3A_701 : memref<128x64xf32, #tpu.memory_space<vmem>>) offsets(%dma_start3A_704 : memref<128xi32, #tpu.memory_space<vmem>>) semaphore(%dma_start3A_709 : memref<!tpu.dma_semaphore, #tpu.memory_space<semaphore_mem>>)
      %sub3A_710 = arith.constant 8 : i32
      %sub3A_711 = arith.subi %add3A_675, %sub3A_710 : i32
      %dma_wait3A_712 = arith.constant 2 : i32
      %dma_wait3A_713 = arith.constant 2 : i32
      %dma_wait3A_714 = arith.constant 0 : i32
      %dma_wait3A_715 = arith.constant 0 : i32
      %dma_wait3A_716 = tpu.memref_slice %arg6[%dma_wait3A_712, %dma_wait3A_714, %dma_wait3A_715] : memref<10x128x64xf32, #tpu.memory_space<vmem>> -> memref<1x128x64xf32, #tpu.memory_space<vmem>>
      %dma_wait3A_717 = tpu.memref_squeeze %dma_wait3A_716 : memref<1x128x64xf32, #tpu.memory_space<vmem>> -> memref<128x64xf32, #tpu.memory_space<vmem>>
      %dma_wait3A_718 = arith.constant 0 : i32
      %dma_wait3A_719 = tpu.memref_slice %arg5[%sub3A_711, %dma_wait3A_718] : memref<200x128xi32, #tpu.memory_space<vmem>> -> memref<1x128xi32, #tpu.memory_space<vmem>>
      %dma_wait3A_720 = tpu.memref_squeeze %dma_wait3A_719 : memref<1x128xi32, #tpu.memory_space<vmem>> -> memref<128xi32, #tpu.memory_space<vmem>>
      %dma_wait3A_721 = arith.constant 0 : i32
      %dma_wait3A_722 = arith.constant 0 : i32
      %dma_wait3A_723 = tpu.memref_slice %arg2[%dma_wait3A_721, %dma_wait3A_722] : memref<1000000x64xf32, #tpu.memory_space<hbm>> -> memref<1000000x64xf32, #tpu.memory_space<hbm>>
      %dma_wait3A_724 = tpu.memref_slice %arg7[%dma_wait3A_713] : memref<10x!tpu.dma_semaphore, #tpu.memory_space<semaphore_mem>> -> memref<1x!tpu.dma_semaphore, #tpu.memory_space<semaphore_mem>>
      %dma_wait3A_725 = tpu.memref_squeeze %dma_wait3A_724 : memref<1x!tpu.dma_semaphore, #tpu.memory_space<semaphore_mem>> -> memref<!tpu.dma_semaphore, #tpu.memory_space<semaphore_mem>>
      tpu.wait_indirect_dma semaphore(%dma_wait3A_725 : memref<!tpu.dma_semaphore, #tpu.memory_space<semaphore_mem>>) src(%dma_wait3A_723 : memref<1000000x64xf32, #tpu.memory_space<hbm>>) dst(%dma_wait3A_717 : memref<128x64xf32, #tpu.memory_space<vmem>>)
      %mul3A_726 = arith.constant 128 : i32
      %mul3A_727 = arith.muli %sub3A_711, %mul3A_726 : i32
      %add3A_728 = arith.addi %mul3A_4, %mul3A_727 : i32
      %dma_start3A_729 = arith.constant 2 : i32
      %dma_start3A_730 = arith.constant 2 : i32
      %dma_start3A_731 = arith.constant 0 : i32
      %dma_start3A_732 = arith.constant 0 : i32
      %dma_start3A_733 = tpu.memref_slice %arg6[%dma_start3A_729, %dma_start3A_731, %dma_start3A_732] : memref<10x128x64xf32, #tpu.memory_space<vmem>> -> memref<1x128x64xf32, #tpu.memory_space<vmem>>
      %dma_start3A_734 = tpu.memref_squeeze %dma_start3A_733 : memref<1x128x64xf32, #tpu.memory_space<vmem>> -> memref<128x64xf32, #tpu.memory_space<vmem>>
      %dma_start3A_735 = arith.constant 0 : i32
      %dma_start3A_736 = tpu.memref_slice %arg4[%add3A_728, %dma_start3A_735] : memref<819200x64xf32, #tpu.memory_space<hbm>> -> memref<128x64xf32, #tpu.memory_space<hbm>>
      %dma_start3A_737 = tpu.memref_slice %arg8[%dma_start3A_730] : memref<10x!tpu.dma_semaphore, #tpu.memory_space<semaphore_mem>> -> memref<1x!tpu.dma_semaphore, #tpu.memory_space<semaphore_mem>>
      %dma_start3A_738 = tpu.memref_squeeze %dma_start3A_737 : memref<1x!tpu.dma_semaphore, #tpu.memory_space<semaphore_mem>> -> memref<!tpu.dma_semaphore, #tpu.memory_space<semaphore_mem>>
      %dma_start3A_739 = arith.constant 0 : i32
      %dma_start3A_740 = tpu.memref_slice %arg4[%add3A_728, %dma_start3A_739] : memref<819200x64xf32, #tpu.memory_space<hbm>> -> memref<128x64xf32, #tpu.memory_space<hbm>>
      %dma_start3A_741 = arith.constant 0 : i32
      %dma_start3A_742 = arith.constant 0 : i32
      %dma_start3A_743 = tpu.memref_slice %arg6[%dma_start3A_729, %dma_start3A_741, %dma_start3A_742] : memref<10x128x64xf32, #tpu.memory_space<vmem>> -> memref<1x128x64xf32, #tpu.memory_space<vmem>>
      %dma_start3A_744 = tpu.memref_squeeze %dma_start3A_743 : memref<1x128x64xf32, #tpu.memory_space<vmem>> -> memref<128x64xf32, #tpu.memory_space<vmem>>
      tpu.enqueue_dma source(%dma_start3A_744 : memref<128x64xf32, #tpu.memory_space<vmem>>) target(%dma_start3A_740 : memref<128x64xf32, #tpu.memory_space<hbm>>) target_semaphore(%dma_start3A_738 : memref<!tpu.dma_semaphore, #tpu.memory_space<semaphore_mem>>)
      %mul3A_745 = arith.constant 10 : i32
      %mul3A_746 = arith.muli %add3A_671, %mul3A_745 : i32
      %add3A_747 = arith.constant 1 : i32
      %add3A_748 = arith.addi %mul3A_746, %add3A_747 : i32
      %sub3A_749 = arith.constant 10 : i32
      %sub3A_750 = arith.subi %add3A_748, %sub3A_749 : i32
      %mul3A_751 = arith.constant 128 : i32
      %mul3A_752 = arith.muli %sub3A_750, %mul3A_751 : i32
      %add3A_753 = arith.addi %mul3A_4, %mul3A_752 : i32
      %dma_wait3A_754 = arith.constant 1 : i32
      %dma_wait3A_755 = arith.constant 1 : i32
      %dma_wait3A_756 = arith.constant 0 : i32
      %dma_wait3A_757 = arith.constant 0 : i32
      %dma_wait3A_758 = tpu.memref_slice %arg6[%dma_wait3A_754, %dma_wait3A_756, %dma_wait3A_757] : memref<10x128x64xf32, #tpu.memory_space<vmem>> -> memref<1x128x64xf32, #tpu.memory_space<vmem>>
      %dma_wait3A_759 = tpu.memref_squeeze %dma_wait3A_758 : memref<1x128x64xf32, #tpu.memory_space<vmem>> -> memref<128x64xf32, #tpu.memory_space<vmem>>
      %dma_wait3A_760 = arith.constant 0 : i32
      %dma_wait3A_761 = tpu.memref_slice %arg4[%add3A_753, %dma_wait3A_760] : memref<819200x64xf32, #tpu.memory_space<hbm>> -> memref<128x64xf32, #tpu.memory_space<hbm>>
      %dma_wait3A_762 = tpu.memref_slice %arg8[%dma_wait3A_755] : memref<10x!tpu.dma_semaphore, #tpu.memory_space<semaphore_mem>> -> memref<1x!tpu.dma_semaphore, #tpu.memory_space<semaphore_mem>>
      %dma_wait3A_763 = tpu.memref_squeeze %dma_wait3A_762 : memref<1x!tpu.dma_semaphore, #tpu.memory_space<semaphore_mem>> -> memref<!tpu.dma_semaphore, #tpu.memory_space<semaphore_mem>>
      %dma_wait3A_764 = arith.constant 0 : i32
      %dma_wait3A_765 = tpu.memref_slice %arg4[%add3A_753, %dma_wait3A_764] : memref<819200x64xf32, #tpu.memory_space<hbm>> -> memref<128x64xf32, #tpu.memory_space<hbm>>
      %dma_wait3A_766 = arith.constant 0 : i32
      %dma_wait3A_767 = arith.constant 0 : i32
      %dma_wait3A_768 = tpu.memref_slice %arg6[%dma_wait3A_754, %dma_wait3A_766, %dma_wait3A_767] : memref<10x128x64xf32, #tpu.memory_space<vmem>> -> memref<1x128x64xf32, #tpu.memory_space<vmem>>
      %dma_wait3A_769 = tpu.memref_squeeze %dma_wait3A_768 : memref<1x128x64xf32, #tpu.memory_space<vmem>> -> memref<128x64xf32, #tpu.memory_space<vmem>>
      tpu.wait_dma2 semaphore(%dma_wait3A_763 : memref<!tpu.dma_semaphore, #tpu.memory_space<semaphore_mem>>) src(%dma_wait3A_769 : memref<128x64xf32, #tpu.memory_space<vmem>>) dst(%dma_wait3A_765 : memref<128x64xf32, #tpu.memory_space<hbm>>)
      %dma_start3A_770 = arith.constant 1 : i32
      %dma_start3A_771 = arith.constant 1 : i32
      %dma_start3A_772 = arith.constant 0 : i32
      %dma_start3A_773 = arith.constant 0 : i32
      %dma_start3A_774 = tpu.memref_slice %arg6[%dma_start3A_770, %dma_start3A_772, %dma_start3A_773] : memref<10x128x64xf32, #tpu.memory_space<vmem>> -> memref<1x128x64xf32, #tpu.memory_space<vmem>>
      %dma_start3A_775 = tpu.memref_squeeze %dma_start3A_774 : memref<1x128x64xf32, #tpu.memory_space<vmem>> -> memref<128x64xf32, #tpu.memory_space<vmem>>
      %dma_start3A_776 = arith.constant 0 : i32
      %dma_start3A_777 = tpu.memref_slice %arg5[%add3A_748, %dma_start3A_776] : memref<200x128xi32, #tpu.memory_space<vmem>> -> memref<1x128xi32, #tpu.memory_space<vmem>>
      %dma_start3A_778 = tpu.memref_squeeze %dma_start3A_777 : memref<1x128xi32, #tpu.memory_space<vmem>> -> memref<128xi32, #tpu.memory_space<vmem>>
      %dma_start3A_779 = arith.constant 0 : i32
      %dma_start3A_780 = arith.constant 0 : i32
      %dma_start3A_781 = tpu.memref_slice %arg2[%dma_start3A_779, %dma_start3A_780] : memref<1000000x64xf32, #tpu.memory_space<hbm>> -> memref<1000000x64xf32, #tpu.memory_space<hbm>>
      %dma_start3A_782 = tpu.memref_slice %arg7[%dma_start3A_771] : memref<10x!tpu.dma_semaphore, #tpu.memory_space<semaphore_mem>> -> memref<1x!tpu.dma_semaphore, #tpu.memory_space<semaphore_mem>>
      %dma_start3A_783 = tpu.memref_squeeze %dma_start3A_782 : memref<1x!tpu.dma_semaphore, #tpu.memory_space<semaphore_mem>> -> memref<!tpu.dma_semaphore, #tpu.memory_space<semaphore_mem>>
      tpu.enqueue_indirect_dma source(%dma_start3A_781 : memref<1000000x64xf32, #tpu.memory_space<hbm>>) target(%dma_start3A_775 : memref<128x64xf32, #tpu.memory_space<vmem>>) offsets(%dma_start3A_778 : memref<128xi32, #tpu.memory_space<vmem>>) semaphore(%dma_start3A_783 : memref<!tpu.dma_semaphore, #tpu.memory_space<semaphore_mem>>)
      %sub3A_784 = arith.constant 8 : i32
      %sub3A_785 = arith.subi %add3A_748, %sub3A_784 : i32
      %dma_wait3A_786 = arith.constant 3 : i32
      %dma_wait3A_787 = arith.constant 3 : i32
      %dma_wait3A_788 = arith.constant 0 : i32
      %dma_wait3A_789 = arith.constant 0 : i32
      %dma_wait3A_790 = tpu.memref_slice %arg6[%dma_wait3A_786, %dma_wait3A_788, %dma_wait3A_789] : memref<10x128x64xf32, #tpu.memory_space<vmem>> -> memref<1x128x64xf32, #tpu.memory_space<vmem>>
      %dma_wait3A_791 = tpu.memref_squeeze %dma_wait3A_790 : memref<1x128x64xf32, #tpu.memory_space<vmem>> -> memref<128x64xf32, #tpu.memory_space<vmem>>
      %dma_wait3A_792 = arith.constant 0 : i32
      %dma_wait3A_793 = tpu.memref_slice %arg5[%sub3A_785, %dma_wait3A_792] : memref<200x128xi32, #tpu.memory_space<vmem>> -> memref<1x128xi32, #tpu.memory_space<vmem>>
      %dma_wait3A_794 = tpu.memref_squeeze %dma_wait3A_793 : memref<1x128xi32, #tpu.memory_space<vmem>> -> memref<128xi32, #tpu.memory_space<vmem>>
      %dma_wait3A_795 = arith.constant 0 : i32
      %dma_wait3A_796 = arith.constant 0 : i32
      %dma_wait3A_797 = tpu.memref_slice %arg2[%dma_wait3A_795, %dma_wait3A_796] : memref<1000000x64xf32, #tpu.memory_space<hbm>> -> memref<1000000x64xf32, #tpu.memory_space<hbm>>
      %dma_wait3A_798 = tpu.memref_slice %arg7[%dma_wait3A_787] : memref<10x!tpu.dma_semaphore, #tpu.memory_space<semaphore_mem>> -> memref<1x!tpu.dma_semaphore, #tpu.memory_space<semaphore_mem>>
      %dma_wait3A_799 = tpu.memref_squeeze %dma_wait3A_798 : memref<1x!tpu.dma_semaphore, #tpu.memory_space<semaphore_mem>> -> memref<!tpu.dma_semaphore, #tpu.memory_space<semaphore_mem>>
      tpu.wait_indirect_dma semaphore(%dma_wait3A_799 : memref<!tpu.dma_semaphore, #tpu.memory_space<semaphore_mem>>) src(%dma_wait3A_797 : memref<1000000x64xf32, #tpu.memory_space<hbm>>) dst(%dma_wait3A_791 : memref<128x64xf32, #tpu.memory_space<vmem>>)
      %mul3A_800 = arith.constant 128 : i32
      %mul3A_801 = arith.muli %sub3A_785, %mul3A_800 : i32
      %add3A_802 = arith.addi %mul3A_4, %mul3A_801 : i32
      %dma_start3A_803 = arith.constant 3 : i32
      %dma_start3A_804 = arith.constant 3 : i32
      %dma_start3A_805 = arith.constant 0 : i32
      %dma_start3A_806 = arith.constant 0 : i32
      %dma_start3A_807 = tpu.memref_slice %arg6[%dma_start3A_803, %dma_start3A_805, %dma_start3A_806] : memref<10x128x64xf32, #tpu.memory_space<vmem>> -> memref<1x128x64xf32, #tpu.memory_space<vmem>>
      %dma_start3A_808 = tpu.memref_squeeze %dma_start3A_807 : memref<1x128x64xf32, #tpu.memory_space<vmem>> -> memref<128x64xf32, #tpu.memory_space<vmem>>
      %dma_start3A_809 = arith.constant 0 : i32
      %dma_start3A_810 = tpu.memref_slice %arg4[%add3A_802, %dma_start3A_809] : memref<819200x64xf32, #tpu.memory_space<hbm>> -> memref<128x64xf32, #tpu.memory_space<hbm>>
      %dma_start3A_811 = tpu.memref_slice %arg8[%dma_start3A_804] : memref<10x!tpu.dma_semaphore, #tpu.memory_space<semaphore_mem>> -> memref<1x!tpu.dma_semaphore, #tpu.memory_space<semaphore_mem>>
      %dma_start3A_812 = tpu.memref_squeeze %dma_start3A_811 : memref<1x!tpu.dma_semaphore, #tpu.memory_space<semaphore_mem>> -> memref<!tpu.dma_semaphore, #tpu.memory_space<semaphore_mem>>
      %dma_start3A_813 = arith.constant 0 : i32
      %dma_start3A_814 = tpu.memref_slice %arg4[%add3A_802, %dma_start3A_813] : memref<819200x64xf32, #tpu.memory_space<hbm>> -> memref<128x64xf32, #tpu.memory_space<hbm>>
      %dma_start3A_815 = arith.constant 0 : i32
      %dma_start3A_816 = arith.constant 0 : i32
      %dma_start3A_817 = tpu.memref_slice %arg6[%dma_start3A_803, %dma_start3A_815, %dma_start3A_816] : memref<10x128x64xf32, #tpu.memory_space<vmem>> -> memref<1x128x64xf32, #tpu.memory_space<vmem>>
      %dma_start3A_818 = tpu.memref_squeeze %dma_start3A_817 : memref<1x128x64xf32, #tpu.memory_space<vmem>> -> memref<128x64xf32, #tpu.memory_space<vmem>>
      tpu.enqueue_dma source(%dma_start3A_818 : memref<128x64xf32, #tpu.memory_space<vmem>>) target(%dma_start3A_814 : memref<128x64xf32, #tpu.memory_space<hbm>>) target_semaphore(%dma_start3A_812 : memref<!tpu.dma_semaphore, #tpu.memory_space<semaphore_mem>>)
      %mul3A_819 = arith.constant 10 : i32
      %mul3A_820 = arith.muli %add3A_671, %mul3A_819 : i32
      %add3A_821 = arith.constant 2 : i32
      %add3A_822 = arith.addi %mul3A_820, %add3A_821 : i32
      %sub3A_823 = arith.constant 10 : i32
      %sub3A_824 = arith.subi %add3A_822, %sub3A_823 : i32
      %mul3A_825 = arith.constant 128 : i32
      %mul3A_826 = arith.muli %sub3A_824, %mul3A_825 : i32
      %add3A_827 = arith.addi %mul3A_4, %mul3A_826 : i32
      %dma_wait3A_828 = arith.constant 2 : i32
      %dma_wait3A_829 = arith.constant 2 : i32
      %dma_wait3A_830 = arith.constant 0 : i32
      %dma_wait3A_831 = arith.constant 0 : i32
      %dma_wait3A_832 = tpu.memref_slice %arg6[%dma_wait3A_828, %dma_wait3A_830, %dma_wait3A_831] : memref<10x128x64xf32, #tpu.memory_space<vmem>> -> memref<1x128x64xf32, #tpu.memory_space<vmem>>
      %dma_wait3A_833 = tpu.memref_squeeze %dma_wait3A_832 : memref<1x128x64xf32, #tpu.memory_space<vmem>> -> memref<128x64xf32, #tpu.memory_space<vmem>>
      %dma_wait3A_834 = arith.constant 0 : i32
      %dma_wait3A_835 = tpu.memref_slice %arg4[%add3A_827, %dma_wait3A_834] : memref<819200x64xf32, #tpu.memory_space<hbm>> -> memref<128x64xf32, #tpu.memory_space<hbm>>
      %dma_wait3A_836 = tpu.memref_slice %arg8[%dma_wait3A_829] : memref<10x!tpu.dma_semaphore, #tpu.memory_space<semaphore_mem>> -> memref<1x!tpu.dma_semaphore, #tpu.memory_space<semaphore_mem>>
      %dma_wait3A_837 = tpu.memref_squeeze %dma_wait3A_836 : memref<1x!tpu.dma_semaphore, #tpu.memory_space<semaphore_mem>> -> memref<!tpu.dma_semaphore, #tpu.memory_space<semaphore_mem>>
      %dma_wait3A_838 = arith.constant 0 : i32
      %dma_wait3A_839 = tpu.memref_slice %arg4[%add3A_827, %dma_wait3A_838] : memref<819200x64xf32, #tpu.memory_space<hbm>> -> memref<128x64xf32, #tpu.memory_space<hbm>>
      %dma_wait3A_840 = arith.constant 0 : i32
      %dma_wait3A_841 = arith.constant 0 : i32
      %dma_wait3A_842 = tpu.memref_slice %arg6[%dma_wait3A_828, %dma_wait3A_840, %dma_wait3A_841] : memref<10x128x64xf32, #tpu.memory_space<vmem>> -> memref<1x128x64xf32, #tpu.memory_space<vmem>>
      %dma_wait3A_843 = tpu.memref_squeeze %dma_wait3A_842 : memref<1x128x64xf32, #tpu.memory_space<vmem>> -> memref<128x64xf32, #tpu.memory_space<vmem>>
      tpu.wait_dma2 semaphore(%dma_wait3A_837 : memref<!tpu.dma_semaphore, #tpu.memory_space<semaphore_mem>>) src(%dma_wait3A_843 : memref<128x64xf32, #tpu.memory_space<vmem>>) dst(%dma_wait3A_839 : memref<128x64xf32, #tpu.memory_space<hbm>>)
      %dma_start3A_844 = arith.constant 2 : i32
      %dma_start3A_845 = arith.constant 2 : i32
      %dma_start3A_846 = arith.constant 0 : i32
      %dma_start3A_847 = arith.constant 0 : i32
      %dma_start3A_848 = tpu.memref_slice %arg6[%dma_start3A_844, %dma_start3A_846, %dma_start3A_847] : memref<10x128x64xf32, #tpu.memory_space<vmem>> -> memref<1x128x64xf32, #tpu.memory_space<vmem>>
      %dma_start3A_849 = tpu.memref_squeeze %dma_start3A_848 : memref<1x128x64xf32, #tpu.memory_space<vmem>> -> memref<128x64xf32, #tpu.memory_space<vmem>>
      %dma_start3A_850 = arith.constant 0 : i32
      %dma_start3A_851 = tpu.memref_slice %arg5[%add3A_822, %dma_start3A_850] : memref<200x128xi32, #tpu.memory_space<vmem>> -> memref<1x128xi32, #tpu.memory_space<vmem>>
      %dma_start3A_852 = tpu.memref_squeeze %dma_start3A_851 : memref<1x128xi32, #tpu.memory_space<vmem>> -> memref<128xi32, #tpu.memory_space<vmem>>
      %dma_start3A_853 = arith.constant 0 : i32
      %dma_start3A_854 = arith.constant 0 : i32
      %dma_start3A_855 = tpu.memref_slice %arg2[%dma_start3A_853, %dma_start3A_854] : memref<1000000x64xf32, #tpu.memory_space<hbm>> -> memref<1000000x64xf32, #tpu.memory_space<hbm>>
      %dma_start3A_856 = tpu.memref_slice %arg7[%dma_start3A_845] : memref<10x!tpu.dma_semaphore, #tpu.memory_space<semaphore_mem>> -> memref<1x!tpu.dma_semaphore, #tpu.memory_space<semaphore_mem>>
      %dma_start3A_857 = tpu.memref_squeeze %dma_start3A_856 : memref<1x!tpu.dma_semaphore, #tpu.memory_space<semaphore_mem>> -> memref<!tpu.dma_semaphore, #tpu.memory_space<semaphore_mem>>
      tpu.enqueue_indirect_dma source(%dma_start3A_855 : memref<1000000x64xf32, #tpu.memory_space<hbm>>) target(%dma_start3A_849 : memref<128x64xf32, #tpu.memory_space<vmem>>) offsets(%dma_start3A_852 : memref<128xi32, #tpu.memory_space<vmem>>) semaphore(%dma_start3A_857 : memref<!tpu.dma_semaphore, #tpu.memory_space<semaphore_mem>>)
      %sub3A_858 = arith.constant 8 : i32
      %sub3A_859 = arith.subi %add3A_822, %sub3A_858 : i32
      %dma_wait3A_860 = arith.constant 4 : i32
      %dma_wait3A_861 = arith.constant 4 : i32
      %dma_wait3A_862 = arith.constant 0 : i32
      %dma_wait3A_863 = arith.constant 0 : i32
      %dma_wait3A_864 = tpu.memref_slice %arg6[%dma_wait3A_860, %dma_wait3A_862, %dma_wait3A_863] : memref<10x128x64xf32, #tpu.memory_space<vmem>> -> memref<1x128x64xf32, #tpu.memory_space<vmem>>
      %dma_wait3A_865 = tpu.memref_squeeze %dma_wait3A_864 : memref<1x128x64xf32, #tpu.memory_space<vmem>> -> memref<128x64xf32, #tpu.memory_space<vmem>>
      %dma_wait3A_866 = arith.constant 0 : i32
      %dma_wait3A_867 = tpu.memref_slice %arg5[%sub3A_859, %dma_wait3A_866] : memref<200x128xi32, #tpu.memory_space<vmem>> -> memref<1x128xi32, #tpu.memory_space<vmem>>
      %dma_wait3A_868 = tpu.memref_squeeze %dma_wait3A_867 : memref<1x128xi32, #tpu.memory_space<vmem>> -> memref<128xi32, #tpu.memory_space<vmem>>
      %dma_wait3A_869 = arith.constant 0 : i32
      %dma_wait3A_870 = arith.constant 0 : i32
      %dma_wait3A_871 = tpu.memref_slice %arg2[%dma_wait3A_869, %dma_wait3A_870] : memref<1000000x64xf32, #tpu.memory_space<hbm>> -> memref<1000000x64xf32, #tpu.memory_space<hbm>>
      %dma_wait3A_872 = tpu.memref_slice %arg7[%dma_wait3A_861] : memref<10x!tpu.dma_semaphore, #tpu.memory_space<semaphore_mem>> -> memref<1x!tpu.dma_semaphore, #tpu.memory_space<semaphore_mem>>
      %dma_wait3A_873 = tpu.memref_squeeze %dma_wait3A_872 : memref<1x!tpu.dma_semaphore, #tpu.memory_space<semaphore_mem>> -> memref<!tpu.dma_semaphore, #tpu.memory_space<semaphore_mem>>
      tpu.wait_indirect_dma semaphore(%dma_wait3A_873 : memref<!tpu.dma_semaphore, #tpu.memory_space<semaphore_mem>>) src(%dma_wait3A_871 : memref<1000000x64xf32, #tpu.memory_space<hbm>>) dst(%dma_wait3A_865 : memref<128x64xf32, #tpu.memory_space<vmem>>)
      %mul3A_874 = arith.constant 128 : i32
      %mul3A_875 = arith.muli %sub3A_859, %mul3A_874 : i32
      %add3A_876 = arith.addi %mul3A_4, %mul3A_875 : i32
      %dma_start3A_877 = arith.constant 4 : i32
      %dma_start3A_878 = arith.constant 4 : i32
      %dma_start3A_879 = arith.constant 0 : i32
      %dma_start3A_880 = arith.constant 0 : i32
      %dma_start3A_881 = tpu.memref_slice %arg6[%dma_start3A_877, %dma_start3A_879, %dma_start3A_880] : memref<10x128x64xf32, #tpu.memory_space<vmem>> -> memref<1x128x64xf32, #tpu.memory_space<vmem>>
      %dma_start3A_882 = tpu.memref_squeeze %dma_start3A_881 : memref<1x128x64xf32, #tpu.memory_space<vmem>> -> memref<128x64xf32, #tpu.memory_space<vmem>>
      %dma_start3A_883 = arith.constant 0 : i32
      %dma_start3A_884 = tpu.memref_slice %arg4[%add3A_876, %dma_start3A_883] : memref<819200x64xf32, #tpu.memory_space<hbm>> -> memref<128x64xf32, #tpu.memory_space<hbm>>
      %dma_start3A_885 = tpu.memref_slice %arg8[%dma_start3A_878] : memref<10x!tpu.dma_semaphore, #tpu.memory_space<semaphore_mem>> -> memref<1x!tpu.dma_semaphore, #tpu.memory_space<semaphore_mem>>
      %dma_start3A_886 = tpu.memref_squeeze %dma_start3A_885 : memref<1x!tpu.dma_semaphore, #tpu.memory_space<semaphore_mem>> -> memref<!tpu.dma_semaphore, #tpu.memory_space<semaphore_mem>>
      %dma_start3A_887 = arith.constant 0 : i32
      %dma_start3A_888 = tpu.memref_slice %arg4[%add3A_876, %dma_start3A_887] : memref<819200x64xf32, #tpu.memory_space<hbm>> -> memref<128x64xf32, #tpu.memory_space<hbm>>
      %dma_start3A_889 = arith.constant 0 : i32
      %dma_start3A_890 = arith.constant 0 : i32
      %dma_start3A_891 = tpu.memref_slice %arg6[%dma_start3A_877, %dma_start3A_889, %dma_start3A_890] : memref<10x128x64xf32, #tpu.memory_space<vmem>> -> memref<1x128x64xf32, #tpu.memory_space<vmem>>
      %dma_start3A_892 = tpu.memref_squeeze %dma_start3A_891 : memref<1x128x64xf32, #tpu.memory_space<vmem>> -> memref<128x64xf32, #tpu.memory_space<vmem>>
      tpu.enqueue_dma source(%dma_start3A_892 : memref<128x64xf32, #tpu.memory_space<vmem>>) target(%dma_start3A_888 : memref<128x64xf32, #tpu.memory_space<hbm>>) target_semaphore(%dma_start3A_886 : memref<!tpu.dma_semaphore, #tpu.memory_space<semaphore_mem>>)
      %mul3A_893 = arith.constant 10 : i32
      %mul3A_894 = arith.muli %add3A_671, %mul3A_893 : i32
      %add3A_895 = arith.constant 3 : i32
      %add3A_896 = arith.addi %mul3A_894, %add3A_895 : i32
      %sub3A_897 = arith.constant 10 : i32
      %sub3A_898 = arith.subi %add3A_896, %sub3A_897 : i32
      %mul3A_899 = arith.constant 128 : i32
      %mul3A_900 = arith.muli %sub3A_898, %mul3A_899 : i32
      %add3A_901 = arith.addi %mul3A_4, %mul3A_900 : i32
      %dma_wait3A_902 = arith.constant 3 : i32
      %dma_wait3A_903 = arith.constant 3 : i32
      %dma_wait3A_904 = arith.constant 0 : i32
      %dma_wait3A_905 = arith.constant 0 : i32
      %dma_wait3A_906 = tpu.memref_slice %arg6[%dma_wait3A_902, %dma_wait3A_904, %dma_wait3A_905] : memref<10x128x64xf32, #tpu.memory_space<vmem>> -> memref<1x128x64xf32, #tpu.memory_space<vmem>>
      %dma_wait3A_907 = tpu.memref_squeeze %dma_wait3A_906 : memref<1x128x64xf32, #tpu.memory_space<vmem>> -> memref<128x64xf32, #tpu.memory_space<vmem>>
      %dma_wait3A_908 = arith.constant 0 : i32
      %dma_wait3A_909 = tpu.memref_slice %arg4[%add3A_901, %dma_wait3A_908] : memref<819200x64xf32, #tpu.memory_space<hbm>> -> memref<128x64xf32, #tpu.memory_space<hbm>>
      %dma_wait3A_910 = tpu.memref_slice %arg8[%dma_wait3A_903] : memref<10x!tpu.dma_semaphore, #tpu.memory_space<semaphore_mem>> -> memref<1x!tpu.dma_semaphore, #tpu.memory_space<semaphore_mem>>
      %dma_wait3A_911 = tpu.memref_squeeze %dma_wait3A_910 : memref<1x!tpu.dma_semaphore, #tpu.memory_space<semaphore_mem>> -> memref<!tpu.dma_semaphore, #tpu.memory_space<semaphore_mem>>
      %dma_wait3A_912 = arith.constant 0 : i32
      %dma_wait3A_913 = tpu.memref_slice %arg4[%add3A_901, %dma_wait3A_912] : memref<819200x64xf32, #tpu.memory_space<hbm>> -> memref<128x64xf32, #tpu.memory_space<hbm>>
      %dma_wait3A_914 = arith.constant 0 : i32
      %dma_wait3A_915 = arith.constant 0 : i32
      %dma_wait3A_916 = tpu.memref_slice %arg6[%dma_wait3A_902, %dma_wait3A_914, %dma_wait3A_915] : memref<10x128x64xf32, #tpu.memory_space<vmem>> -> memref<1x128x64xf32, #tpu.memory_space<vmem>>
      %dma_wait3A_917 = tpu.memref_squeeze %dma_wait3A_916 : memref<1x128x64xf32, #tpu.memory_space<vmem>> -> memref<128x64xf32, #tpu.memory_space<vmem>>
      tpu.wait_dma2 semaphore(%dma_wait3A_911 : memref<!tpu.dma_semaphore, #tpu.memory_space<semaphore_mem>>) src(%dma_wait3A_917 : memref<128x64xf32, #tpu.memory_space<vmem>>) dst(%dma_wait3A_913 : memref<128x64xf32, #tpu.memory_space<hbm>>)
      %dma_start3A_918 = arith.constant 3 : i32
      %dma_start3A_919 = arith.constant 3 : i32
      %dma_start3A_920 = arith.constant 0 : i32
      %dma_start3A_921 = arith.constant 0 : i32
      %dma_start3A_922 = tpu.memref_slice %arg6[%dma_start3A_918, %dma_start3A_920, %dma_start3A_921] : memref<10x128x64xf32, #tpu.memory_space<vmem>> -> memref<1x128x64xf32, #tpu.memory_space<vmem>>
      %dma_start3A_923 = tpu.memref_squeeze %dma_start3A_922 : memref<1x128x64xf32, #tpu.memory_space<vmem>> -> memref<128x64xf32, #tpu.memory_space<vmem>>
      %dma_start3A_924 = arith.constant 0 : i32
      %dma_start3A_925 = tpu.memref_slice %arg5[%add3A_896, %dma_start3A_924] : memref<200x128xi32, #tpu.memory_space<vmem>> -> memref<1x128xi32, #tpu.memory_space<vmem>>
      %dma_start3A_926 = tpu.memref_squeeze %dma_start3A_925 : memref<1x128xi32, #tpu.memory_space<vmem>> -> memref<128xi32, #tpu.memory_space<vmem>>
      %dma_start3A_927 = arith.constant 0 : i32
      %dma_start3A_928 = arith.constant 0 : i32
      %dma_start3A_929 = tpu.memref_slice %arg2[%dma_start3A_927, %dma_start3A_928] : memref<1000000x64xf32, #tpu.memory_space<hbm>> -> memref<1000000x64xf32, #tpu.memory_space<hbm>>
      %dma_start3A_930 = tpu.memref_slice %arg7[%dma_start3A_919] : memref<10x!tpu.dma_semaphore, #tpu.memory_space<semaphore_mem>> -> memref<1x!tpu.dma_semaphore, #tpu.memory_space<semaphore_mem>>
      %dma_start3A_931 = tpu.memref_squeeze %dma_start3A_930 : memref<1x!tpu.dma_semaphore, #tpu.memory_space<semaphore_mem>> -> memref<!tpu.dma_semaphore, #tpu.memory_space<semaphore_mem>>
      tpu.enqueue_indirect_dma source(%dma_start3A_929 : memref<1000000x64xf32, #tpu.memory_space<hbm>>) target(%dma_start3A_923 : memref<128x64xf32, #tpu.memory_space<vmem>>) offsets(%dma_start3A_926 : memref<128xi32, #tpu.memory_space<vmem>>) semaphore(%dma_start3A_931 : memref<!tpu.dma_semaphore, #tpu.memory_space<semaphore_mem>>)
      %sub3A_932 = arith.constant 8 : i32
      %sub3A_933 = arith.subi %add3A_896, %sub3A_932 : i32
      %dma_wait3A_934 = arith.constant 5 : i32
      %dma_wait3A_935 = arith.constant 5 : i32
      %dma_wait3A_936 = arith.constant 0 : i32
      %dma_wait3A_937 = arith.constant 0 : i32
      %dma_wait3A_938 = tpu.memref_slice %arg6[%dma_wait3A_934, %dma_wait3A_936, %dma_wait3A_937] : memref<10x128x64xf32, #tpu.memory_space<vmem>> -> memref<1x128x64xf32, #tpu.memory_space<vmem>>
      %dma_wait3A_939 = tpu.memref_squeeze %dma_wait3A_938 : memref<1x128x64xf32, #tpu.memory_space<vmem>> -> memref<128x64xf32, #tpu.memory_space<vmem>>
      %dma_wait3A_940 = arith.constant 0 : i32
      %dma_wait3A_941 = tpu.memref_slice %arg5[%sub3A_933, %dma_wait3A_940] : memref<200x128xi32, #tpu.memory_space<vmem>> -> memref<1x128xi32, #tpu.memory_space<vmem>>
      %dma_wait3A_942 = tpu.memref_squeeze %dma_wait3A_941 : memref<1x128xi32, #tpu.memory_space<vmem>> -> memref<128xi32, #tpu.memory_space<vmem>>
      %dma_wait3A_943 = arith.constant 0 : i32
      %dma_wait3A_944 = arith.constant 0 : i32
      %dma_wait3A_945 = tpu.memref_slice %arg2[%dma_wait3A_943, %dma_wait3A_944] : memref<1000000x64xf32, #tpu.memory_space<hbm>> -> memref<1000000x64xf32, #tpu.memory_space<hbm>>
      %dma_wait3A_946 = tpu.memref_slice %arg7[%dma_wait3A_935] : memref<10x!tpu.dma_semaphore, #tpu.memory_space<semaphore_mem>> -> memref<1x!tpu.dma_semaphore, #tpu.memory_space<semaphore_mem>>
      %dma_wait3A_947 = tpu.memref_squeeze %dma_wait3A_946 : memref<1x!tpu.dma_semaphore, #tpu.memory_space<semaphore_mem>> -> memref<!tpu.dma_semaphore, #tpu.memory_space<semaphore_mem>>
      tpu.wait_indirect_dma semaphore(%dma_wait3A_947 : memref<!tpu.dma_semaphore, #tpu.memory_space<semaphore_mem>>) src(%dma_wait3A_945 : memref<1000000x64xf32, #tpu.memory_space<hbm>>) dst(%dma_wait3A_939 : memref<128x64xf32, #tpu.memory_space<vmem>>)
      %mul3A_948 = arith.constant 128 : i32
      %mul3A_949 = arith.muli %sub3A_933, %mul3A_948 : i32
      %add3A_950 = arith.addi %mul3A_4, %mul3A_949 : i32
      %dma_start3A_951 = arith.constant 5 : i32
      %dma_start3A_952 = arith.constant 5 : i32
      %dma_start3A_953 = arith.constant 0 : i32
      %dma_start3A_954 = arith.constant 0 : i32
      %dma_start3A_955 = tpu.memref_slice %arg6[%dma_start3A_951, %dma_start3A_953, %dma_start3A_954] : memref<10x128x64xf32, #tpu.memory_space<vmem>> -> memref<1x128x64xf32, #tpu.memory_space<vmem>>
      %dma_start3A_956 = tpu.memref_squeeze %dma_start3A_955 : memref<1x128x64xf32, #tpu.memory_space<vmem>> -> memref<128x64xf32, #tpu.memory_space<vmem>>
      %dma_start3A_957 = arith.constant 0 : i32
      %dma_start3A_958 = tpu.memref_slice %arg4[%add3A_950, %dma_start3A_957] : memref<819200x64xf32, #tpu.memory_space<hbm>> -> memref<128x64xf32, #tpu.memory_space<hbm>>
      %dma_start3A_959 = tpu.memref_slice %arg8[%dma_start3A_952] : memref<10x!tpu.dma_semaphore, #tpu.memory_space<semaphore_mem>> -> memref<1x!tpu.dma_semaphore, #tpu.memory_space<semaphore_mem>>
      %dma_start3A_960 = tpu.memref_squeeze %dma_start3A_959 : memref<1x!tpu.dma_semaphore, #tpu.memory_space<semaphore_mem>> -> memref<!tpu.dma_semaphore, #tpu.memory_space<semaphore_mem>>
      %dma_start3A_961 = arith.constant 0 : i32
      %dma_start3A_962 = tpu.memref_slice %arg4[%add3A_950, %dma_start3A_961] : memref<819200x64xf32, #tpu.memory_space<hbm>> -> memref<128x64xf32, #tpu.memory_space<hbm>>
      %dma_start3A_963 = arith.constant 0 : i32
      %dma_start3A_964 = arith.constant 0 : i32
      %dma_start3A_965 = tpu.memref_slice %arg6[%dma_start3A_951, %dma_start3A_963, %dma_start3A_964] : memref<10x128x64xf32, #tpu.memory_space<vmem>> -> memref<1x128x64xf32, #tpu.memory_space<vmem>>
      %dma_start3A_966 = tpu.memref_squeeze %dma_start3A_965 : memref<1x128x64xf32, #tpu.memory_space<vmem>> -> memref<128x64xf32, #tpu.memory_space<vmem>>
      tpu.enqueue_dma source(%dma_start3A_966 : memref<128x64xf32, #tpu.memory_space<vmem>>) target(%dma_start3A_962 : memref<128x64xf32, #tpu.memory_space<hbm>>) target_semaphore(%dma_start3A_960 : memref<!tpu.dma_semaphore, #tpu.memory_space<semaphore_mem>>)
      %mul3A_967 = arith.constant 10 : i32
      %mul3A_968 = arith.muli %add3A_671, %mul3A_967 : i32
      %add3A_969 = arith.constant 4 : i32
      %add3A_970 = arith.addi %mul3A_968, %add3A_969 : i32
      %sub3A_971 = arith.constant 10 : i32
      %sub3A_972 = arith.subi %add3A_970, %sub3A_971 : i32
      %mul3A_973 = arith.constant 128 : i32
      %mul3A_974 = arith.muli %sub3A_972, %mul3A_973 : i32
      %add3A_975 = arith.addi %mul3A_4, %mul3A_974 : i32
      %dma_wait3A_976 = arith.constant 4 : i32
      %dma_wait3A_977 = arith.constant 4 : i32
      %dma_wait3A_978 = arith.constant 0 : i32
      %dma_wait3A_979 = arith.constant 0 : i32
      %dma_wait3A_980 = tpu.memref_slice %arg6[%dma_wait3A_976, %dma_wait3A_978, %dma_wait3A_979] : memref<10x128x64xf32, #tpu.memory_space<vmem>> -> memref<1x128x64xf32, #tpu.memory_space<vmem>>
      %dma_wait3A_981 = tpu.memref_squeeze %dma_wait3A_980 : memref<1x128x64xf32, #tpu.memory_space<vmem>> -> memref<128x64xf32, #tpu.memory_space<vmem>>
      %dma_wait3A_982 = arith.constant 0 : i32
      %dma_wait3A_983 = tpu.memref_slice %arg4[%add3A_975, %dma_wait3A_982] : memref<819200x64xf32, #tpu.memory_space<hbm>> -> memref<128x64xf32, #tpu.memory_space<hbm>>
      %dma_wait3A_984 = tpu.memref_slice %arg8[%dma_wait3A_977] : memref<10x!tpu.dma_semaphore, #tpu.memory_space<semaphore_mem>> -> memref<1x!tpu.dma_semaphore, #tpu.memory_space<semaphore_mem>>
      %dma_wait3A_985 = tpu.memref_squeeze %dma_wait3A_984 : memref<1x!tpu.dma_semaphore, #tpu.memory_space<semaphore_mem>> -> memref<!tpu.dma_semaphore, #tpu.memory_space<semaphore_mem>>
      %dma_wait3A_986 = arith.constant 0 : i32
      %dma_wait3A_987 = tpu.memref_slice %arg4[%add3A_975, %dma_wait3A_986] : memref<819200x64xf32, #tpu.memory_space<hbm>> -> memref<128x64xf32, #tpu.memory_space<hbm>>
      %dma_wait3A_988 = arith.constant 0 : i32
      %dma_wait3A_989 = arith.constant 0 : i32
      %dma_wait3A_990 = tpu.memref_slice %arg6[%dma_wait3A_976, %dma_wait3A_988, %dma_wait3A_989] : memref<10x128x64xf32, #tpu.memory_space<vmem>> -> memref<1x128x64xf32, #tpu.memory_space<vmem>>
      %dma_wait3A_991 = tpu.memref_squeeze %dma_wait3A_990 : memref<1x128x64xf32, #tpu.memory_space<vmem>> -> memref<128x64xf32, #tpu.memory_space<vmem>>
      tpu.wait_dma2 semaphore(%dma_wait3A_985 : memref<!tpu.dma_semaphore, #tpu.memory_space<semaphore_mem>>) src(%dma_wait3A_991 : memref<128x64xf32, #tpu.memory_space<vmem>>) dst(%dma_wait3A_987 : memref<128x64xf32, #tpu.memory_space<hbm>>)
      %dma_start3A_992 = arith.constant 4 : i32
      %dma_start3A_993 = arith.constant 4 : i32
      %dma_start3A_994 = arith.constant 0 : i32
      %dma_start3A_995 = arith.constant 0 : i32
      %dma_start3A_996 = tpu.memref_slice %arg6[%dma_start3A_992, %dma_start3A_994, %dma_start3A_995] : memref<10x128x64xf32, #tpu.memory_space<vmem>> -> memref<1x128x64xf32, #tpu.memory_space<vmem>>
      %dma_start3A_997 = tpu.memref_squeeze %dma_start3A_996 : memref<1x128x64xf32, #tpu.memory_space<vmem>> -> memref<128x64xf32, #tpu.memory_space<vmem>>
      %dma_start3A_998 = arith.constant 0 : i32
      %dma_start3A_999 = tpu.memref_slice %arg5[%add3A_970, %dma_start3A_998] : memref<200x128xi32, #tpu.memory_space<vmem>> -> memref<1x128xi32, #tpu.memory_space<vmem>>
      %dma_start3A_1000 = tpu.memref_squeeze %dma_start3A_999 : memref<1x128xi32, #tpu.memory_space<vmem>> -> memref<128xi32, #tpu.memory_space<vmem>>
      %dma_start3A_1001 = arith.constant 0 : i32
      %dma_start3A_1002 = arith.constant 0 : i32
      %dma_start3A_1003 = tpu.memref_slice %arg2[%dma_start3A_1001, %dma_start3A_1002] : memref<1000000x64xf32, #tpu.memory_space<hbm>> -> memref<1000000x64xf32, #tpu.memory_space<hbm>>
      %dma_start3A_1004 = tpu.memref_slice %arg7[%dma_start3A_993] : memref<10x!tpu.dma_semaphore, #tpu.memory_space<semaphore_mem>> -> memref<1x!tpu.dma_semaphore, #tpu.memory_space<semaphore_mem>>
      %dma_start3A_1005 = tpu.memref_squeeze %dma_start3A_1004 : memref<1x!tpu.dma_semaphore, #tpu.memory_space<semaphore_mem>> -> memref<!tpu.dma_semaphore, #tpu.memory_space<semaphore_mem>>
      tpu.enqueue_indirect_dma source(%dma_start3A_1003 : memref<1000000x64xf32, #tpu.memory_space<hbm>>) target(%dma_start3A_997 : memref<128x64xf32, #tpu.memory_space<vmem>>) offsets(%dma_start3A_1000 : memref<128xi32, #tpu.memory_space<vmem>>) semaphore(%dma_start3A_1005 : memref<!tpu.dma_semaphore, #tpu.memory_space<semaphore_mem>>)
      %sub3A_1006 = arith.constant 8 : i32
      %sub3A_1007 = arith.subi %add3A_970, %sub3A_1006 : i32
      %dma_wait3A_1008 = arith.constant 6 : i32
      %dma_wait3A_1009 = arith.constant 6 : i32
      %dma_wait3A_1010 = arith.constant 0 : i32
      %dma_wait3A_1011 = arith.constant 0 : i32
      %dma_wait3A_1012 = tpu.memref_slice %arg6[%dma_wait3A_1008, %dma_wait3A_1010, %dma_wait3A_1011] : memref<10x128x64xf32, #tpu.memory_space<vmem>> -> memref<1x128x64xf32, #tpu.memory_space<vmem>>
      %dma_wait3A_1013 = tpu.memref_squeeze %dma_wait3A_1012 : memref<1x128x64xf32, #tpu.memory_space<vmem>> -> memref<128x64xf32, #tpu.memory_space<vmem>>
      %dma_wait3A_1014 = arith.constant 0 : i32
      %dma_wait3A_1015 = tpu.memref_slice %arg5[%sub3A_1007, %dma_wait3A_1014] : memref<200x128xi32, #tpu.memory_space<vmem>> -> memref<1x128xi32, #tpu.memory_space<vmem>>
      %dma_wait3A_1016 = tpu.memref_squeeze %dma_wait3A_1015 : memref<1x128xi32, #tpu.memory_space<vmem>> -> memref<128xi32, #tpu.memory_space<vmem>>
      %dma_wait3A_1017 = arith.constant 0 : i32
      %dma_wait3A_1018 = arith.constant 0 : i32
      %dma_wait3A_1019 = tpu.memref_slice %arg2[%dma_wait3A_1017, %dma_wait3A_1018] : memref<1000000x64xf32, #tpu.memory_space<hbm>> -> memref<1000000x64xf32, #tpu.memory_space<hbm>>
      %dma_wait3A_1020 = tpu.memref_slice %arg7[%dma_wait3A_1009] : memref<10x!tpu.dma_semaphore, #tpu.memory_space<semaphore_mem>> -> memref<1x!tpu.dma_semaphore, #tpu.memory_space<semaphore_mem>>
      %dma_wait3A_1021 = tpu.memref_squeeze %dma_wait3A_1020 : memref<1x!tpu.dma_semaphore, #tpu.memory_space<semaphore_mem>> -> memref<!tpu.dma_semaphore, #tpu.memory_space<semaphore_mem>>
      tpu.wait_indirect_dma semaphore(%dma_wait3A_1021 : memref<!tpu.dma_semaphore, #tpu.memory_space<semaphore_mem>>) src(%dma_wait3A_1019 : memref<1000000x64xf32, #tpu.memory_space<hbm>>) dst(%dma_wait3A_1013 : memref<128x64xf32, #tpu.memory_space<vmem>>)
      %mul3A_1022 = arith.constant 128 : i32
      %mul3A_1023 = arith.muli %sub3A_1007, %mul3A_1022 : i32
      %add3A_1024 = arith.addi %mul3A_4, %mul3A_1023 : i32
      %dma_start3A_1025 = arith.constant 6 : i32
      %dma_start3A_1026 = arith.constant 6 : i32
      %dma_start3A_1027 = arith.constant 0 : i32
      %dma_start3A_1028 = arith.constant 0 : i32
      %dma_start3A_1029 = tpu.memref_slice %arg6[%dma_start3A_1025, %dma_start3A_1027, %dma_start3A_1028] : memref<10x128x64xf32, #tpu.memory_space<vmem>> -> memref<1x128x64xf32, #tpu.memory_space<vmem>>
      %dma_start3A_1030 = tpu.memref_squeeze %dma_start3A_1029 : memref<1x128x64xf32, #tpu.memory_space<vmem>> -> memref<128x64xf32, #tpu.memory_space<vmem>>
      %dma_start3A_1031 = arith.constant 0 : i32
      %dma_start3A_1032 = tpu.memref_slice %arg4[%add3A_1024, %dma_start3A_1031] : memref<819200x64xf32, #tpu.memory_space<hbm>> -> memref<128x64xf32, #tpu.memory_space<hbm>>
      %dma_start3A_1033 = tpu.memref_slice %arg8[%dma_start3A_1026] : memref<10x!tpu.dma_semaphore, #tpu.memory_space<semaphore_mem>> -> memref<1x!tpu.dma_semaphore, #tpu.memory_space<semaphore_mem>>
      %dma_start3A_1034 = tpu.memref_squeeze %dma_start3A_1033 : memref<1x!tpu.dma_semaphore, #tpu.memory_space<semaphore_mem>> -> memref<!tpu.dma_semaphore, #tpu.memory_space<semaphore_mem>>
      %dma_start3A_1035 = arith.constant 0 : i32
      %dma_start3A_1036 = tpu.memref_slice %arg4[%add3A_1024, %dma_start3A_1035] : memref<819200x64xf32, #tpu.memory_space<hbm>> -> memref<128x64xf32, #tpu.memory_space<hbm>>
      %dma_start3A_1037 = arith.constant 0 : i32
      %dma_start3A_1038 = arith.constant 0 : i32
      %dma_start3A_1039 = tpu.memref_slice %arg6[%dma_start3A_1025, %dma_start3A_1037, %dma_start3A_1038] : memref<10x128x64xf32, #tpu.memory_space<vmem>> -> memref<1x128x64xf32, #tpu.memory_space<vmem>>
      %dma_start3A_1040 = tpu.memref_squeeze %dma_start3A_1039 : memref<1x128x64xf32, #tpu.memory_space<vmem>> -> memref<128x64xf32, #tpu.memory_space<vmem>>
      tpu.enqueue_dma source(%dma_start3A_1040 : memref<128x64xf32, #tpu.memory_space<vmem>>) target(%dma_start3A_1036 : memref<128x64xf32, #tpu.memory_space<hbm>>) target_semaphore(%dma_start3A_1034 : memref<!tpu.dma_semaphore, #tpu.memory_space<semaphore_mem>>)
      %mul3A_1041 = arith.constant 10 : i32
      %mul3A_1042 = arith.muli %add3A_671, %mul3A_1041 : i32
      %add3A_1043 = arith.constant 5 : i32
      %add3A_1044 = arith.addi %mul3A_1042, %add3A_1043 : i32
      %sub3A_1045 = arith.constant 10 : i32
      %sub3A_1046 = arith.subi %add3A_1044, %sub3A_1045 : i32
      %mul3A_1047 = arith.constant 128 : i32
      %mul3A_1048 = arith.muli %sub3A_1046, %mul3A_1047 : i32
      %add3A_1049 = arith.addi %mul3A_4, %mul3A_1048 : i32
      %dma_wait3A_1050 = arith.constant 5 : i32
      %dma_wait3A_1051 = arith.constant 5 : i32
      %dma_wait3A_1052 = arith.constant 0 : i32
      %dma_wait3A_1053 = arith.constant 0 : i32
      %dma_wait3A_1054 = tpu.memref_slice %arg6[%dma_wait3A_1050, %dma_wait3A_1052, %dma_wait3A_1053] : memref<10x128x64xf32, #tpu.memory_space<vmem>> -> memref<1x128x64xf32, #tpu.memory_space<vmem>>
      %dma_wait3A_1055 = tpu.memref_squeeze %dma_wait3A_1054 : memref<1x128x64xf32, #tpu.memory_space<vmem>> -> memref<128x64xf32, #tpu.memory_space<vmem>>
      %dma_wait3A_1056 = arith.constant 0 : i32
      %dma_wait3A_1057 = tpu.memref_slice %arg4[%add3A_1049, %dma_wait3A_1056] : memref<819200x64xf32, #tpu.memory_space<hbm>> -> memref<128x64xf32, #tpu.memory_space<hbm>>
      %dma_wait3A_1058 = tpu.memref_slice %arg8[%dma_wait3A_1051] : memref<10x!tpu.dma_semaphore, #tpu.memory_space<semaphore_mem>> -> memref<1x!tpu.dma_semaphore, #tpu.memory_space<semaphore_mem>>
      %dma_wait3A_1059 = tpu.memref_squeeze %dma_wait3A_1058 : memref<1x!tpu.dma_semaphore, #tpu.memory_space<semaphore_mem>> -> memref<!tpu.dma_semaphore, #tpu.memory_space<semaphore_mem>>
      %dma_wait3A_1060 = arith.constant 0 : i32
      %dma_wait3A_1061 = tpu.memref_slice %arg4[%add3A_1049, %dma_wait3A_1060] : memref<819200x64xf32, #tpu.memory_space<hbm>> -> memref<128x64xf32, #tpu.memory_space<hbm>>
      %dma_wait3A_1062 = arith.constant 0 : i32
      %dma_wait3A_1063 = arith.constant 0 : i32
      %dma_wait3A_1064 = tpu.memref_slice %arg6[%dma_wait3A_1050, %dma_wait3A_1062, %dma_wait3A_1063] : memref<10x128x64xf32, #tpu.memory_space<vmem>> -> memref<1x128x64xf32, #tpu.memory_space<vmem>>
      %dma_wait3A_1065 = tpu.memref_squeeze %dma_wait3A_1064 : memref<1x128x64xf32, #tpu.memory_space<vmem>> -> memref<128x64xf32, #tpu.memory_space<vmem>>
      tpu.wait_dma2 semaphore(%dma_wait3A_1059 : memref<!tpu.dma_semaphore, #tpu.memory_space<semaphore_mem>>) src(%dma_wait3A_1065 : memref<128x64xf32, #tpu.memory_space<vmem>>) dst(%dma_wait3A_1061 : memref<128x64xf32, #tpu.memory_space<hbm>>)
      %dma_start3A_1066 = arith.constant 5 : i32
      %dma_start3A_1067 = arith.constant 5 : i32
      %dma_start3A_1068 = arith.constant 0 : i32
      %dma_start3A_1069 = arith.constant 0 : i32
      %dma_start3A_1070 = tpu.memref_slice %arg6[%dma_start3A_1066, %dma_start3A_1068, %dma_start3A_1069] : memref<10x128x64xf32, #tpu.memory_space<vmem>> -> memref<1x128x64xf32, #tpu.memory_space<vmem>>
      %dma_start3A_1071 = tpu.memref_squeeze %dma_start3A_1070 : memref<1x128x64xf32, #tpu.memory_space<vmem>> -> memref<128x64xf32, #tpu.memory_space<vmem>>
      %dma_start3A_1072 = arith.constant 0 : i32
      %dma_start3A_1073 = tpu.memref_slice %arg5[%add3A_1044, %dma_start3A_1072] : memref<200x128xi32, #tpu.memory_space<vmem>> -> memref<1x128xi32, #tpu.memory_space<vmem>>
      %dma_start3A_1074 = tpu.memref_squeeze %dma_start3A_1073 : memref<1x128xi32, #tpu.memory_space<vmem>> -> memref<128xi32, #tpu.memory_space<vmem>>
      %dma_start3A_1075 = arith.constant 0 : i32
      %dma_start3A_1076 = arith.constant 0 : i32
      %dma_start3A_1077 = tpu.memref_slice %arg2[%dma_start3A_1075, %dma_start3A_1076] : memref<1000000x64xf32, #tpu.memory_space<hbm>> -> memref<1000000x64xf32, #tpu.memory_space<hbm>>
      %dma_start3A_1078 = tpu.memref_slice %arg7[%dma_start3A_1067] : memref<10x!tpu.dma_semaphore, #tpu.memory_space<semaphore_mem>> -> memref<1x!tpu.dma_semaphore, #tpu.memory_space<semaphore_mem>>
      %dma_start3A_1079 = tpu.memref_squeeze %dma_start3A_1078 : memref<1x!tpu.dma_semaphore, #tpu.memory_space<semaphore_mem>> -> memref<!tpu.dma_semaphore, #tpu.memory_space<semaphore_mem>>
      tpu.enqueue_indirect_dma source(%dma_start3A_1077 : memref<1000000x64xf32, #tpu.memory_space<hbm>>) target(%dma_start3A_1071 : memref<128x64xf32, #tpu.memory_space<vmem>>) offsets(%dma_start3A_1074 : memref<128xi32, #tpu.memory_space<vmem>>) semaphore(%dma_start3A_1079 : memref<!tpu.dma_semaphore, #tpu.memory_space<semaphore_mem>>)
      %sub3A_1080 = arith.constant 8 : i32
      %sub3A_1081 = arith.subi %add3A_1044, %sub3A_1080 : i32
      %dma_wait3A_1082 = arith.constant 7 : i32
      %dma_wait3A_1083 = arith.constant 7 : i32
      %dma_wait3A_1084 = arith.constant 0 : i32
      %dma_wait3A_1085 = arith.constant 0 : i32
      %dma_wait3A_1086 = tpu.memref_slice %arg6[%dma_wait3A_1082, %dma_wait3A_1084, %dma_wait3A_1085] : memref<10x128x64xf32, #tpu.memory_space<vmem>> -> memref<1x128x64xf32, #tpu.memory_space<vmem>>
      %dma_wait3A_1087 = tpu.memref_squeeze %dma_wait3A_1086 : memref<1x128x64xf32, #tpu.memory_space<vmem>> -> memref<128x64xf32, #tpu.memory_space<vmem>>
      %dma_wait3A_1088 = arith.constant 0 : i32
      %dma_wait3A_1089 = tpu.memref_slice %arg5[%sub3A_1081, %dma_wait3A_1088] : memref<200x128xi32, #tpu.memory_space<vmem>> -> memref<1x128xi32, #tpu.memory_space<vmem>>
      %dma_wait3A_1090 = tpu.memref_squeeze %dma_wait3A_1089 : memref<1x128xi32, #tpu.memory_space<vmem>> -> memref<128xi32, #tpu.memory_space<vmem>>
      %dma_wait3A_1091 = arith.constant 0 : i32
      %dma_wait3A_1092 = arith.constant 0 : i32
      %dma_wait3A_1093 = tpu.memref_slice %arg2[%dma_wait3A_1091, %dma_wait3A_1092] : memref<1000000x64xf32, #tpu.memory_space<hbm>> -> memref<1000000x64xf32, #tpu.memory_space<hbm>>
      %dma_wait3A_1094 = tpu.memref_slice %arg7[%dma_wait3A_1083] : memref<10x!tpu.dma_semaphore, #tpu.memory_space<semaphore_mem>> -> memref<1x!tpu.dma_semaphore, #tpu.memory_space<semaphore_mem>>
      %dma_wait3A_1095 = tpu.memref_squeeze %dma_wait3A_1094 : memref<1x!tpu.dma_semaphore, #tpu.memory_space<semaphore_mem>> -> memref<!tpu.dma_semaphore, #tpu.memory_space<semaphore_mem>>
      tpu.wait_indirect_dma semaphore(%dma_wait3A_1095 : memref<!tpu.dma_semaphore, #tpu.memory_space<semaphore_mem>>) src(%dma_wait3A_1093 : memref<1000000x64xf32, #tpu.memory_space<hbm>>) dst(%dma_wait3A_1087 : memref<128x64xf32, #tpu.memory_space<vmem>>)
      %mul3A_1096 = arith.constant 128 : i32
      %mul3A_1097 = arith.muli %sub3A_1081, %mul3A_1096 : i32
      %add3A_1098 = arith.addi %mul3A_4, %mul3A_1097 : i32
      %dma_start3A_1099 = arith.constant 7 : i32
      %dma_start3A_1100 = arith.constant 7 : i32
      %dma_start3A_1101 = arith.constant 0 : i32
      %dma_start3A_1102 = arith.constant 0 : i32
      %dma_start3A_1103 = tpu.memref_slice %arg6[%dma_start3A_1099, %dma_start3A_1101, %dma_start3A_1102] : memref<10x128x64xf32, #tpu.memory_space<vmem>> -> memref<1x128x64xf32, #tpu.memory_space<vmem>>
      %dma_start3A_1104 = tpu.memref_squeeze %dma_start3A_1103 : memref<1x128x64xf32, #tpu.memory_space<vmem>> -> memref<128x64xf32, #tpu.memory_space<vmem>>
      %dma_start3A_1105 = arith.constant 0 : i32
      %dma_start3A_1106 = tpu.memref_slice %arg4[%add3A_1098, %dma_start3A_1105] : memref<819200x64xf32, #tpu.memory_space<hbm>> -> memref<128x64xf32, #tpu.memory_space<hbm>>
      %dma_start3A_1107 = tpu.memref_slice %arg8[%dma_start3A_1100] : memref<10x!tpu.dma_semaphore, #tpu.memory_space<semaphore_mem>> -> memref<1x!tpu.dma_semaphore, #tpu.memory_space<semaphore_mem>>
      %dma_start3A_1108 = tpu.memref_squeeze %dma_start3A_1107 : memref<1x!tpu.dma_semaphore, #tpu.memory_space<semaphore_mem>> -> memref<!tpu.dma_semaphore, #tpu.memory_space<semaphore_mem>>
      %dma_start3A_1109 = arith.constant 0 : i32
      %dma_start3A_1110 = tpu.memref_slice %arg4[%add3A_1098, %dma_start3A_1109] : memref<819200x64xf32, #tpu.memory_space<hbm>> -> memref<128x64xf32, #tpu.memory_space<hbm>>
      %dma_start3A_1111 = arith.constant 0 : i32
      %dma_start3A_1112 = arith.constant 0 : i32
      %dma_start3A_1113 = tpu.memref_slice %arg6[%dma_start3A_1099, %dma_start3A_1111, %dma_start3A_1112] : memref<10x128x64xf32, #tpu.memory_space<vmem>> -> memref<1x128x64xf32, #tpu.memory_space<vmem>>
      %dma_start3A_1114 = tpu.memref_squeeze %dma_start3A_1113 : memref<1x128x64xf32, #tpu.memory_space<vmem>> -> memref<128x64xf32, #tpu.memory_space<vmem>>
      tpu.enqueue_dma source(%dma_start3A_1114 : memref<128x64xf32, #tpu.memory_space<vmem>>) target(%dma_start3A_1110 : memref<128x64xf32, #tpu.memory_space<hbm>>) target_semaphore(%dma_start3A_1108 : memref<!tpu.dma_semaphore, #tpu.memory_space<semaphore_mem>>)
      %mul3A_1115 = arith.constant 10 : i32
      %mul3A_1116 = arith.muli %add3A_671, %mul3A_1115 : i32
      %add3A_1117 = arith.constant 6 : i32
      %add3A_1118 = arith.addi %mul3A_1116, %add3A_1117 : i32
      %sub3A_1119 = arith.constant 10 : i32
      %sub3A_1120 = arith.subi %add3A_1118, %sub3A_1119 : i32
      %mul3A_1121 = arith.constant 128 : i32
      %mul3A_1122 = arith.muli %sub3A_1120, %mul3A_1121 : i32
      %add3A_1123 = arith.addi %mul3A_4, %mul3A_1122 : i32
      %dma_wait3A_1124 = arith.constant 6 : i32
      %dma_wait3A_1125 = arith.constant 6 : i32
      %dma_wait3A_1126 = arith.constant 0 : i32
      %dma_wait3A_1127 = arith.constant 0 : i32
      %dma_wait3A_1128 = tpu.memref_slice %arg6[%dma_wait3A_1124, %dma_wait3A_1126, %dma_wait3A_1127] : memref<10x128x64xf32, #tpu.memory_space<vmem>> -> memref<1x128x64xf32, #tpu.memory_space<vmem>>
      %dma_wait3A_1129 = tpu.memref_squeeze %dma_wait3A_1128 : memref<1x128x64xf32, #tpu.memory_space<vmem>> -> memref<128x64xf32, #tpu.memory_space<vmem>>
      %dma_wait3A_1130 = arith.constant 0 : i32
      %dma_wait3A_1131 = tpu.memref_slice %arg4[%add3A_1123, %dma_wait3A_1130] : memref<819200x64xf32, #tpu.memory_space<hbm>> -> memref<128x64xf32, #tpu.memory_space<hbm>>
      %dma_wait3A_1132 = tpu.memref_slice %arg8[%dma_wait3A_1125] : memref<10x!tpu.dma_semaphore, #tpu.memory_space<semaphore_mem>> -> memref<1x!tpu.dma_semaphore, #tpu.memory_space<semaphore_mem>>
      %dma_wait3A_1133 = tpu.memref_squeeze %dma_wait3A_1132 : memref<1x!tpu.dma_semaphore, #tpu.memory_space<semaphore_mem>> -> memref<!tpu.dma_semaphore, #tpu.memory_space<semaphore_mem>>
      %dma_wait3A_1134 = arith.constant 0 : i32
      %dma_wait3A_1135 = tpu.memref_slice %arg4[%add3A_1123, %dma_wait3A_1134] : memref<819200x64xf32, #tpu.memory_space<hbm>> -> memref<128x64xf32, #tpu.memory_space<hbm>>
      %dma_wait3A_1136 = arith.constant 0 : i32
      %dma_wait3A_1137 = arith.constant 0 : i32
      %dma_wait3A_1138 = tpu.memref_slice %arg6[%dma_wait3A_1124, %dma_wait3A_1136, %dma_wait3A_1137] : memref<10x128x64xf32, #tpu.memory_space<vmem>> -> memref<1x128x64xf32, #tpu.memory_space<vmem>>
      %dma_wait3A_1139 = tpu.memref_squeeze %dma_wait3A_1138 : memref<1x128x64xf32, #tpu.memory_space<vmem>> -> memref<128x64xf32, #tpu.memory_space<vmem>>
      tpu.wait_dma2 semaphore(%dma_wait3A_1133 : memref<!tpu.dma_semaphore, #tpu.memory_space<semaphore_mem>>) src(%dma_wait3A_1139 : memref<128x64xf32, #tpu.memory_space<vmem>>) dst(%dma_wait3A_1135 : memref<128x64xf32, #tpu.memory_space<hbm>>)
      %dma_start3A_1140 = arith.constant 6 : i32
      %dma_start3A_1141 = arith.constant 6 : i32
      %dma_start3A_1142 = arith.constant 0 : i32
      %dma_start3A_1143 = arith.constant 0 : i32
      %dma_start3A_1144 = tpu.memref_slice %arg6[%dma_start3A_1140, %dma_start3A_1142, %dma_start3A_1143] : memref<10x128x64xf32, #tpu.memory_space<vmem>> -> memref<1x128x64xf32, #tpu.memory_space<vmem>>
      %dma_start3A_1145 = tpu.memref_squeeze %dma_start3A_1144 : memref<1x128x64xf32, #tpu.memory_space<vmem>> -> memref<128x64xf32, #tpu.memory_space<vmem>>
      %dma_start3A_1146 = arith.constant 0 : i32
      %dma_start3A_1147 = tpu.memref_slice %arg5[%add3A_1118, %dma_start3A_1146] : memref<200x128xi32, #tpu.memory_space<vmem>> -> memref<1x128xi32, #tpu.memory_space<vmem>>
      %dma_start3A_1148 = tpu.memref_squeeze %dma_start3A_1147 : memref<1x128xi32, #tpu.memory_space<vmem>> -> memref<128xi32, #tpu.memory_space<vmem>>
      %dma_start3A_1149 = arith.constant 0 : i32
      %dma_start3A_1150 = arith.constant 0 : i32
      %dma_start3A_1151 = tpu.memref_slice %arg2[%dma_start3A_1149, %dma_start3A_1150] : memref<1000000x64xf32, #tpu.memory_space<hbm>> -> memref<1000000x64xf32, #tpu.memory_space<hbm>>
      %dma_start3A_1152 = tpu.memref_slice %arg7[%dma_start3A_1141] : memref<10x!tpu.dma_semaphore, #tpu.memory_space<semaphore_mem>> -> memref<1x!tpu.dma_semaphore, #tpu.memory_space<semaphore_mem>>
      %dma_start3A_1153 = tpu.memref_squeeze %dma_start3A_1152 : memref<1x!tpu.dma_semaphore, #tpu.memory_space<semaphore_mem>> -> memref<!tpu.dma_semaphore, #tpu.memory_space<semaphore_mem>>
      tpu.enqueue_indirect_dma source(%dma_start3A_1151 : memref<1000000x64xf32, #tpu.memory_space<hbm>>) target(%dma_start3A_1145 : memref<128x64xf32, #tpu.memory_space<vmem>>) offsets(%dma_start3A_1148 : memref<128xi32, #tpu.memory_space<vmem>>) semaphore(%dma_start3A_1153 : memref<!tpu.dma_semaphore, #tpu.memory_space<semaphore_mem>>)
      %sub3A_1154 = arith.constant 8 : i32
      %sub3A_1155 = arith.subi %add3A_1118, %sub3A_1154 : i32
      %dma_wait3A_1156 = arith.constant 8 : i32
      %dma_wait3A_1157 = arith.constant 8 : i32
      %dma_wait3A_1158 = arith.constant 0 : i32
      %dma_wait3A_1159 = arith.constant 0 : i32
      %dma_wait3A_1160 = tpu.memref_slice %arg6[%dma_wait3A_1156, %dma_wait3A_1158, %dma_wait3A_1159] : memref<10x128x64xf32, #tpu.memory_space<vmem>> -> memref<1x128x64xf32, #tpu.memory_space<vmem>>
      %dma_wait3A_1161 = tpu.memref_squeeze %dma_wait3A_1160 : memref<1x128x64xf32, #tpu.memory_space<vmem>> -> memref<128x64xf32, #tpu.memory_space<vmem>>
      %dma_wait3A_1162 = arith.constant 0 : i32
      %dma_wait3A_1163 = tpu.memref_slice %arg5[%sub3A_1155, %dma_wait3A_1162] : memref<200x128xi32, #tpu.memory_space<vmem>> -> memref<1x128xi32, #tpu.memory_space<vmem>>
      %dma_wait3A_1164 = tpu.memref_squeeze %dma_wait3A_1163 : memref<1x128xi32, #tpu.memory_space<vmem>> -> memref<128xi32, #tpu.memory_space<vmem>>
      %dma_wait3A_1165 = arith.constant 0 : i32
      %dma_wait3A_1166 = arith.constant 0 : i32
      %dma_wait3A_1167 = tpu.memref_slice %arg2[%dma_wait3A_1165, %dma_wait3A_1166] : memref<1000000x64xf32, #tpu.memory_space<hbm>> -> memref<1000000x64xf32, #tpu.memory_space<hbm>>
      %dma_wait3A_1168 = tpu.memref_slice %arg7[%dma_wait3A_1157] : memref<10x!tpu.dma_semaphore, #tpu.memory_space<semaphore_mem>> -> memref<1x!tpu.dma_semaphore, #tpu.memory_space<semaphore_mem>>
      %dma_wait3A_1169 = tpu.memref_squeeze %dma_wait3A_1168 : memref<1x!tpu.dma_semaphore, #tpu.memory_space<semaphore_mem>> -> memref<!tpu.dma_semaphore, #tpu.memory_space<semaphore_mem>>
      tpu.wait_indirect_dma semaphore(%dma_wait3A_1169 : memref<!tpu.dma_semaphore, #tpu.memory_space<semaphore_mem>>) src(%dma_wait3A_1167 : memref<1000000x64xf32, #tpu.memory_space<hbm>>) dst(%dma_wait3A_1161 : memref<128x64xf32, #tpu.memory_space<vmem>>)
      %mul3A_1170 = arith.constant 128 : i32
      %mul3A_1171 = arith.muli %sub3A_1155, %mul3A_1170 : i32
      %add3A_1172 = arith.addi %mul3A_4, %mul3A_1171 : i32
      %dma_start3A_1173 = arith.constant 8 : i32
      %dma_start3A_1174 = arith.constant 8 : i32
      %dma_start3A_1175 = arith.constant 0 : i32
      %dma_start3A_1176 = arith.constant 0 : i32
      %dma_start3A_1177 = tpu.memref_slice %arg6[%dma_start3A_1173, %dma_start3A_1175, %dma_start3A_1176] : memref<10x128x64xf32, #tpu.memory_space<vmem>> -> memref<1x128x64xf32, #tpu.memory_space<vmem>>
      %dma_start3A_1178 = tpu.memref_squeeze %dma_start3A_1177 : memref<1x128x64xf32, #tpu.memory_space<vmem>> -> memref<128x64xf32, #tpu.memory_space<vmem>>
      %dma_start3A_1179 = arith.constant 0 : i32
      %dma_start3A_1180 = tpu.memref_slice %arg4[%add3A_1172, %dma_start3A_1179] : memref<819200x64xf32, #tpu.memory_space<hbm>> -> memref<128x64xf32, #tpu.memory_space<hbm>>
      %dma_start3A_1181 = tpu.memref_slice %arg8[%dma_start3A_1174] : memref<10x!tpu.dma_semaphore, #tpu.memory_space<semaphore_mem>> -> memref<1x!tpu.dma_semaphore, #tpu.memory_space<semaphore_mem>>
      %dma_start3A_1182 = tpu.memref_squeeze %dma_start3A_1181 : memref<1x!tpu.dma_semaphore, #tpu.memory_space<semaphore_mem>> -> memref<!tpu.dma_semaphore, #tpu.memory_space<semaphore_mem>>
      %dma_start3A_1183 = arith.constant 0 : i32
      %dma_start3A_1184 = tpu.memref_slice %arg4[%add3A_1172, %dma_start3A_1183] : memref<819200x64xf32, #tpu.memory_space<hbm>> -> memref<128x64xf32, #tpu.memory_space<hbm>>
      %dma_start3A_1185 = arith.constant 0 : i32
      %dma_start3A_1186 = arith.constant 0 : i32
      %dma_start3A_1187 = tpu.memref_slice %arg6[%dma_start3A_1173, %dma_start3A_1185, %dma_start3A_1186] : memref<10x128x64xf32, #tpu.memory_space<vmem>> -> memref<1x128x64xf32, #tpu.memory_space<vmem>>
      %dma_start3A_1188 = tpu.memref_squeeze %dma_start3A_1187 : memref<1x128x64xf32, #tpu.memory_space<vmem>> -> memref<128x64xf32, #tpu.memory_space<vmem>>
      tpu.enqueue_dma source(%dma_start3A_1188 : memref<128x64xf32, #tpu.memory_space<vmem>>) target(%dma_start3A_1184 : memref<128x64xf32, #tpu.memory_space<hbm>>) target_semaphore(%dma_start3A_1182 : memref<!tpu.dma_semaphore, #tpu.memory_space<semaphore_mem>>)
      %mul3A_1189 = arith.constant 10 : i32
      %mul3A_1190 = arith.muli %add3A_671, %mul3A_1189 : i32
      %add3A_1191 = arith.constant 7 : i32
      %add3A_1192 = arith.addi %mul3A_1190, %add3A_1191 : i32
      %sub3A_1193 = arith.constant 10 : i32
      %sub3A_1194 = arith.subi %add3A_1192, %sub3A_1193 : i32
      %mul3A_1195 = arith.constant 128 : i32
      %mul3A_1196 = arith.muli %sub3A_1194, %mul3A_1195 : i32
      %add3A_1197 = arith.addi %mul3A_4, %mul3A_1196 : i32
      %dma_wait3A_1198 = arith.constant 7 : i32
      %dma_wait3A_1199 = arith.constant 7 : i32
      %dma_wait3A_1200 = arith.constant 0 : i32
      %dma_wait3A_1201 = arith.constant 0 : i32
      %dma_wait3A_1202 = tpu.memref_slice %arg6[%dma_wait3A_1198, %dma_wait3A_1200, %dma_wait3A_1201] : memref<10x128x64xf32, #tpu.memory_space<vmem>> -> memref<1x128x64xf32, #tpu.memory_space<vmem>>
      %dma_wait3A_1203 = tpu.memref_squeeze %dma_wait3A_1202 : memref<1x128x64xf32, #tpu.memory_space<vmem>> -> memref<128x64xf32, #tpu.memory_space<vmem>>
      %dma_wait3A_1204 = arith.constant 0 : i32
      %dma_wait3A_1205 = tpu.memref_slice %arg4[%add3A_1197, %dma_wait3A_1204] : memref<819200x64xf32, #tpu.memory_space<hbm>> -> memref<128x64xf32, #tpu.memory_space<hbm>>
      %dma_wait3A_1206 = tpu.memref_slice %arg8[%dma_wait3A_1199] : memref<10x!tpu.dma_semaphore, #tpu.memory_space<semaphore_mem>> -> memref<1x!tpu.dma_semaphore, #tpu.memory_space<semaphore_mem>>
      %dma_wait3A_1207 = tpu.memref_squeeze %dma_wait3A_1206 : memref<1x!tpu.dma_semaphore, #tpu.memory_space<semaphore_mem>> -> memref<!tpu.dma_semaphore, #tpu.memory_space<semaphore_mem>>
      %dma_wait3A_1208 = arith.constant 0 : i32
      %dma_wait3A_1209 = tpu.memref_slice %arg4[%add3A_1197, %dma_wait3A_1208] : memref<819200x64xf32, #tpu.memory_space<hbm>> -> memref<128x64xf32, #tpu.memory_space<hbm>>
      %dma_wait3A_1210 = arith.constant 0 : i32
      %dma_wait3A_1211 = arith.constant 0 : i32
      %dma_wait3A_1212 = tpu.memref_slice %arg6[%dma_wait3A_1198, %dma_wait3A_1210, %dma_wait3A_1211] : memref<10x128x64xf32, #tpu.memory_space<vmem>> -> memref<1x128x64xf32, #tpu.memory_space<vmem>>
      %dma_wait3A_1213 = tpu.memref_squeeze %dma_wait3A_1212 : memref<1x128x64xf32, #tpu.memory_space<vmem>> -> memref<128x64xf32, #tpu.memory_space<vmem>>
      tpu.wait_dma2 semaphore(%dma_wait3A_1207 : memref<!tpu.dma_semaphore, #tpu.memory_space<semaphore_mem>>) src(%dma_wait3A_1213 : memref<128x64xf32, #tpu.memory_space<vmem>>) dst(%dma_wait3A_1209 : memref<128x64xf32, #tpu.memory_space<hbm>>)
      %dma_start3A_1214 = arith.constant 7 : i32
      %dma_start3A_1215 = arith.constant 7 : i32
      %dma_start3A_1216 = arith.constant 0 : i32
      %dma_start3A_1217 = arith.constant 0 : i32
      %dma_start3A_1218 = tpu.memref_slice %arg6[%dma_start3A_1214, %dma_start3A_1216, %dma_start3A_1217] : memref<10x128x64xf32, #tpu.memory_space<vmem>> -> memref<1x128x64xf32, #tpu.memory_space<vmem>>
      %dma_start3A_1219 = tpu.memref_squeeze %dma_start3A_1218 : memref<1x128x64xf32, #tpu.memory_space<vmem>> -> memref<128x64xf32, #tpu.memory_space<vmem>>
      %dma_start3A_1220 = arith.constant 0 : i32
      %dma_start3A_1221 = tpu.memref_slice %arg5[%add3A_1192, %dma_start3A_1220] : memref<200x128xi32, #tpu.memory_space<vmem>> -> memref<1x128xi32, #tpu.memory_space<vmem>>
      %dma_start3A_1222 = tpu.memref_squeeze %dma_start3A_1221 : memref<1x128xi32, #tpu.memory_space<vmem>> -> memref<128xi32, #tpu.memory_space<vmem>>
      %dma_start3A_1223 = arith.constant 0 : i32
      %dma_start3A_1224 = arith.constant 0 : i32
      %dma_start3A_1225 = tpu.memref_slice %arg2[%dma_start3A_1223, %dma_start3A_1224] : memref<1000000x64xf32, #tpu.memory_space<hbm>> -> memref<1000000x64xf32, #tpu.memory_space<hbm>>
      %dma_start3A_1226 = tpu.memref_slice %arg7[%dma_start3A_1215] : memref<10x!tpu.dma_semaphore, #tpu.memory_space<semaphore_mem>> -> memref<1x!tpu.dma_semaphore, #tpu.memory_space<semaphore_mem>>
      %dma_start3A_1227 = tpu.memref_squeeze %dma_start3A_1226 : memref<1x!tpu.dma_semaphore, #tpu.memory_space<semaphore_mem>> -> memref<!tpu.dma_semaphore, #tpu.memory_space<semaphore_mem>>
      tpu.enqueue_indirect_dma source(%dma_start3A_1225 : memref<1000000x64xf32, #tpu.memory_space<hbm>>) target(%dma_start3A_1219 : memref<128x64xf32, #tpu.memory_space<vmem>>) offsets(%dma_start3A_1222 : memref<128xi32, #tpu.memory_space<vmem>>) semaphore(%dma_start3A_1227 : memref<!tpu.dma_semaphore, #tpu.memory_space<semaphore_mem>>)
      %sub3A_1228 = arith.constant 8 : i32
      %sub3A_1229 = arith.subi %add3A_1192, %sub3A_1228 : i32
      %dma_wait3A_1230 = arith.constant 9 : i32
      %dma_wait3A_1231 = arith.constant 9 : i32
      %dma_wait3A_1232 = arith.constant 0 : i32
      %dma_wait3A_1233 = arith.constant 0 : i32
      %dma_wait3A_1234 = tpu.memref_slice %arg6[%dma_wait3A_1230, %dma_wait3A_1232, %dma_wait3A_1233] : memref<10x128x64xf32, #tpu.memory_space<vmem>> -> memref<1x128x64xf32, #tpu.memory_space<vmem>>
      %dma_wait3A_1235 = tpu.memref_squeeze %dma_wait3A_1234 : memref<1x128x64xf32, #tpu.memory_space<vmem>> -> memref<128x64xf32, #tpu.memory_space<vmem>>
      %dma_wait3A_1236 = arith.constant 0 : i32
      %dma_wait3A_1237 = tpu.memref_slice %arg5[%sub3A_1229, %dma_wait3A_1236] : memref<200x128xi32, #tpu.memory_space<vmem>> -> memref<1x128xi32, #tpu.memory_space<vmem>>
      %dma_wait3A_1238 = tpu.memref_squeeze %dma_wait3A_1237 : memref<1x128xi32, #tpu.memory_space<vmem>> -> memref<128xi32, #tpu.memory_space<vmem>>
      %dma_wait3A_1239 = arith.constant 0 : i32
      %dma_wait3A_1240 = arith.constant 0 : i32
      %dma_wait3A_1241 = tpu.memref_slice %arg2[%dma_wait3A_1239, %dma_wait3A_1240] : memref<1000000x64xf32, #tpu.memory_space<hbm>> -> memref<1000000x64xf32, #tpu.memory_space<hbm>>
      %dma_wait3A_1242 = tpu.memref_slice %arg7[%dma_wait3A_1231] : memref<10x!tpu.dma_semaphore, #tpu.memory_space<semaphore_mem>> -> memref<1x!tpu.dma_semaphore, #tpu.memory_space<semaphore_mem>>
      %dma_wait3A_1243 = tpu.memref_squeeze %dma_wait3A_1242 : memref<1x!tpu.dma_semaphore, #tpu.memory_space<semaphore_mem>> -> memref<!tpu.dma_semaphore, #tpu.memory_space<semaphore_mem>>
      tpu.wait_indirect_dma semaphore(%dma_wait3A_1243 : memref<!tpu.dma_semaphore, #tpu.memory_space<semaphore_mem>>) src(%dma_wait3A_1241 : memref<1000000x64xf32, #tpu.memory_space<hbm>>) dst(%dma_wait3A_1235 : memref<128x64xf32, #tpu.memory_space<vmem>>)
      %mul3A_1244 = arith.constant 128 : i32
      %mul3A_1245 = arith.muli %sub3A_1229, %mul3A_1244 : i32
      %add3A_1246 = arith.addi %mul3A_4, %mul3A_1245 : i32
      %dma_start3A_1247 = arith.constant 9 : i32
      %dma_start3A_1248 = arith.constant 9 : i32
      %dma_start3A_1249 = arith.constant 0 : i32
      %dma_start3A_1250 = arith.constant 0 : i32
      %dma_start3A_1251 = tpu.memref_slice %arg6[%dma_start3A_1247, %dma_start3A_1249, %dma_start3A_1250] : memref<10x128x64xf32, #tpu.memory_space<vmem>> -> memref<1x128x64xf32, #tpu.memory_space<vmem>>
      %dma_start3A_1252 = tpu.memref_squeeze %dma_start3A_1251 : memref<1x128x64xf32, #tpu.memory_space<vmem>> -> memref<128x64xf32, #tpu.memory_space<vmem>>
      %dma_start3A_1253 = arith.constant 0 : i32
      %dma_start3A_1254 = tpu.memref_slice %arg4[%add3A_1246, %dma_start3A_1253] : memref<819200x64xf32, #tpu.memory_space<hbm>> -> memref<128x64xf32, #tpu.memory_space<hbm>>
      %dma_start3A_1255 = tpu.memref_slice %arg8[%dma_start3A_1248] : memref<10x!tpu.dma_semaphore, #tpu.memory_space<semaphore_mem>> -> memref<1x!tpu.dma_semaphore, #tpu.memory_space<semaphore_mem>>
      %dma_start3A_1256 = tpu.memref_squeeze %dma_start3A_1255 : memref<1x!tpu.dma_semaphore, #tpu.memory_space<semaphore_mem>> -> memref<!tpu.dma_semaphore, #tpu.memory_space<semaphore_mem>>
      %dma_start3A_1257 = arith.constant 0 : i32
      %dma_start3A_1258 = tpu.memref_slice %arg4[%add3A_1246, %dma_start3A_1257] : memref<819200x64xf32, #tpu.memory_space<hbm>> -> memref<128x64xf32, #tpu.memory_space<hbm>>
      %dma_start3A_1259 = arith.constant 0 : i32
      %dma_start3A_1260 = arith.constant 0 : i32
      %dma_start3A_1261 = tpu.memref_slice %arg6[%dma_start3A_1247, %dma_start3A_1259, %dma_start3A_1260] : memref<10x128x64xf32, #tpu.memory_space<vmem>> -> memref<1x128x64xf32, #tpu.memory_space<vmem>>
      %dma_start3A_1262 = tpu.memref_squeeze %dma_start3A_1261 : memref<1x128x64xf32, #tpu.memory_space<vmem>> -> memref<128x64xf32, #tpu.memory_space<vmem>>
      tpu.enqueue_dma source(%dma_start3A_1262 : memref<128x64xf32, #tpu.memory_space<vmem>>) target(%dma_start3A_1258 : memref<128x64xf32, #tpu.memory_space<hbm>>) target_semaphore(%dma_start3A_1256 : memref<!tpu.dma_semaphore, #tpu.memory_space<semaphore_mem>>)
      %mul3A_1263 = arith.constant 10 : i32
      %mul3A_1264 = arith.muli %add3A_671, %mul3A_1263 : i32
      %add3A_1265 = arith.constant 8 : i32
      %add3A_1266 = arith.addi %mul3A_1264, %add3A_1265 : i32
      %sub3A_1267 = arith.constant 10 : i32
      %sub3A_1268 = arith.subi %add3A_1266, %sub3A_1267 : i32
      %mul3A_1269 = arith.constant 128 : i32
      %mul3A_1270 = arith.muli %sub3A_1268, %mul3A_1269 : i32
      %add3A_1271 = arith.addi %mul3A_4, %mul3A_1270 : i32
      %dma_wait3A_1272 = arith.constant 8 : i32
      %dma_wait3A_1273 = arith.constant 8 : i32
      %dma_wait3A_1274 = arith.constant 0 : i32
      %dma_wait3A_1275 = arith.constant 0 : i32
      %dma_wait3A_1276 = tpu.memref_slice %arg6[%dma_wait3A_1272, %dma_wait3A_1274, %dma_wait3A_1275] : memref<10x128x64xf32, #tpu.memory_space<vmem>> -> memref<1x128x64xf32, #tpu.memory_space<vmem>>
      %dma_wait3A_1277 = tpu.memref_squeeze %dma_wait3A_1276 : memref<1x128x64xf32, #tpu.memory_space<vmem>> -> memref<128x64xf32, #tpu.memory_space<vmem>>
      %dma_wait3A_1278 = arith.constant 0 : i32
      %dma_wait3A_1279 = tpu.memref_slice %arg4[%add3A_1271, %dma_wait3A_1278] : memref<819200x64xf32, #tpu.memory_space<hbm>> -> memref<128x64xf32, #tpu.memory_space<hbm>>
      %dma_wait3A_1280 = tpu.memref_slice %arg8[%dma_wait3A_1273] : memref<10x!tpu.dma_semaphore, #tpu.memory_space<semaphore_mem>> -> memref<1x!tpu.dma_semaphore, #tpu.memory_space<semaphore_mem>>
      %dma_wait3A_1281 = tpu.memref_squeeze %dma_wait3A_1280 : memref<1x!tpu.dma_semaphore, #tpu.memory_space<semaphore_mem>> -> memref<!tpu.dma_semaphore, #tpu.memory_space<semaphore_mem>>
      %dma_wait3A_1282 = arith.constant 0 : i32
      %dma_wait3A_1283 = tpu.memref_slice %arg4[%add3A_1271, %dma_wait3A_1282] : memref<819200x64xf32, #tpu.memory_space<hbm>> -> memref<128x64xf32, #tpu.memory_space<hbm>>
      %dma_wait3A_1284 = arith.constant 0 : i32
      %dma_wait3A_1285 = arith.constant 0 : i32
      %dma_wait3A_1286 = tpu.memref_slice %arg6[%dma_wait3A_1272, %dma_wait3A_1284, %dma_wait3A_1285] : memref<10x128x64xf32, #tpu.memory_space<vmem>> -> memref<1x128x64xf32, #tpu.memory_space<vmem>>
      %dma_wait3A_1287 = tpu.memref_squeeze %dma_wait3A_1286 : memref<1x128x64xf32, #tpu.memory_space<vmem>> -> memref<128x64xf32, #tpu.memory_space<vmem>>
      tpu.wait_dma2 semaphore(%dma_wait3A_1281 : memref<!tpu.dma_semaphore, #tpu.memory_space<semaphore_mem>>) src(%dma_wait3A_1287 : memref<128x64xf32, #tpu.memory_space<vmem>>) dst(%dma_wait3A_1283 : memref<128x64xf32, #tpu.memory_space<hbm>>)
      %dma_start3A_1288 = arith.constant 8 : i32
      %dma_start3A_1289 = arith.constant 8 : i32
      %dma_start3A_1290 = arith.constant 0 : i32
      %dma_start3A_1291 = arith.constant 0 : i32
      %dma_start3A_1292 = tpu.memref_slice %arg6[%dma_start3A_1288, %dma_start3A_1290, %dma_start3A_1291] : memref<10x128x64xf32, #tpu.memory_space<vmem>> -> memref<1x128x64xf32, #tpu.memory_space<vmem>>
      %dma_start3A_1293 = tpu.memref_squeeze %dma_start3A_1292 : memref<1x128x64xf32, #tpu.memory_space<vmem>> -> memref<128x64xf32, #tpu.memory_space<vmem>>
      %dma_start3A_1294 = arith.constant 0 : i32
      %dma_start3A_1295 = tpu.memref_slice %arg5[%add3A_1266, %dma_start3A_1294] : memref<200x128xi32, #tpu.memory_space<vmem>> -> memref<1x128xi32, #tpu.memory_space<vmem>>
      %dma_start3A_1296 = tpu.memref_squeeze %dma_start3A_1295 : memref<1x128xi32, #tpu.memory_space<vmem>> -> memref<128xi32, #tpu.memory_space<vmem>>
      %dma_start3A_1297 = arith.constant 0 : i32
      %dma_start3A_1298 = arith.constant 0 : i32
      %dma_start3A_1299 = tpu.memref_slice %arg2[%dma_start3A_1297, %dma_start3A_1298] : memref<1000000x64xf32, #tpu.memory_space<hbm>> -> memref<1000000x64xf32, #tpu.memory_space<hbm>>
      %dma_start3A_1300 = tpu.memref_slice %arg7[%dma_start3A_1289] : memref<10x!tpu.dma_semaphore, #tpu.memory_space<semaphore_mem>> -> memref<1x!tpu.dma_semaphore, #tpu.memory_space<semaphore_mem>>
      %dma_start3A_1301 = tpu.memref_squeeze %dma_start3A_1300 : memref<1x!tpu.dma_semaphore, #tpu.memory_space<semaphore_mem>> -> memref<!tpu.dma_semaphore, #tpu.memory_space<semaphore_mem>>
      tpu.enqueue_indirect_dma source(%dma_start3A_1299 : memref<1000000x64xf32, #tpu.memory_space<hbm>>) target(%dma_start3A_1293 : memref<128x64xf32, #tpu.memory_space<vmem>>) offsets(%dma_start3A_1296 : memref<128xi32, #tpu.memory_space<vmem>>) semaphore(%dma_start3A_1301 : memref<!tpu.dma_semaphore, #tpu.memory_space<semaphore_mem>>)
      %sub3A_1302 = arith.constant 8 : i32
      %sub3A_1303 = arith.subi %add3A_1266, %sub3A_1302 : i32
      %dma_wait3A_1304 = arith.constant 0 : i32
      %dma_wait3A_1305 = arith.constant 0 : i32
      %dma_wait3A_1306 = arith.constant 0 : i32
      %dma_wait3A_1307 = arith.constant 0 : i32
      %dma_wait3A_1308 = tpu.memref_slice %arg6[%dma_wait3A_1304, %dma_wait3A_1306, %dma_wait3A_1307] : memref<10x128x64xf32, #tpu.memory_space<vmem>> -> memref<1x128x64xf32, #tpu.memory_space<vmem>>
      %dma_wait3A_1309 = tpu.memref_squeeze %dma_wait3A_1308 : memref<1x128x64xf32, #tpu.memory_space<vmem>> -> memref<128x64xf32, #tpu.memory_space<vmem>>
      %dma_wait3A_1310 = arith.constant 0 : i32
      %dma_wait3A_1311 = tpu.memref_slice %arg5[%sub3A_1303, %dma_wait3A_1310] : memref<200x128xi32, #tpu.memory_space<vmem>> -> memref<1x128xi32, #tpu.memory_space<vmem>>
      %dma_wait3A_1312 = tpu.memref_squeeze %dma_wait3A_1311 : memref<1x128xi32, #tpu.memory_space<vmem>> -> memref<128xi32, #tpu.memory_space<vmem>>
      %dma_wait3A_1313 = arith.constant 0 : i32
      %dma_wait3A_1314 = arith.constant 0 : i32
      %dma_wait3A_1315 = tpu.memref_slice %arg2[%dma_wait3A_1313, %dma_wait3A_1314] : memref<1000000x64xf32, #tpu.memory_space<hbm>> -> memref<1000000x64xf32, #tpu.memory_space<hbm>>
      %dma_wait3A_1316 = tpu.memref_slice %arg7[%dma_wait3A_1305] : memref<10x!tpu.dma_semaphore, #tpu.memory_space<semaphore_mem>> -> memref<1x!tpu.dma_semaphore, #tpu.memory_space<semaphore_mem>>
      %dma_wait3A_1317 = tpu.memref_squeeze %dma_wait3A_1316 : memref<1x!tpu.dma_semaphore, #tpu.memory_space<semaphore_mem>> -> memref<!tpu.dma_semaphore, #tpu.memory_space<semaphore_mem>>
      tpu.wait_indirect_dma semaphore(%dma_wait3A_1317 : memref<!tpu.dma_semaphore, #tpu.memory_space<semaphore_mem>>) src(%dma_wait3A_1315 : memref<1000000x64xf32, #tpu.memory_space<hbm>>) dst(%dma_wait3A_1309 : memref<128x64xf32, #tpu.memory_space<vmem>>)
      %mul3A_1318 = arith.constant 128 : i32
      %mul3A_1319 = arith.muli %sub3A_1303, %mul3A_1318 : i32
      %add3A_1320 = arith.addi %mul3A_4, %mul3A_1319 : i32
      %dma_start3A_1321 = arith.constant 0 : i32
      %dma_start3A_1322 = arith.constant 0 : i32
      %dma_start3A_1323 = arith.constant 0 : i32
      %dma_start3A_1324 = arith.constant 0 : i32
      %dma_start3A_1325 = tpu.memref_slice %arg6[%dma_start3A_1321, %dma_start3A_1323, %dma_start3A_1324] : memref<10x128x64xf32, #tpu.memory_space<vmem>> -> memref<1x128x64xf32, #tpu.memory_space<vmem>>
      %dma_start3A_1326 = tpu.memref_squeeze %dma_start3A_1325 : memref<1x128x64xf32, #tpu.memory_space<vmem>> -> memref<128x64xf32, #tpu.memory_space<vmem>>
      %dma_start3A_1327 = arith.constant 0 : i32
      %dma_start3A_1328 = tpu.memref_slice %arg4[%add3A_1320, %dma_start3A_1327] : memref<819200x64xf32, #tpu.memory_space<hbm>> -> memref<128x64xf32, #tpu.memory_space<hbm>>
      %dma_start3A_1329 = tpu.memref_slice %arg8[%dma_start3A_1322] : memref<10x!tpu.dma_semaphore, #tpu.memory_space<semaphore_mem>> -> memref<1x!tpu.dma_semaphore, #tpu.memory_space<semaphore_mem>>
      %dma_start3A_1330 = tpu.memref_squeeze %dma_start3A_1329 : memref<1x!tpu.dma_semaphore, #tpu.memory_space<semaphore_mem>> -> memref<!tpu.dma_semaphore, #tpu.memory_space<semaphore_mem>>
      %dma_start3A_1331 = arith.constant 0 : i32
      %dma_start3A_1332 = tpu.memref_slice %arg4[%add3A_1320, %dma_start3A_1331] : memref<819200x64xf32, #tpu.memory_space<hbm>> -> memref<128x64xf32, #tpu.memory_space<hbm>>
      %dma_start3A_1333 = arith.constant 0 : i32
      %dma_start3A_1334 = arith.constant 0 : i32
      %dma_start3A_1335 = tpu.memref_slice %arg6[%dma_start3A_1321, %dma_start3A_1333, %dma_start3A_1334] : memref<10x128x64xf32, #tpu.memory_space<vmem>> -> memref<1x128x64xf32, #tpu.memory_space<vmem>>
      %dma_start3A_1336 = tpu.memref_squeeze %dma_start3A_1335 : memref<1x128x64xf32, #tpu.memory_space<vmem>> -> memref<128x64xf32, #tpu.memory_space<vmem>>
      tpu.enqueue_dma source(%dma_start3A_1336 : memref<128x64xf32, #tpu.memory_space<vmem>>) target(%dma_start3A_1332 : memref<128x64xf32, #tpu.memory_space<hbm>>) target_semaphore(%dma_start3A_1330 : memref<!tpu.dma_semaphore, #tpu.memory_space<semaphore_mem>>)
      %mul3A_1337 = arith.constant 10 : i32
      %mul3A_1338 = arith.muli %add3A_671, %mul3A_1337 : i32
      %add3A_1339 = arith.constant 9 : i32
      %add3A_1340 = arith.addi %mul3A_1338, %add3A_1339 : i32
      %sub3A_1341 = arith.constant 10 : i32
      %sub3A_1342 = arith.subi %add3A_1340, %sub3A_1341 : i32
      %mul3A_1343 = arith.constant 128 : i32
      %mul3A_1344 = arith.muli %sub3A_1342, %mul3A_1343 : i32
      %add3A_1345 = arith.addi %mul3A_4, %mul3A_1344 : i32
      %dma_wait3A_1346 = arith.constant 9 : i32
      %dma_wait3A_1347 = arith.constant 9 : i32
      %dma_wait3A_1348 = arith.constant 0 : i32
      %dma_wait3A_1349 = arith.constant 0 : i32
      %dma_wait3A_1350 = tpu.memref_slice %arg6[%dma_wait3A_1346, %dma_wait3A_1348, %dma_wait3A_1349] : memref<10x128x64xf32, #tpu.memory_space<vmem>> -> memref<1x128x64xf32, #tpu.memory_space<vmem>>
      %dma_wait3A_1351 = tpu.memref_squeeze %dma_wait3A_1350 : memref<1x128x64xf32, #tpu.memory_space<vmem>> -> memref<128x64xf32, #tpu.memory_space<vmem>>
      %dma_wait3A_1352 = arith.constant 0 : i32
      %dma_wait3A_1353 = tpu.memref_slice %arg4[%add3A_1345, %dma_wait3A_1352] : memref<819200x64xf32, #tpu.memory_space<hbm>> -> memref<128x64xf32, #tpu.memory_space<hbm>>
      %dma_wait3A_1354 = tpu.memref_slice %arg8[%dma_wait3A_1347] : memref<10x!tpu.dma_semaphore, #tpu.memory_space<semaphore_mem>> -> memref<1x!tpu.dma_semaphore, #tpu.memory_space<semaphore_mem>>
      %dma_wait3A_1355 = tpu.memref_squeeze %dma_wait3A_1354 : memref<1x!tpu.dma_semaphore, #tpu.memory_space<semaphore_mem>> -> memref<!tpu.dma_semaphore, #tpu.memory_space<semaphore_mem>>
      %dma_wait3A_1356 = arith.constant 0 : i32
      %dma_wait3A_1357 = tpu.memref_slice %arg4[%add3A_1345, %dma_wait3A_1356] : memref<819200x64xf32, #tpu.memory_space<hbm>> -> memref<128x64xf32, #tpu.memory_space<hbm>>
      %dma_wait3A_1358 = arith.constant 0 : i32
      %dma_wait3A_1359 = arith.constant 0 : i32
      %dma_wait3A_1360 = tpu.memref_slice %arg6[%dma_wait3A_1346, %dma_wait3A_1358, %dma_wait3A_1359] : memref<10x128x64xf32, #tpu.memory_space<vmem>> -> memref<1x128x64xf32, #tpu.memory_space<vmem>>
      %dma_wait3A_1361 = tpu.memref_squeeze %dma_wait3A_1360 : memref<1x128x64xf32, #tpu.memory_space<vmem>> -> memref<128x64xf32, #tpu.memory_space<vmem>>
      tpu.wait_dma2 semaphore(%dma_wait3A_1355 : memref<!tpu.dma_semaphore, #tpu.memory_space<semaphore_mem>>) src(%dma_wait3A_1361 : memref<128x64xf32, #tpu.memory_space<vmem>>) dst(%dma_wait3A_1357 : memref<128x64xf32, #tpu.memory_space<hbm>>)
      %dma_start3A_1362 = arith.constant 9 : i32
      %dma_start3A_1363 = arith.constant 9 : i32
      %dma_start3A_1364 = arith.constant 0 : i32
      %dma_start3A_1365 = arith.constant 0 : i32
      %dma_start3A_1366 = tpu.memref_slice %arg6[%dma_start3A_1362, %dma_start3A_1364, %dma_start3A_1365] : memref<10x128x64xf32, #tpu.memory_space<vmem>> -> memref<1x128x64xf32, #tpu.memory_space<vmem>>
      %dma_start3A_1367 = tpu.memref_squeeze %dma_start3A_1366 : memref<1x128x64xf32, #tpu.memory_space<vmem>> -> memref<128x64xf32, #tpu.memory_space<vmem>>
      %dma_start3A_1368 = arith.constant 0 : i32
      %dma_start3A_1369 = tpu.memref_slice %arg5[%add3A_1340, %dma_start3A_1368] : memref<200x128xi32, #tpu.memory_space<vmem>> -> memref<1x128xi32, #tpu.memory_space<vmem>>
      %dma_start3A_1370 = tpu.memref_squeeze %dma_start3A_1369 : memref<1x128xi32, #tpu.memory_space<vmem>> -> memref<128xi32, #tpu.memory_space<vmem>>
      %dma_start3A_1371 = arith.constant 0 : i32
      %dma_start3A_1372 = arith.constant 0 : i32
      %dma_start3A_1373 = tpu.memref_slice %arg2[%dma_start3A_1371, %dma_start3A_1372] : memref<1000000x64xf32, #tpu.memory_space<hbm>> -> memref<1000000x64xf32, #tpu.memory_space<hbm>>
      %dma_start3A_1374 = tpu.memref_slice %arg7[%dma_start3A_1363] : memref<10x!tpu.dma_semaphore, #tpu.memory_space<semaphore_mem>> -> memref<1x!tpu.dma_semaphore, #tpu.memory_space<semaphore_mem>>
      %dma_start3A_1375 = tpu.memref_squeeze %dma_start3A_1374 : memref<1x!tpu.dma_semaphore, #tpu.memory_space<semaphore_mem>> -> memref<!tpu.dma_semaphore, #tpu.memory_space<semaphore_mem>>
      tpu.enqueue_indirect_dma source(%dma_start3A_1373 : memref<1000000x64xf32, #tpu.memory_space<hbm>>) target(%dma_start3A_1367 : memref<128x64xf32, #tpu.memory_space<vmem>>) offsets(%dma_start3A_1370 : memref<128xi32, #tpu.memory_space<vmem>>) semaphore(%dma_start3A_1375 : memref<!tpu.dma_semaphore, #tpu.memory_space<semaphore_mem>>)
      %sub3A_1376 = arith.constant 8 : i32
      %sub3A_1377 = arith.subi %add3A_1340, %sub3A_1376 : i32
      %dma_wait3A_1378 = arith.constant 1 : i32
      %dma_wait3A_1379 = arith.constant 1 : i32
      %dma_wait3A_1380 = arith.constant 0 : i32
      %dma_wait3A_1381 = arith.constant 0 : i32
      %dma_wait3A_1382 = tpu.memref_slice %arg6[%dma_wait3A_1378, %dma_wait3A_1380, %dma_wait3A_1381] : memref<10x128x64xf32, #tpu.memory_space<vmem>> -> memref<1x128x64xf32, #tpu.memory_space<vmem>>
      %dma_wait3A_1383 = tpu.memref_squeeze %dma_wait3A_1382 : memref<1x128x64xf32, #tpu.memory_space<vmem>> -> memref<128x64xf32, #tpu.memory_space<vmem>>
      %dma_wait3A_1384 = arith.constant 0 : i32
      %dma_wait3A_1385 = tpu.memref_slice %arg5[%sub3A_1377, %dma_wait3A_1384] : memref<200x128xi32, #tpu.memory_space<vmem>> -> memref<1x128xi32, #tpu.memory_space<vmem>>
      %dma_wait3A_1386 = tpu.memref_squeeze %dma_wait3A_1385 : memref<1x128xi32, #tpu.memory_space<vmem>> -> memref<128xi32, #tpu.memory_space<vmem>>
      %dma_wait3A_1387 = arith.constant 0 : i32
      %dma_wait3A_1388 = arith.constant 0 : i32
      %dma_wait3A_1389 = tpu.memref_slice %arg2[%dma_wait3A_1387, %dma_wait3A_1388] : memref<1000000x64xf32, #tpu.memory_space<hbm>> -> memref<1000000x64xf32, #tpu.memory_space<hbm>>
      %dma_wait3A_1390 = tpu.memref_slice %arg7[%dma_wait3A_1379] : memref<10x!tpu.dma_semaphore, #tpu.memory_space<semaphore_mem>> -> memref<1x!tpu.dma_semaphore, #tpu.memory_space<semaphore_mem>>
      %dma_wait3A_1391 = tpu.memref_squeeze %dma_wait3A_1390 : memref<1x!tpu.dma_semaphore, #tpu.memory_space<semaphore_mem>> -> memref<!tpu.dma_semaphore, #tpu.memory_space<semaphore_mem>>
      tpu.wait_indirect_dma semaphore(%dma_wait3A_1391 : memref<!tpu.dma_semaphore, #tpu.memory_space<semaphore_mem>>) src(%dma_wait3A_1389 : memref<1000000x64xf32, #tpu.memory_space<hbm>>) dst(%dma_wait3A_1383 : memref<128x64xf32, #tpu.memory_space<vmem>>)
      %mul3A_1392 = arith.constant 128 : i32
      %mul3A_1393 = arith.muli %sub3A_1377, %mul3A_1392 : i32
      %add3A_1394 = arith.addi %mul3A_4, %mul3A_1393 : i32
      %dma_start3A_1395 = arith.constant 1 : i32
      %dma_start3A_1396 = arith.constant 1 : i32
      %dma_start3A_1397 = arith.constant 0 : i32
      %dma_start3A_1398 = arith.constant 0 : i32
      %dma_start3A_1399 = tpu.memref_slice %arg6[%dma_start3A_1395, %dma_start3A_1397, %dma_start3A_1398] : memref<10x128x64xf32, #tpu.memory_space<vmem>> -> memref<1x128x64xf32, #tpu.memory_space<vmem>>
      %dma_start3A_1400 = tpu.memref_squeeze %dma_start3A_1399 : memref<1x128x64xf32, #tpu.memory_space<vmem>> -> memref<128x64xf32, #tpu.memory_space<vmem>>
      %dma_start3A_1401 = arith.constant 0 : i32
      %dma_start3A_1402 = tpu.memref_slice %arg4[%add3A_1394, %dma_start3A_1401] : memref<819200x64xf32, #tpu.memory_space<hbm>> -> memref<128x64xf32, #tpu.memory_space<hbm>>
      %dma_start3A_1403 = tpu.memref_slice %arg8[%dma_start3A_1396] : memref<10x!tpu.dma_semaphore, #tpu.memory_space<semaphore_mem>> -> memref<1x!tpu.dma_semaphore, #tpu.memory_space<semaphore_mem>>
      %dma_start3A_1404 = tpu.memref_squeeze %dma_start3A_1403 : memref<1x!tpu.dma_semaphore, #tpu.memory_space<semaphore_mem>> -> memref<!tpu.dma_semaphore, #tpu.memory_space<semaphore_mem>>
      %dma_start3A_1405 = arith.constant 0 : i32
      %dma_start3A_1406 = tpu.memref_slice %arg4[%add3A_1394, %dma_start3A_1405] : memref<819200x64xf32, #tpu.memory_space<hbm>> -> memref<128x64xf32, #tpu.memory_space<hbm>>
      %dma_start3A_1407 = arith.constant 0 : i32
      %dma_start3A_1408 = arith.constant 0 : i32
      %dma_start3A_1409 = tpu.memref_slice %arg6[%dma_start3A_1395, %dma_start3A_1407, %dma_start3A_1408] : memref<10x128x64xf32, #tpu.memory_space<vmem>> -> memref<1x128x64xf32, #tpu.memory_space<vmem>>
      %dma_start3A_1410 = tpu.memref_squeeze %dma_start3A_1409 : memref<1x128x64xf32, #tpu.memory_space<vmem>> -> memref<128x64xf32, #tpu.memory_space<vmem>>
      tpu.enqueue_dma source(%dma_start3A_1410 : memref<128x64xf32, #tpu.memory_space<vmem>>) target(%dma_start3A_1406 : memref<128x64xf32, #tpu.memory_space<hbm>>) target_semaphore(%dma_start3A_1404 : memref<!tpu.dma_semaphore, #tpu.memory_space<semaphore_mem>>)
    }
    %scan3A_222 = arith.constant 19 : i32
    %dma_wait3A_223 = arith.constant 192 : i32
    %dma_wait3A_224 = arith.constant 2 : i32
    %dma_wait3A_225 = arith.constant 2 : i32
    %dma_wait3A_226 = arith.constant 0 : i32
    %dma_wait3A_227 = arith.constant 0 : i32
    %dma_wait3A_228 = tpu.memref_slice %arg6[%dma_wait3A_224, %dma_wait3A_226, %dma_wait3A_227] : memref<10x128x64xf32, #tpu.memory_space<vmem>> -> memref<1x128x64xf32, #tpu.memory_space<vmem>>
    %dma_wait3A_229 = tpu.memref_squeeze %dma_wait3A_228 : memref<1x128x64xf32, #tpu.memory_space<vmem>> -> memref<128x64xf32, #tpu.memory_space<vmem>>
    %dma_wait3A_230 = arith.constant 0 : i32
    %dma_wait3A_231 = tpu.memref_slice %arg5[%dma_wait3A_223, %dma_wait3A_230] : memref<200x128xi32, #tpu.memory_space<vmem>> -> memref<1x128xi32, #tpu.memory_space<vmem>>
    %dma_wait3A_232 = tpu.memref_squeeze %dma_wait3A_231 : memref<1x128xi32, #tpu.memory_space<vmem>> -> memref<128xi32, #tpu.memory_space<vmem>>
    %dma_wait3A_233 = arith.constant 0 : i32
    %dma_wait3A_234 = arith.constant 0 : i32
    %dma_wait3A_235 = tpu.memref_slice %arg2[%dma_wait3A_233, %dma_wait3A_234] : memref<1000000x64xf32, #tpu.memory_space<hbm>> -> memref<1000000x64xf32, #tpu.memory_space<hbm>>
    %dma_wait3A_236 = tpu.memref_slice %arg7[%dma_wait3A_225] : memref<10x!tpu.dma_semaphore, #tpu.memory_space<semaphore_mem>> -> memref<1x!tpu.dma_semaphore, #tpu.memory_space<semaphore_mem>>
    %dma_wait3A_237 = tpu.memref_squeeze %dma_wait3A_236 : memref<1x!tpu.dma_semaphore, #tpu.memory_space<semaphore_mem>> -> memref<!tpu.dma_semaphore, #tpu.memory_space<semaphore_mem>>
    tpu.wait_indirect_dma semaphore(%dma_wait3A_237 : memref<!tpu.dma_semaphore, #tpu.memory_space<semaphore_mem>>) src(%dma_wait3A_235 : memref<1000000x64xf32, #tpu.memory_space<hbm>>) dst(%dma_wait3A_229 : memref<128x64xf32, #tpu.memory_space<vmem>>)
    %add3A_238 = arith.constant 24576 : i32
    %add3A_239 = arith.addi %mul3A_4, %add3A_238 : i32
    %dma_start3A_240 = arith.constant 2 : i32
    %dma_start3A_241 = arith.constant 2 : i32
    %dma_start3A_242 = arith.constant 0 : i32
    %dma_start3A_243 = arith.constant 0 : i32
    %dma_start3A_244 = tpu.memref_slice %arg6[%dma_start3A_240, %dma_start3A_242, %dma_start3A_243] : memref<10x128x64xf32, #tpu.memory_space<vmem>> -> memref<1x128x64xf32, #tpu.memory_space<vmem>>
    %dma_start3A_245 = tpu.memref_squeeze %dma_start3A_244 : memref<1x128x64xf32, #tpu.memory_space<vmem>> -> memref<128x64xf32, #tpu.memory_space<vmem>>
    %dma_start3A_246 = arith.constant 0 : i32
    %dma_start3A_247 = tpu.memref_slice %arg4[%add3A_239, %dma_start3A_246] : memref<819200x64xf32, #tpu.memory_space<hbm>> -> memref<128x64xf32, #tpu.memory_space<hbm>>
    %dma_start3A_248 = tpu.memref_slice %arg8[%dma_start3A_241] : memref<10x!tpu.dma_semaphore, #tpu.memory_space<semaphore_mem>> -> memref<1x!tpu.dma_semaphore, #tpu.memory_space<semaphore_mem>>
    %dma_start3A_249 = tpu.memref_squeeze %dma_start3A_248 : memref<1x!tpu.dma_semaphore, #tpu.memory_space<semaphore_mem>> -> memref<!tpu.dma_semaphore, #tpu.memory_space<semaphore_mem>>
    %dma_start3A_250 = arith.constant 0 : i32
    %dma_start3A_251 = tpu.memref_slice %arg4[%add3A_239, %dma_start3A_250] : memref<819200x64xf32, #tpu.memory_space<hbm>> -> memref<128x64xf32, #tpu.memory_space<hbm>>
    %dma_start3A_252 = arith.constant 0 : i32
    %dma_start3A_253 = arith.constant 0 : i32
    %dma_start3A_254 = tpu.memref_slice %arg6[%dma_start3A_240, %dma_start3A_252, %dma_start3A_253] : memref<10x128x64xf32, #tpu.memory_space<vmem>> -> memref<1x128x64xf32, #tpu.memory_space<vmem>>
    %dma_start3A_255 = tpu.memref_squeeze %dma_start3A_254 : memref<1x128x64xf32, #tpu.memory_space<vmem>> -> memref<128x64xf32, #tpu.memory_space<vmem>>
    tpu.enqueue_dma source(%dma_start3A_255 : memref<128x64xf32, #tpu.memory_space<vmem>>) target(%dma_start3A_251 : memref<128x64xf32, #tpu.memory_space<hbm>>) target_semaphore(%dma_start3A_249 : memref<!tpu.dma_semaphore, #tpu.memory_space<semaphore_mem>>)
    %dma_wait3A_256 = arith.constant 193 : i32
    %dma_wait3A_257 = arith.constant 3 : i32
    %dma_wait3A_258 = arith.constant 3 : i32
    %dma_wait3A_259 = arith.constant 0 : i32
    %dma_wait3A_260 = arith.constant 0 : i32
    %dma_wait3A_261 = tpu.memref_slice %arg6[%dma_wait3A_257, %dma_wait3A_259, %dma_wait3A_260] : memref<10x128x64xf32, #tpu.memory_space<vmem>> -> memref<1x128x64xf32, #tpu.memory_space<vmem>>
    %dma_wait3A_262 = tpu.memref_squeeze %dma_wait3A_261 : memref<1x128x64xf32, #tpu.memory_space<vmem>> -> memref<128x64xf32, #tpu.memory_space<vmem>>
    %dma_wait3A_263 = arith.constant 0 : i32
    %dma_wait3A_264 = tpu.memref_slice %arg5[%dma_wait3A_256, %dma_wait3A_263] : memref<200x128xi32, #tpu.memory_space<vmem>> -> memref<1x128xi32, #tpu.memory_space<vmem>>
    %dma_wait3A_265 = tpu.memref_squeeze %dma_wait3A_264 : memref<1x128xi32, #tpu.memory_space<vmem>> -> memref<128xi32, #tpu.memory_space<vmem>>
    %dma_wait3A_266 = arith.constant 0 : i32
    %dma_wait3A_267 = arith.constant 0 : i32
    %dma_wait3A_268 = tpu.memref_slice %arg2[%dma_wait3A_266, %dma_wait3A_267] : memref<1000000x64xf32, #tpu.memory_space<hbm>> -> memref<1000000x64xf32, #tpu.memory_space<hbm>>
    %dma_wait3A_269 = tpu.memref_slice %arg7[%dma_wait3A_258] : memref<10x!tpu.dma_semaphore, #tpu.memory_space<semaphore_mem>> -> memref<1x!tpu.dma_semaphore, #tpu.memory_space<semaphore_mem>>
    %dma_wait3A_270 = tpu.memref_squeeze %dma_wait3A_269 : memref<1x!tpu.dma_semaphore, #tpu.memory_space<semaphore_mem>> -> memref<!tpu.dma_semaphore, #tpu.memory_space<semaphore_mem>>
    tpu.wait_indirect_dma semaphore(%dma_wait3A_270 : memref<!tpu.dma_semaphore, #tpu.memory_space<semaphore_mem>>) src(%dma_wait3A_268 : memref<1000000x64xf32, #tpu.memory_space<hbm>>) dst(%dma_wait3A_262 : memref<128x64xf32, #tpu.memory_space<vmem>>)
    %add3A_271 = arith.constant 24704 : i32
    %add3A_272 = arith.addi %mul3A_4, %add3A_271 : i32
    %dma_start3A_273 = arith.constant 3 : i32
    %dma_start3A_274 = arith.constant 3 : i32
    %dma_start3A_275 = arith.constant 0 : i32
    %dma_start3A_276 = arith.constant 0 : i32
    %dma_start3A_277 = tpu.memref_slice %arg6[%dma_start3A_273, %dma_start3A_275, %dma_start3A_276] : memref<10x128x64xf32, #tpu.memory_space<vmem>> -> memref<1x128x64xf32, #tpu.memory_space<vmem>>
    %dma_start3A_278 = tpu.memref_squeeze %dma_start3A_277 : memref<1x128x64xf32, #tpu.memory_space<vmem>> -> memref<128x64xf32, #tpu.memory_space<vmem>>
    %dma_start3A_279 = arith.constant 0 : i32
    %dma_start3A_280 = tpu.memref_slice %arg4[%add3A_272, %dma_start3A_279] : memref<819200x64xf32, #tpu.memory_space<hbm>> -> memref<128x64xf32, #tpu.memory_space<hbm>>
    %dma_start3A_281 = tpu.memref_slice %arg8[%dma_start3A_274] : memref<10x!tpu.dma_semaphore, #tpu.memory_space<semaphore_mem>> -> memref<1x!tpu.dma_semaphore, #tpu.memory_space<semaphore_mem>>
    %dma_start3A_282 = tpu.memref_squeeze %dma_start3A_281 : memref<1x!tpu.dma_semaphore, #tpu.memory_space<semaphore_mem>> -> memref<!tpu.dma_semaphore, #tpu.memory_space<semaphore_mem>>
    %dma_start3A_283 = arith.constant 0 : i32
    %dma_start3A_284 = tpu.memref_slice %arg4[%add3A_272, %dma_start3A_283] : memref<819200x64xf32, #tpu.memory_space<hbm>> -> memref<128x64xf32, #tpu.memory_space<hbm>>
    %dma_start3A_285 = arith.constant 0 : i32
    %dma_start3A_286 = arith.constant 0 : i32
    %dma_start3A_287 = tpu.memref_slice %arg6[%dma_start3A_273, %dma_start3A_285, %dma_start3A_286] : memref<10x128x64xf32, #tpu.memory_space<vmem>> -> memref<1x128x64xf32, #tpu.memory_space<vmem>>
    %dma_start3A_288 = tpu.memref_squeeze %dma_start3A_287 : memref<1x128x64xf32, #tpu.memory_space<vmem>> -> memref<128x64xf32, #tpu.memory_space<vmem>>
    tpu.enqueue_dma source(%dma_start3A_288 : memref<128x64xf32, #tpu.memory_space<vmem>>) target(%dma_start3A_284 : memref<128x64xf32, #tpu.memory_space<hbm>>) target_semaphore(%dma_start3A_282 : memref<!tpu.dma_semaphore, #tpu.memory_space<semaphore_mem>>)
    %dma_wait3A_289 = arith.constant 194 : i32
    %dma_wait3A_290 = arith.constant 4 : i32
    %dma_wait3A_291 = arith.constant 4 : i32
    %dma_wait3A_292 = arith.constant 0 : i32
    %dma_wait3A_293 = arith.constant 0 : i32
    %dma_wait3A_294 = tpu.memref_slice %arg6[%dma_wait3A_290, %dma_wait3A_292, %dma_wait3A_293] : memref<10x128x64xf32, #tpu.memory_space<vmem>> -> memref<1x128x64xf32, #tpu.memory_space<vmem>>
    %dma_wait3A_295 = tpu.memref_squeeze %dma_wait3A_294 : memref<1x128x64xf32, #tpu.memory_space<vmem>> -> memref<128x64xf32, #tpu.memory_space<vmem>>
    %dma_wait3A_296 = arith.constant 0 : i32
    %dma_wait3A_297 = tpu.memref_slice %arg5[%dma_wait3A_289, %dma_wait3A_296] : memref<200x128xi32, #tpu.memory_space<vmem>> -> memref<1x128xi32, #tpu.memory_space<vmem>>
    %dma_wait3A_298 = tpu.memref_squeeze %dma_wait3A_297 : memref<1x128xi32, #tpu.memory_space<vmem>> -> memref<128xi32, #tpu.memory_space<vmem>>
    %dma_wait3A_299 = arith.constant 0 : i32
    %dma_wait3A_300 = arith.constant 0 : i32
    %dma_wait3A_301 = tpu.memref_slice %arg2[%dma_wait3A_299, %dma_wait3A_300] : memref<1000000x64xf32, #tpu.memory_space<hbm>> -> memref<1000000x64xf32, #tpu.memory_space<hbm>>
    %dma_wait3A_302 = tpu.memref_slice %arg7[%dma_wait3A_291] : memref<10x!tpu.dma_semaphore, #tpu.memory_space<semaphore_mem>> -> memref<1x!tpu.dma_semaphore, #tpu.memory_space<semaphore_mem>>
    %dma_wait3A_303 = tpu.memref_squeeze %dma_wait3A_302 : memref<1x!tpu.dma_semaphore, #tpu.memory_space<semaphore_mem>> -> memref<!tpu.dma_semaphore, #tpu.memory_space<semaphore_mem>>
    tpu.wait_indirect_dma semaphore(%dma_wait3A_303 : memref<!tpu.dma_semaphore, #tpu.memory_space<semaphore_mem>>) src(%dma_wait3A_301 : memref<1000000x64xf32, #tpu.memory_space<hbm>>) dst(%dma_wait3A_295 : memref<128x64xf32, #tpu.memory_space<vmem>>)
    %add3A_304 = arith.constant 24832 : i32
    %add3A_305 = arith.addi %mul3A_4, %add3A_304 : i32
    %dma_start3A_306 = arith.constant 4 : i32
    %dma_start3A_307 = arith.constant 4 : i32
    %dma_start3A_308 = arith.constant 0 : i32
    %dma_start3A_309 = arith.constant 0 : i32
    %dma_start3A_310 = tpu.memref_slice %arg6[%dma_start3A_306, %dma_start3A_308, %dma_start3A_309] : memref<10x128x64xf32, #tpu.memory_space<vmem>> -> memref<1x128x64xf32, #tpu.memory_space<vmem>>
    %dma_start3A_311 = tpu.memref_squeeze %dma_start3A_310 : memref<1x128x64xf32, #tpu.memory_space<vmem>> -> memref<128x64xf32, #tpu.memory_space<vmem>>
    %dma_start3A_312 = arith.constant 0 : i32
    %dma_start3A_313 = tpu.memref_slice %arg4[%add3A_305, %dma_start3A_312] : memref<819200x64xf32, #tpu.memory_space<hbm>> -> memref<128x64xf32, #tpu.memory_space<hbm>>
    %dma_start3A_314 = tpu.memref_slice %arg8[%dma_start3A_307] : memref<10x!tpu.dma_semaphore, #tpu.memory_space<semaphore_mem>> -> memref<1x!tpu.dma_semaphore, #tpu.memory_space<semaphore_mem>>
    %dma_start3A_315 = tpu.memref_squeeze %dma_start3A_314 : memref<1x!tpu.dma_semaphore, #tpu.memory_space<semaphore_mem>> -> memref<!tpu.dma_semaphore, #tpu.memory_space<semaphore_mem>>
    %dma_start3A_316 = arith.constant 0 : i32
    %dma_start3A_317 = tpu.memref_slice %arg4[%add3A_305, %dma_start3A_316] : memref<819200x64xf32, #tpu.memory_space<hbm>> -> memref<128x64xf32, #tpu.memory_space<hbm>>
    %dma_start3A_318 = arith.constant 0 : i32
    %dma_start3A_319 = arith.constant 0 : i32
    %dma_start3A_320 = tpu.memref_slice %arg6[%dma_start3A_306, %dma_start3A_318, %dma_start3A_319] : memref<10x128x64xf32, #tpu.memory_space<vmem>> -> memref<1x128x64xf32, #tpu.memory_space<vmem>>
    %dma_start3A_321 = tpu.memref_squeeze %dma_start3A_320 : memref<1x128x64xf32, #tpu.memory_space<vmem>> -> memref<128x64xf32, #tpu.memory_space<vmem>>
    tpu.enqueue_dma source(%dma_start3A_321 : memref<128x64xf32, #tpu.memory_space<vmem>>) target(%dma_start3A_317 : memref<128x64xf32, #tpu.memory_space<hbm>>) target_semaphore(%dma_start3A_315 : memref<!tpu.dma_semaphore, #tpu.memory_space<semaphore_mem>>)
    %dma_wait3A_322 = arith.constant 195 : i32
    %dma_wait3A_323 = arith.constant 5 : i32
    %dma_wait3A_324 = arith.constant 5 : i32
    %dma_wait3A_325 = arith.constant 0 : i32
    %dma_wait3A_326 = arith.constant 0 : i32
    %dma_wait3A_327 = tpu.memref_slice %arg6[%dma_wait3A_323, %dma_wait3A_325, %dma_wait3A_326] : memref<10x128x64xf32, #tpu.memory_space<vmem>> -> memref<1x128x64xf32, #tpu.memory_space<vmem>>
    %dma_wait3A_328 = tpu.memref_squeeze %dma_wait3A_327 : memref<1x128x64xf32, #tpu.memory_space<vmem>> -> memref<128x64xf32, #tpu.memory_space<vmem>>
    %dma_wait3A_329 = arith.constant 0 : i32
    %dma_wait3A_330 = tpu.memref_slice %arg5[%dma_wait3A_322, %dma_wait3A_329] : memref<200x128xi32, #tpu.memory_space<vmem>> -> memref<1x128xi32, #tpu.memory_space<vmem>>
    %dma_wait3A_331 = tpu.memref_squeeze %dma_wait3A_330 : memref<1x128xi32, #tpu.memory_space<vmem>> -> memref<128xi32, #tpu.memory_space<vmem>>
    %dma_wait3A_332 = arith.constant 0 : i32
    %dma_wait3A_333 = arith.constant 0 : i32
    %dma_wait3A_334 = tpu.memref_slice %arg2[%dma_wait3A_332, %dma_wait3A_333] : memref<1000000x64xf32, #tpu.memory_space<hbm>> -> memref<1000000x64xf32, #tpu.memory_space<hbm>>
    %dma_wait3A_335 = tpu.memref_slice %arg7[%dma_wait3A_324] : memref<10x!tpu.dma_semaphore, #tpu.memory_space<semaphore_mem>> -> memref<1x!tpu.dma_semaphore, #tpu.memory_space<semaphore_mem>>
    %dma_wait3A_336 = tpu.memref_squeeze %dma_wait3A_335 : memref<1x!tpu.dma_semaphore, #tpu.memory_space<semaphore_mem>> -> memref<!tpu.dma_semaphore, #tpu.memory_space<semaphore_mem>>
    tpu.wait_indirect_dma semaphore(%dma_wait3A_336 : memref<!tpu.dma_semaphore, #tpu.memory_space<semaphore_mem>>) src(%dma_wait3A_334 : memref<1000000x64xf32, #tpu.memory_space<hbm>>) dst(%dma_wait3A_328 : memref<128x64xf32, #tpu.memory_space<vmem>>)
    %add3A_337 = arith.constant 24960 : i32
    %add3A_338 = arith.addi %mul3A_4, %add3A_337 : i32
    %dma_start3A_339 = arith.constant 5 : i32
    %dma_start3A_340 = arith.constant 5 : i32
    %dma_start3A_341 = arith.constant 0 : i32
    %dma_start3A_342 = arith.constant 0 : i32
    %dma_start3A_343 = tpu.memref_slice %arg6[%dma_start3A_339, %dma_start3A_341, %dma_start3A_342] : memref<10x128x64xf32, #tpu.memory_space<vmem>> -> memref<1x128x64xf32, #tpu.memory_space<vmem>>
    %dma_start3A_344 = tpu.memref_squeeze %dma_start3A_343 : memref<1x128x64xf32, #tpu.memory_space<vmem>> -> memref<128x64xf32, #tpu.memory_space<vmem>>
    %dma_start3A_345 = arith.constant 0 : i32
    %dma_start3A_346 = tpu.memref_slice %arg4[%add3A_338, %dma_start3A_345] : memref<819200x64xf32, #tpu.memory_space<hbm>> -> memref<128x64xf32, #tpu.memory_space<hbm>>
    %dma_start3A_347 = tpu.memref_slice %arg8[%dma_start3A_340] : memref<10x!tpu.dma_semaphore, #tpu.memory_space<semaphore_mem>> -> memref<1x!tpu.dma_semaphore, #tpu.memory_space<semaphore_mem>>
    %dma_start3A_348 = tpu.memref_squeeze %dma_start3A_347 : memref<1x!tpu.dma_semaphore, #tpu.memory_space<semaphore_mem>> -> memref<!tpu.dma_semaphore, #tpu.memory_space<semaphore_mem>>
    %dma_start3A_349 = arith.constant 0 : i32
    %dma_start3A_350 = tpu.memref_slice %arg4[%add3A_338, %dma_start3A_349] : memref<819200x64xf32, #tpu.memory_space<hbm>> -> memref<128x64xf32, #tpu.memory_space<hbm>>
    %dma_start3A_351 = arith.constant 0 : i32
    %dma_start3A_352 = arith.constant 0 : i32
    %dma_start3A_353 = tpu.memref_slice %arg6[%dma_start3A_339, %dma_start3A_351, %dma_start3A_352] : memref<10x128x64xf32, #tpu.memory_space<vmem>> -> memref<1x128x64xf32, #tpu.memory_space<vmem>>
    %dma_start3A_354 = tpu.memref_squeeze %dma_start3A_353 : memref<1x128x64xf32, #tpu.memory_space<vmem>> -> memref<128x64xf32, #tpu.memory_space<vmem>>
    tpu.enqueue_dma source(%dma_start3A_354 : memref<128x64xf32, #tpu.memory_space<vmem>>) target(%dma_start3A_350 : memref<128x64xf32, #tpu.memory_space<hbm>>) target_semaphore(%dma_start3A_348 : memref<!tpu.dma_semaphore, #tpu.memory_space<semaphore_mem>>)
    %dma_wait3A_355 = arith.constant 196 : i32
    %dma_wait3A_356 = arith.constant 6 : i32
    %dma_wait3A_357 = arith.constant 6 : i32
    %dma_wait3A_358 = arith.constant 0 : i32
    %dma_wait3A_359 = arith.constant 0 : i32
    %dma_wait3A_360 = tpu.memref_slice %arg6[%dma_wait3A_356, %dma_wait3A_358, %dma_wait3A_359] : memref<10x128x64xf32, #tpu.memory_space<vmem>> -> memref<1x128x64xf32, #tpu.memory_space<vmem>>
    %dma_wait3A_361 = tpu.memref_squeeze %dma_wait3A_360 : memref<1x128x64xf32, #tpu.memory_space<vmem>> -> memref<128x64xf32, #tpu.memory_space<vmem>>
    %dma_wait3A_362 = arith.constant 0 : i32
    %dma_wait3A_363 = tpu.memref_slice %arg5[%dma_wait3A_355, %dma_wait3A_362] : memref<200x128xi32, #tpu.memory_space<vmem>> -> memref<1x128xi32, #tpu.memory_space<vmem>>
    %dma_wait3A_364 = tpu.memref_squeeze %dma_wait3A_363 : memref<1x128xi32, #tpu.memory_space<vmem>> -> memref<128xi32, #tpu.memory_space<vmem>>
    %dma_wait3A_365 = arith.constant 0 : i32
    %dma_wait3A_366 = arith.constant 0 : i32
    %dma_wait3A_367 = tpu.memref_slice %arg2[%dma_wait3A_365, %dma_wait3A_366] : memref<1000000x64xf32, #tpu.memory_space<hbm>> -> memref<1000000x64xf32, #tpu.memory_space<hbm>>
    %dma_wait3A_368 = tpu.memref_slice %arg7[%dma_wait3A_357] : memref<10x!tpu.dma_semaphore, #tpu.memory_space<semaphore_mem>> -> memref<1x!tpu.dma_semaphore, #tpu.memory_space<semaphore_mem>>
    %dma_wait3A_369 = tpu.memref_squeeze %dma_wait3A_368 : memref<1x!tpu.dma_semaphore, #tpu.memory_space<semaphore_mem>> -> memref<!tpu.dma_semaphore, #tpu.memory_space<semaphore_mem>>
    tpu.wait_indirect_dma semaphore(%dma_wait3A_369 : memref<!tpu.dma_semaphore, #tpu.memory_space<semaphore_mem>>) src(%dma_wait3A_367 : memref<1000000x64xf32, #tpu.memory_space<hbm>>) dst(%dma_wait3A_361 : memref<128x64xf32, #tpu.memory_space<vmem>>)
    %add3A_370 = arith.constant 25088 : i32
    %add3A_371 = arith.addi %mul3A_4, %add3A_370 : i32
    %dma_start3A_372 = arith.constant 6 : i32
    %dma_start3A_373 = arith.constant 6 : i32
    %dma_start3A_374 = arith.constant 0 : i32
    %dma_start3A_375 = arith.constant 0 : i32
    %dma_start3A_376 = tpu.memref_slice %arg6[%dma_start3A_372, %dma_start3A_374, %dma_start3A_375] : memref<10x128x64xf32, #tpu.memory_space<vmem>> -> memref<1x128x64xf32, #tpu.memory_space<vmem>>
    %dma_start3A_377 = tpu.memref_squeeze %dma_start3A_376 : memref<1x128x64xf32, #tpu.memory_space<vmem>> -> memref<128x64xf32, #tpu.memory_space<vmem>>
    %dma_start3A_378 = arith.constant 0 : i32
    %dma_start3A_379 = tpu.memref_slice %arg4[%add3A_371, %dma_start3A_378] : memref<819200x64xf32, #tpu.memory_space<hbm>> -> memref<128x64xf32, #tpu.memory_space<hbm>>
    %dma_start3A_380 = tpu.memref_slice %arg8[%dma_start3A_373] : memref<10x!tpu.dma_semaphore, #tpu.memory_space<semaphore_mem>> -> memref<1x!tpu.dma_semaphore, #tpu.memory_space<semaphore_mem>>
    %dma_start3A_381 = tpu.memref_squeeze %dma_start3A_380 : memref<1x!tpu.dma_semaphore, #tpu.memory_space<semaphore_mem>> -> memref<!tpu.dma_semaphore, #tpu.memory_space<semaphore_mem>>
    %dma_start3A_382 = arith.constant 0 : i32
    %dma_start3A_383 = tpu.memref_slice %arg4[%add3A_371, %dma_start3A_382] : memref<819200x64xf32, #tpu.memory_space<hbm>> -> memref<128x64xf32, #tpu.memory_space<hbm>>
    %dma_start3A_384 = arith.constant 0 : i32
    %dma_start3A_385 = arith.constant 0 : i32
    %dma_start3A_386 = tpu.memref_slice %arg6[%dma_start3A_372, %dma_start3A_384, %dma_start3A_385] : memref<10x128x64xf32, #tpu.memory_space<vmem>> -> memref<1x128x64xf32, #tpu.memory_space<vmem>>
    %dma_start3A_387 = tpu.memref_squeeze %dma_start3A_386 : memref<1x128x64xf32, #tpu.memory_space<vmem>> -> memref<128x64xf32, #tpu.memory_space<vmem>>
    tpu.enqueue_dma source(%dma_start3A_387 : memref<128x64xf32, #tpu.memory_space<vmem>>) target(%dma_start3A_383 : memref<128x64xf32, #tpu.memory_space<hbm>>) target_semaphore(%dma_start3A_381 : memref<!tpu.dma_semaphore, #tpu.memory_space<semaphore_mem>>)
    %dma_wait3A_388 = arith.constant 197 : i32
    %dma_wait3A_389 = arith.constant 7 : i32
    %dma_wait3A_390 = arith.constant 7 : i32
    %dma_wait3A_391 = arith.constant 0 : i32
    %dma_wait3A_392 = arith.constant 0 : i32
    %dma_wait3A_393 = tpu.memref_slice %arg6[%dma_wait3A_389, %dma_wait3A_391, %dma_wait3A_392] : memref<10x128x64xf32, #tpu.memory_space<vmem>> -> memref<1x128x64xf32, #tpu.memory_space<vmem>>
    %dma_wait3A_394 = tpu.memref_squeeze %dma_wait3A_393 : memref<1x128x64xf32, #tpu.memory_space<vmem>> -> memref<128x64xf32, #tpu.memory_space<vmem>>
    %dma_wait3A_395 = arith.constant 0 : i32
    %dma_wait3A_396 = tpu.memref_slice %arg5[%dma_wait3A_388, %dma_wait3A_395] : memref<200x128xi32, #tpu.memory_space<vmem>> -> memref<1x128xi32, #tpu.memory_space<vmem>>
    %dma_wait3A_397 = tpu.memref_squeeze %dma_wait3A_396 : memref<1x128xi32, #tpu.memory_space<vmem>> -> memref<128xi32, #tpu.memory_space<vmem>>
    %dma_wait3A_398 = arith.constant 0 : i32
    %dma_wait3A_399 = arith.constant 0 : i32
    %dma_wait3A_400 = tpu.memref_slice %arg2[%dma_wait3A_398, %dma_wait3A_399] : memref<1000000x64xf32, #tpu.memory_space<hbm>> -> memref<1000000x64xf32, #tpu.memory_space<hbm>>
    %dma_wait3A_401 = tpu.memref_slice %arg7[%dma_wait3A_390] : memref<10x!tpu.dma_semaphore, #tpu.memory_space<semaphore_mem>> -> memref<1x!tpu.dma_semaphore, #tpu.memory_space<semaphore_mem>>
    %dma_wait3A_402 = tpu.memref_squeeze %dma_wait3A_401 : memref<1x!tpu.dma_semaphore, #tpu.memory_space<semaphore_mem>> -> memref<!tpu.dma_semaphore, #tpu.memory_space<semaphore_mem>>
    tpu.wait_indirect_dma semaphore(%dma_wait3A_402 : memref<!tpu.dma_semaphore, #tpu.memory_space<semaphore_mem>>) src(%dma_wait3A_400 : memref<1000000x64xf32, #tpu.memory_space<hbm>>) dst(%dma_wait3A_394 : memref<128x64xf32, #tpu.memory_space<vmem>>)
    %add3A_403 = arith.constant 25216 : i32
    %add3A_404 = arith.addi %mul3A_4, %add3A_403 : i32
    %dma_start3A_405 = arith.constant 7 : i32
    %dma_start3A_406 = arith.constant 7 : i32
    %dma_start3A_407 = arith.constant 0 : i32
    %dma_start3A_408 = arith.constant 0 : i32
    %dma_start3A_409 = tpu.memref_slice %arg6[%dma_start3A_405, %dma_start3A_407, %dma_start3A_408] : memref<10x128x64xf32, #tpu.memory_space<vmem>> -> memref<1x128x64xf32, #tpu.memory_space<vmem>>
    %dma_start3A_410 = tpu.memref_squeeze %dma_start3A_409 : memref<1x128x64xf32, #tpu.memory_space<vmem>> -> memref<128x64xf32, #tpu.memory_space<vmem>>
    %dma_start3A_411 = arith.constant 0 : i32
    %dma_start3A_412 = tpu.memref_slice %arg4[%add3A_404, %dma_start3A_411] : memref<819200x64xf32, #tpu.memory_space<hbm>> -> memref<128x64xf32, #tpu.memory_space<hbm>>
    %dma_start3A_413 = tpu.memref_slice %arg8[%dma_start3A_406] : memref<10x!tpu.dma_semaphore, #tpu.memory_space<semaphore_mem>> -> memref<1x!tpu.dma_semaphore, #tpu.memory_space<semaphore_mem>>
    %dma_start3A_414 = tpu.memref_squeeze %dma_start3A_413 : memref<1x!tpu.dma_semaphore, #tpu.memory_space<semaphore_mem>> -> memref<!tpu.dma_semaphore, #tpu.memory_space<semaphore_mem>>
    %dma_start3A_415 = arith.constant 0 : i32
    %dma_start3A_416 = tpu.memref_slice %arg4[%add3A_404, %dma_start3A_415] : memref<819200x64xf32, #tpu.memory_space<hbm>> -> memref<128x64xf32, #tpu.memory_space<hbm>>
    %dma_start3A_417 = arith.constant 0 : i32
    %dma_start3A_418 = arith.constant 0 : i32
    %dma_start3A_419 = tpu.memref_slice %arg6[%dma_start3A_405, %dma_start3A_417, %dma_start3A_418] : memref<10x128x64xf32, #tpu.memory_space<vmem>> -> memref<1x128x64xf32, #tpu.memory_space<vmem>>
    %dma_start3A_420 = tpu.memref_squeeze %dma_start3A_419 : memref<1x128x64xf32, #tpu.memory_space<vmem>> -> memref<128x64xf32, #tpu.memory_space<vmem>>
    tpu.enqueue_dma source(%dma_start3A_420 : memref<128x64xf32, #tpu.memory_space<vmem>>) target(%dma_start3A_416 : memref<128x64xf32, #tpu.memory_space<hbm>>) target_semaphore(%dma_start3A_414 : memref<!tpu.dma_semaphore, #tpu.memory_space<semaphore_mem>>)
    %dma_wait3A_421 = arith.constant 198 : i32
    %dma_wait3A_422 = arith.constant 8 : i32
    %dma_wait3A_423 = arith.constant 8 : i32
    %dma_wait3A_424 = arith.constant 0 : i32
    %dma_wait3A_425 = arith.constant 0 : i32
    %dma_wait3A_426 = tpu.memref_slice %arg6[%dma_wait3A_422, %dma_wait3A_424, %dma_wait3A_425] : memref<10x128x64xf32, #tpu.memory_space<vmem>> -> memref<1x128x64xf32, #tpu.memory_space<vmem>>
    %dma_wait3A_427 = tpu.memref_squeeze %dma_wait3A_426 : memref<1x128x64xf32, #tpu.memory_space<vmem>> -> memref<128x64xf32, #tpu.memory_space<vmem>>
    %dma_wait3A_428 = arith.constant 0 : i32
    %dma_wait3A_429 = tpu.memref_slice %arg5[%dma_wait3A_421, %dma_wait3A_428] : memref<200x128xi32, #tpu.memory_space<vmem>> -> memref<1x128xi32, #tpu.memory_space<vmem>>
    %dma_wait3A_430 = tpu.memref_squeeze %dma_wait3A_429 : memref<1x128xi32, #tpu.memory_space<vmem>> -> memref<128xi32, #tpu.memory_space<vmem>>
    %dma_wait3A_431 = arith.constant 0 : i32
    %dma_wait3A_432 = arith.constant 0 : i32
    %dma_wait3A_433 = tpu.memref_slice %arg2[%dma_wait3A_431, %dma_wait3A_432] : memref<1000000x64xf32, #tpu.memory_space<hbm>> -> memref<1000000x64xf32, #tpu.memory_space<hbm>>
    %dma_wait3A_434 = tpu.memref_slice %arg7[%dma_wait3A_423] : memref<10x!tpu.dma_semaphore, #tpu.memory_space<semaphore_mem>> -> memref<1x!tpu.dma_semaphore, #tpu.memory_space<semaphore_mem>>
    %dma_wait3A_435 = tpu.memref_squeeze %dma_wait3A_434 : memref<1x!tpu.dma_semaphore, #tpu.memory_space<semaphore_mem>> -> memref<!tpu.dma_semaphore, #tpu.memory_space<semaphore_mem>>
    tpu.wait_indirect_dma semaphore(%dma_wait3A_435 : memref<!tpu.dma_semaphore, #tpu.memory_space<semaphore_mem>>) src(%dma_wait3A_433 : memref<1000000x64xf32, #tpu.memory_space<hbm>>) dst(%dma_wait3A_427 : memref<128x64xf32, #tpu.memory_space<vmem>>)
    %add3A_436 = arith.constant 25344 : i32
    %add3A_437 = arith.addi %mul3A_4, %add3A_436 : i32
    %dma_start3A_438 = arith.constant 8 : i32
    %dma_start3A_439 = arith.constant 8 : i32
    %dma_start3A_440 = arith.constant 0 : i32
    %dma_start3A_441 = arith.constant 0 : i32
    %dma_start3A_442 = tpu.memref_slice %arg6[%dma_start3A_438, %dma_start3A_440, %dma_start3A_441] : memref<10x128x64xf32, #tpu.memory_space<vmem>> -> memref<1x128x64xf32, #tpu.memory_space<vmem>>
    %dma_start3A_443 = tpu.memref_squeeze %dma_start3A_442 : memref<1x128x64xf32, #tpu.memory_space<vmem>> -> memref<128x64xf32, #tpu.memory_space<vmem>>
    %dma_start3A_444 = arith.constant 0 : i32
    %dma_start3A_445 = tpu.memref_slice %arg4[%add3A_437, %dma_start3A_444] : memref<819200x64xf32, #tpu.memory_space<hbm>> -> memref<128x64xf32, #tpu.memory_space<hbm>>
    %dma_start3A_446 = tpu.memref_slice %arg8[%dma_start3A_439] : memref<10x!tpu.dma_semaphore, #tpu.memory_space<semaphore_mem>> -> memref<1x!tpu.dma_semaphore, #tpu.memory_space<semaphore_mem>>
    %dma_start3A_447 = tpu.memref_squeeze %dma_start3A_446 : memref<1x!tpu.dma_semaphore, #tpu.memory_space<semaphore_mem>> -> memref<!tpu.dma_semaphore, #tpu.memory_space<semaphore_mem>>
    %dma_start3A_448 = arith.constant 0 : i32
    %dma_start3A_449 = tpu.memref_slice %arg4[%add3A_437, %dma_start3A_448] : memref<819200x64xf32, #tpu.memory_space<hbm>> -> memref<128x64xf32, #tpu.memory_space<hbm>>
    %dma_start3A_450 = arith.constant 0 : i32
    %dma_start3A_451 = arith.constant 0 : i32
    %dma_start3A_452 = tpu.memref_slice %arg6[%dma_start3A_438, %dma_start3A_450, %dma_start3A_451] : memref<10x128x64xf32, #tpu.memory_space<vmem>> -> memref<1x128x64xf32, #tpu.memory_space<vmem>>
    %dma_start3A_453 = tpu.memref_squeeze %dma_start3A_452 : memref<1x128x64xf32, #tpu.memory_space<vmem>> -> memref<128x64xf32, #tpu.memory_space<vmem>>
    tpu.enqueue_dma source(%dma_start3A_453 : memref<128x64xf32, #tpu.memory_space<vmem>>) target(%dma_start3A_449 : memref<128x64xf32, #tpu.memory_space<hbm>>) target_semaphore(%dma_start3A_447 : memref<!tpu.dma_semaphore, #tpu.memory_space<semaphore_mem>>)
    %dma_wait3A_454 = arith.constant 199 : i32
    %dma_wait3A_455 = arith.constant 9 : i32
    %dma_wait3A_456 = arith.constant 9 : i32
    %dma_wait3A_457 = arith.constant 0 : i32
    %dma_wait3A_458 = arith.constant 0 : i32
    %dma_wait3A_459 = tpu.memref_slice %arg6[%dma_wait3A_455, %dma_wait3A_457, %dma_wait3A_458] : memref<10x128x64xf32, #tpu.memory_space<vmem>> -> memref<1x128x64xf32, #tpu.memory_space<vmem>>
    %dma_wait3A_460 = tpu.memref_squeeze %dma_wait3A_459 : memref<1x128x64xf32, #tpu.memory_space<vmem>> -> memref<128x64xf32, #tpu.memory_space<vmem>>
    %dma_wait3A_461 = arith.constant 0 : i32
    %dma_wait3A_462 = tpu.memref_slice %arg5[%dma_wait3A_454, %dma_wait3A_461] : memref<200x128xi32, #tpu.memory_space<vmem>> -> memref<1x128xi32, #tpu.memory_space<vmem>>
    %dma_wait3A_463 = tpu.memref_squeeze %dma_wait3A_462 : memref<1x128xi32, #tpu.memory_space<vmem>> -> memref<128xi32, #tpu.memory_space<vmem>>
    %dma_wait3A_464 = arith.constant 0 : i32
    %dma_wait3A_465 = arith.constant 0 : i32
    %dma_wait3A_466 = tpu.memref_slice %arg2[%dma_wait3A_464, %dma_wait3A_465] : memref<1000000x64xf32, #tpu.memory_space<hbm>> -> memref<1000000x64xf32, #tpu.memory_space<hbm>>
    %dma_wait3A_467 = tpu.memref_slice %arg7[%dma_wait3A_456] : memref<10x!tpu.dma_semaphore, #tpu.memory_space<semaphore_mem>> -> memref<1x!tpu.dma_semaphore, #tpu.memory_space<semaphore_mem>>
    %dma_wait3A_468 = tpu.memref_squeeze %dma_wait3A_467 : memref<1x!tpu.dma_semaphore, #tpu.memory_space<semaphore_mem>> -> memref<!tpu.dma_semaphore, #tpu.memory_space<semaphore_mem>>
    tpu.wait_indirect_dma semaphore(%dma_wait3A_468 : memref<!tpu.dma_semaphore, #tpu.memory_space<semaphore_mem>>) src(%dma_wait3A_466 : memref<1000000x64xf32, #tpu.memory_space<hbm>>) dst(%dma_wait3A_460 : memref<128x64xf32, #tpu.memory_space<vmem>>)
    %add3A_469 = arith.constant 25472 : i32
    %add3A_470 = arith.addi %mul3A_4, %add3A_469 : i32
    %dma_start3A_471 = arith.constant 9 : i32
    %dma_start3A_472 = arith.constant 9 : i32
    %dma_start3A_473 = arith.constant 0 : i32
    %dma_start3A_474 = arith.constant 0 : i32
    %dma_start3A_475 = tpu.memref_slice %arg6[%dma_start3A_471, %dma_start3A_473, %dma_start3A_474] : memref<10x128x64xf32, #tpu.memory_space<vmem>> -> memref<1x128x64xf32, #tpu.memory_space<vmem>>
    %dma_start3A_476 = tpu.memref_squeeze %dma_start3A_475 : memref<1x128x64xf32, #tpu.memory_space<vmem>> -> memref<128x64xf32, #tpu.memory_space<vmem>>
    %dma_start3A_477 = arith.constant 0 : i32
    %dma_start3A_478 = tpu.memref_slice %arg4[%add3A_470, %dma_start3A_477] : memref<819200x64xf32, #tpu.memory_space<hbm>> -> memref<128x64xf32, #tpu.memory_space<hbm>>
    %dma_start3A_479 = tpu.memref_slice %arg8[%dma_start3A_472] : memref<10x!tpu.dma_semaphore, #tpu.memory_space<semaphore_mem>> -> memref<1x!tpu.dma_semaphore, #tpu.memory_space<semaphore_mem>>
    %dma_start3A_480 = tpu.memref_squeeze %dma_start3A_479 : memref<1x!tpu.dma_semaphore, #tpu.memory_space<semaphore_mem>> -> memref<!tpu.dma_semaphore, #tpu.memory_space<semaphore_mem>>
    %dma_start3A_481 = arith.constant 0 : i32
    %dma_start3A_482 = tpu.memref_slice %arg4[%add3A_470, %dma_start3A_481] : memref<819200x64xf32, #tpu.memory_space<hbm>> -> memref<128x64xf32, #tpu.memory_space<hbm>>
    %dma_start3A_483 = arith.constant 0 : i32
    %dma_start3A_484 = arith.constant 0 : i32
    %dma_start3A_485 = tpu.memref_slice %arg6[%dma_start3A_471, %dma_start3A_483, %dma_start3A_484] : memref<10x128x64xf32, #tpu.memory_space<vmem>> -> memref<1x128x64xf32, #tpu.memory_space<vmem>>
    %dma_start3A_486 = tpu.memref_squeeze %dma_start3A_485 : memref<1x128x64xf32, #tpu.memory_space<vmem>> -> memref<128x64xf32, #tpu.memory_space<vmem>>
    tpu.enqueue_dma source(%dma_start3A_486 : memref<128x64xf32, #tpu.memory_space<vmem>>) target(%dma_start3A_482 : memref<128x64xf32, #tpu.memory_space<hbm>>) target_semaphore(%dma_start3A_480 : memref<!tpu.dma_semaphore, #tpu.memory_space<semaphore_mem>>)
    %add3A_487 = arith.constant 24320 : i32
    %add3A_488 = arith.addi %mul3A_4, %add3A_487 : i32
    %dma_wait3A_489 = arith.constant 0 : i32
    %dma_wait3A_490 = arith.constant 0 : i32
    %dma_wait3A_491 = arith.constant 0 : i32
    %dma_wait3A_492 = arith.constant 0 : i32
    %dma_wait3A_493 = tpu.memref_slice %arg6[%dma_wait3A_489, %dma_wait3A_491, %dma_wait3A_492] : memref<10x128x64xf32, #tpu.memory_space<vmem>> -> memref<1x128x64xf32, #tpu.memory_space<vmem>>
    %dma_wait3A_494 = tpu.memref_squeeze %dma_wait3A_493 : memref<1x128x64xf32, #tpu.memory_space<vmem>> -> memref<128x64xf32, #tpu.memory_space<vmem>>
    %dma_wait3A_495 = arith.constant 0 : i32
    %dma_wait3A_496 = tpu.memref_slice %arg4[%add3A_488, %dma_wait3A_495] : memref<819200x64xf32, #tpu.memory_space<hbm>> -> memref<128x64xf32, #tpu.memory_space<hbm>>
    %dma_wait3A_497 = tpu.memref_slice %arg8[%dma_wait3A_490] : memref<10x!tpu.dma_semaphore, #tpu.memory_space<semaphore_mem>> -> memref<1x!tpu.dma_semaphore, #tpu.memory_space<semaphore_mem>>
    %dma_wait3A_498 = tpu.memref_squeeze %dma_wait3A_497 : memref<1x!tpu.dma_semaphore, #tpu.memory_space<semaphore_mem>> -> memref<!tpu.dma_semaphore, #tpu.memory_space<semaphore_mem>>
    %dma_wait3A_499 = arith.constant 0 : i32
    %dma_wait3A_500 = tpu.memref_slice %arg4[%add3A_488, %dma_wait3A_499] : memref<819200x64xf32, #tpu.memory_space<hbm>> -> memref<128x64xf32, #tpu.memory_space<hbm>>
    %dma_wait3A_501 = arith.constant 0 : i32
    %dma_wait3A_502 = arith.constant 0 : i32
    %dma_wait3A_503 = tpu.memref_slice %arg6[%dma_wait3A_489, %dma_wait3A_501, %dma_wait3A_502] : memref<10x128x64xf32, #tpu.memory_space<vmem>> -> memref<1x128x64xf32, #tpu.memory_space<vmem>>
    %dma_wait3A_504 = tpu.memref_squeeze %dma_wait3A_503 : memref<1x128x64xf32, #tpu.memory_space<vmem>> -> memref<128x64xf32, #tpu.memory_space<vmem>>
    tpu.wait_dma2 semaphore(%dma_wait3A_498 : memref<!tpu.dma_semaphore, #tpu.memory_space<semaphore_mem>>) src(%dma_wait3A_504 : memref<128x64xf32, #tpu.memory_space<vmem>>) dst(%dma_wait3A_500 : memref<128x64xf32, #tpu.memory_space<hbm>>)
    %add3A_505 = arith.constant 24448 : i32
    %add3A_506 = arith.addi %mul3A_4, %add3A_505 : i32
    %dma_wait3A_507 = arith.constant 1 : i32
    %dma_wait3A_508 = arith.constant 1 : i32
    %dma_wait3A_509 = arith.constant 0 : i32
    %dma_wait3A_510 = arith.constant 0 : i32
    %dma_wait3A_511 = tpu.memref_slice %arg6[%dma_wait3A_507, %dma_wait3A_509, %dma_wait3A_510] : memref<10x128x64xf32, #tpu.memory_space<vmem>> -> memref<1x128x64xf32, #tpu.memory_space<vmem>>
    %dma_wait3A_512 = tpu.memref_squeeze %dma_wait3A_511 : memref<1x128x64xf32, #tpu.memory_space<vmem>> -> memref<128x64xf32, #tpu.memory_space<vmem>>
    %dma_wait3A_513 = arith.constant 0 : i32
    %dma_wait3A_514 = tpu.memref_slice %arg4[%add3A_506, %dma_wait3A_513] : memref<819200x64xf32, #tpu.memory_space<hbm>> -> memref<128x64xf32, #tpu.memory_space<hbm>>
    %dma_wait3A_515 = tpu.memref_slice %arg8[%dma_wait3A_508] : memref<10x!tpu.dma_semaphore, #tpu.memory_space<semaphore_mem>> -> memref<1x!tpu.dma_semaphore, #tpu.memory_space<semaphore_mem>>
    %dma_wait3A_516 = tpu.memref_squeeze %dma_wait3A_515 : memref<1x!tpu.dma_semaphore, #tpu.memory_space<semaphore_mem>> -> memref<!tpu.dma_semaphore, #tpu.memory_space<semaphore_mem>>
    %dma_wait3A_517 = arith.constant 0 : i32
    %dma_wait3A_518 = tpu.memref_slice %arg4[%add3A_506, %dma_wait3A_517] : memref<819200x64xf32, #tpu.memory_space<hbm>> -> memref<128x64xf32, #tpu.memory_space<hbm>>
    %dma_wait3A_519 = arith.constant 0 : i32
    %dma_wait3A_520 = arith.constant 0 : i32
    %dma_wait3A_521 = tpu.memref_slice %arg6[%dma_wait3A_507, %dma_wait3A_519, %dma_wait3A_520] : memref<10x128x64xf32, #tpu.memory_space<vmem>> -> memref<1x128x64xf32, #tpu.memory_space<vmem>>
    %dma_wait3A_522 = tpu.memref_squeeze %dma_wait3A_521 : memref<1x128x64xf32, #tpu.memory_space<vmem>> -> memref<128x64xf32, #tpu.memory_space<vmem>>
    tpu.wait_dma2 semaphore(%dma_wait3A_516 : memref<!tpu.dma_semaphore, #tpu.memory_space<semaphore_mem>>) src(%dma_wait3A_522 : memref<128x64xf32, #tpu.memory_space<vmem>>) dst(%dma_wait3A_518 : memref<128x64xf32, #tpu.memory_space<hbm>>)
    %add3A_523 = arith.constant 24576 : i32
    %add3A_524 = arith.addi %mul3A_4, %add3A_523 : i32
    %dma_wait3A_525 = arith.constant 2 : i32
    %dma_wait3A_526 = arith.constant 2 : i32
    %dma_wait3A_527 = arith.constant 0 : i32
    %dma_wait3A_528 = arith.constant 0 : i32
    %dma_wait3A_529 = tpu.memref_slice %arg6[%dma_wait3A_525, %dma_wait3A_527, %dma_wait3A_528] : memref<10x128x64xf32, #tpu.memory_space<vmem>> -> memref<1x128x64xf32, #tpu.memory_space<vmem>>
    %dma_wait3A_530 = tpu.memref_squeeze %dma_wait3A_529 : memref<1x128x64xf32, #tpu.memory_space<vmem>> -> memref<128x64xf32, #tpu.memory_space<vmem>>
    %dma_wait3A_531 = arith.constant 0 : i32
    %dma_wait3A_532 = tpu.memref_slice %arg4[%add3A_524, %dma_wait3A_531] : memref<819200x64xf32, #tpu.memory_space<hbm>> -> memref<128x64xf32, #tpu.memory_space<hbm>>
    %dma_wait3A_533 = tpu.memref_slice %arg8[%dma_wait3A_526] : memref<10x!tpu.dma_semaphore, #tpu.memory_space<semaphore_mem>> -> memref<1x!tpu.dma_semaphore, #tpu.memory_space<semaphore_mem>>
    %dma_wait3A_534 = tpu.memref_squeeze %dma_wait3A_533 : memref<1x!tpu.dma_semaphore, #tpu.memory_space<semaphore_mem>> -> memref<!tpu.dma_semaphore, #tpu.memory_space<semaphore_mem>>
    %dma_wait3A_535 = arith.constant 0 : i32
    %dma_wait3A_536 = tpu.memref_slice %arg4[%add3A_524, %dma_wait3A_535] : memref<819200x64xf32, #tpu.memory_space<hbm>> -> memref<128x64xf32, #tpu.memory_space<hbm>>
    %dma_wait3A_537 = arith.constant 0 : i32
    %dma_wait3A_538 = arith.constant 0 : i32
    %dma_wait3A_539 = tpu.memref_slice %arg6[%dma_wait3A_525, %dma_wait3A_537, %dma_wait3A_538] : memref<10x128x64xf32, #tpu.memory_space<vmem>> -> memref<1x128x64xf32, #tpu.memory_space<vmem>>
    %dma_wait3A_540 = tpu.memref_squeeze %dma_wait3A_539 : memref<1x128x64xf32, #tpu.memory_space<vmem>> -> memref<128x64xf32, #tpu.memory_space<vmem>>
    tpu.wait_dma2 semaphore(%dma_wait3A_534 : memref<!tpu.dma_semaphore, #tpu.memory_space<semaphore_mem>>) src(%dma_wait3A_540 : memref<128x64xf32, #tpu.memory_space<vmem>>) dst(%dma_wait3A_536 : memref<128x64xf32, #tpu.memory_space<hbm>>)
    %add3A_541 = arith.constant 24704 : i32
    %add3A_542 = arith.addi %mul3A_4, %add3A_541 : i32
    %dma_wait3A_543 = arith.constant 3 : i32
    %dma_wait3A_544 = arith.constant 3 : i32
    %dma_wait3A_545 = arith.constant 0 : i32
    %dma_wait3A_546 = arith.constant 0 : i32
    %dma_wait3A_547 = tpu.memref_slice %arg6[%dma_wait3A_543, %dma_wait3A_545, %dma_wait3A_546] : memref<10x128x64xf32, #tpu.memory_space<vmem>> -> memref<1x128x64xf32, #tpu.memory_space<vmem>>
    %dma_wait3A_548 = tpu.memref_squeeze %dma_wait3A_547 : memref<1x128x64xf32, #tpu.memory_space<vmem>> -> memref<128x64xf32, #tpu.memory_space<vmem>>
    %dma_wait3A_549 = arith.constant 0 : i32
    %dma_wait3A_550 = tpu.memref_slice %arg4[%add3A_542, %dma_wait3A_549] : memref<819200x64xf32, #tpu.memory_space<hbm>> -> memref<128x64xf32, #tpu.memory_space<hbm>>
    %dma_wait3A_551 = tpu.memref_slice %arg8[%dma_wait3A_544] : memref<10x!tpu.dma_semaphore, #tpu.memory_space<semaphore_mem>> -> memref<1x!tpu.dma_semaphore, #tpu.memory_space<semaphore_mem>>
    %dma_wait3A_552 = tpu.memref_squeeze %dma_wait3A_551 : memref<1x!tpu.dma_semaphore, #tpu.memory_space<semaphore_mem>> -> memref<!tpu.dma_semaphore, #tpu.memory_space<semaphore_mem>>
    %dma_wait3A_553 = arith.constant 0 : i32
    %dma_wait3A_554 = tpu.memref_slice %arg4[%add3A_542, %dma_wait3A_553] : memref<819200x64xf32, #tpu.memory_space<hbm>> -> memref<128x64xf32, #tpu.memory_space<hbm>>
    %dma_wait3A_555 = arith.constant 0 : i32
    %dma_wait3A_556 = arith.constant 0 : i32
    %dma_wait3A_557 = tpu.memref_slice %arg6[%dma_wait3A_543, %dma_wait3A_555, %dma_wait3A_556] : memref<10x128x64xf32, #tpu.memory_space<vmem>> -> memref<1x128x64xf32, #tpu.memory_space<vmem>>
    %dma_wait3A_558 = tpu.memref_squeeze %dma_wait3A_557 : memref<1x128x64xf32, #tpu.memory_space<vmem>> -> memref<128x64xf32, #tpu.memory_space<vmem>>
    tpu.wait_dma2 semaphore(%dma_wait3A_552 : memref<!tpu.dma_semaphore, #tpu.memory_space<semaphore_mem>>) src(%dma_wait3A_558 : memref<128x64xf32, #tpu.memory_space<vmem>>) dst(%dma_wait3A_554 : memref<128x64xf32, #tpu.memory_space<hbm>>)
    %add3A_559 = arith.constant 24832 : i32
    %add3A_560 = arith.addi %mul3A_4, %add3A_559 : i32
    %dma_wait3A_561 = arith.constant 4 : i32
    %dma_wait3A_562 = arith.constant 4 : i32
    %dma_wait3A_563 = arith.constant 0 : i32
    %dma_wait3A_564 = arith.constant 0 : i32
    %dma_wait3A_565 = tpu.memref_slice %arg6[%dma_wait3A_561, %dma_wait3A_563, %dma_wait3A_564] : memref<10x128x64xf32, #tpu.memory_space<vmem>> -> memref<1x128x64xf32, #tpu.memory_space<vmem>>
    %dma_wait3A_566 = tpu.memref_squeeze %dma_wait3A_565 : memref<1x128x64xf32, #tpu.memory_space<vmem>> -> memref<128x64xf32, #tpu.memory_space<vmem>>
    %dma_wait3A_567 = arith.constant 0 : i32
    %dma_wait3A_568 = tpu.memref_slice %arg4[%add3A_560, %dma_wait3A_567] : memref<819200x64xf32, #tpu.memory_space<hbm>> -> memref<128x64xf32, #tpu.memory_space<hbm>>
    %dma_wait3A_569 = tpu.memref_slice %arg8[%dma_wait3A_562] : memref<10x!tpu.dma_semaphore, #tpu.memory_space<semaphore_mem>> -> memref<1x!tpu.dma_semaphore, #tpu.memory_space<semaphore_mem>>
    %dma_wait3A_570 = tpu.memref_squeeze %dma_wait3A_569 : memref<1x!tpu.dma_semaphore, #tpu.memory_space<semaphore_mem>> -> memref<!tpu.dma_semaphore, #tpu.memory_space<semaphore_mem>>
    %dma_wait3A_571 = arith.constant 0 : i32
    %dma_wait3A_572 = tpu.memref_slice %arg4[%add3A_560, %dma_wait3A_571] : memref<819200x64xf32, #tpu.memory_space<hbm>> -> memref<128x64xf32, #tpu.memory_space<hbm>>
    %dma_wait3A_573 = arith.constant 0 : i32
    %dma_wait3A_574 = arith.constant 0 : i32
    %dma_wait3A_575 = tpu.memref_slice %arg6[%dma_wait3A_561, %dma_wait3A_573, %dma_wait3A_574] : memref<10x128x64xf32, #tpu.memory_space<vmem>> -> memref<1x128x64xf32, #tpu.memory_space<vmem>>
    %dma_wait3A_576 = tpu.memref_squeeze %dma_wait3A_575 : memref<1x128x64xf32, #tpu.memory_space<vmem>> -> memref<128x64xf32, #tpu.memory_space<vmem>>
    tpu.wait_dma2 semaphore(%dma_wait3A_570 : memref<!tpu.dma_semaphore, #tpu.memory_space<semaphore_mem>>) src(%dma_wait3A_576 : memref<128x64xf32, #tpu.memory_space<vmem>>) dst(%dma_wait3A_572 : memref<128x64xf32, #tpu.memory_space<hbm>>)
    %add3A_577 = arith.constant 24960 : i32
    %add3A_578 = arith.addi %mul3A_4, %add3A_577 : i32
    %dma_wait3A_579 = arith.constant 5 : i32
    %dma_wait3A_580 = arith.constant 5 : i32
    %dma_wait3A_581 = arith.constant 0 : i32
    %dma_wait3A_582 = arith.constant 0 : i32
    %dma_wait3A_583 = tpu.memref_slice %arg6[%dma_wait3A_579, %dma_wait3A_581, %dma_wait3A_582] : memref<10x128x64xf32, #tpu.memory_space<vmem>> -> memref<1x128x64xf32, #tpu.memory_space<vmem>>
    %dma_wait3A_584 = tpu.memref_squeeze %dma_wait3A_583 : memref<1x128x64xf32, #tpu.memory_space<vmem>> -> memref<128x64xf32, #tpu.memory_space<vmem>>
    %dma_wait3A_585 = arith.constant 0 : i32
    %dma_wait3A_586 = tpu.memref_slice %arg4[%add3A_578, %dma_wait3A_585] : memref<819200x64xf32, #tpu.memory_space<hbm>> -> memref<128x64xf32, #tpu.memory_space<hbm>>
    %dma_wait3A_587 = tpu.memref_slice %arg8[%dma_wait3A_580] : memref<10x!tpu.dma_semaphore, #tpu.memory_space<semaphore_mem>> -> memref<1x!tpu.dma_semaphore, #tpu.memory_space<semaphore_mem>>
    %dma_wait3A_588 = tpu.memref_squeeze %dma_wait3A_587 : memref<1x!tpu.dma_semaphore, #tpu.memory_space<semaphore_mem>> -> memref<!tpu.dma_semaphore, #tpu.memory_space<semaphore_mem>>
    %dma_wait3A_589 = arith.constant 0 : i32
    %dma_wait3A_590 = tpu.memref_slice %arg4[%add3A_578, %dma_wait3A_589] : memref<819200x64xf32, #tpu.memory_space<hbm>> -> memref<128x64xf32, #tpu.memory_space<hbm>>
    %dma_wait3A_591 = arith.constant 0 : i32
    %dma_wait3A_592 = arith.constant 0 : i32
    %dma_wait3A_593 = tpu.memref_slice %arg6[%dma_wait3A_579, %dma_wait3A_591, %dma_wait3A_592] : memref<10x128x64xf32, #tpu.memory_space<vmem>> -> memref<1x128x64xf32, #tpu.memory_space<vmem>>
    %dma_wait3A_594 = tpu.memref_squeeze %dma_wait3A_593 : memref<1x128x64xf32, #tpu.memory_space<vmem>> -> memref<128x64xf32, #tpu.memory_space<vmem>>
    tpu.wait_dma2 semaphore(%dma_wait3A_588 : memref<!tpu.dma_semaphore, #tpu.memory_space<semaphore_mem>>) src(%dma_wait3A_594 : memref<128x64xf32, #tpu.memory_space<vmem>>) dst(%dma_wait3A_590 : memref<128x64xf32, #tpu.memory_space<hbm>>)
    %add3A_595 = arith.constant 25088 : i32
    %add3A_596 = arith.addi %mul3A_4, %add3A_595 : i32
    %dma_wait3A_597 = arith.constant 6 : i32
    %dma_wait3A_598 = arith.constant 6 : i32
    %dma_wait3A_599 = arith.constant 0 : i32
    %dma_wait3A_600 = arith.constant 0 : i32
    %dma_wait3A_601 = tpu.memref_slice %arg6[%dma_wait3A_597, %dma_wait3A_599, %dma_wait3A_600] : memref<10x128x64xf32, #tpu.memory_space<vmem>> -> memref<1x128x64xf32, #tpu.memory_space<vmem>>
    %dma_wait3A_602 = tpu.memref_squeeze %dma_wait3A_601 : memref<1x128x64xf32, #tpu.memory_space<vmem>> -> memref<128x64xf32, #tpu.memory_space<vmem>>
    %dma_wait3A_603 = arith.constant 0 : i32
    %dma_wait3A_604 = tpu.memref_slice %arg4[%add3A_596, %dma_wait3A_603] : memref<819200x64xf32, #tpu.memory_space<hbm>> -> memref<128x64xf32, #tpu.memory_space<hbm>>
    %dma_wait3A_605 = tpu.memref_slice %arg8[%dma_wait3A_598] : memref<10x!tpu.dma_semaphore, #tpu.memory_space<semaphore_mem>> -> memref<1x!tpu.dma_semaphore, #tpu.memory_space<semaphore_mem>>
    %dma_wait3A_606 = tpu.memref_squeeze %dma_wait3A_605 : memref<1x!tpu.dma_semaphore, #tpu.memory_space<semaphore_mem>> -> memref<!tpu.dma_semaphore, #tpu.memory_space<semaphore_mem>>
    %dma_wait3A_607 = arith.constant 0 : i32
    %dma_wait3A_608 = tpu.memref_slice %arg4[%add3A_596, %dma_wait3A_607] : memref<819200x64xf32, #tpu.memory_space<hbm>> -> memref<128x64xf32, #tpu.memory_space<hbm>>
    %dma_wait3A_609 = arith.constant 0 : i32
    %dma_wait3A_610 = arith.constant 0 : i32
    %dma_wait3A_611 = tpu.memref_slice %arg6[%dma_wait3A_597, %dma_wait3A_609, %dma_wait3A_610] : memref<10x128x64xf32, #tpu.memory_space<vmem>> -> memref<1x128x64xf32, #tpu.memory_space<vmem>>
    %dma_wait3A_612 = tpu.memref_squeeze %dma_wait3A_611 : memref<1x128x64xf32, #tpu.memory_space<vmem>> -> memref<128x64xf32, #tpu.memory_space<vmem>>
    tpu.wait_dma2 semaphore(%dma_wait3A_606 : memref<!tpu.dma_semaphore, #tpu.memory_space<semaphore_mem>>) src(%dma_wait3A_612 : memref<128x64xf32, #tpu.memory_space<vmem>>) dst(%dma_wait3A_608 : memref<128x64xf32, #tpu.memory_space<hbm>>)
    %add3A_613 = arith.constant 25216 : i32
    %add3A_614 = arith.addi %mul3A_4, %add3A_613 : i32
    %dma_wait3A_615 = arith.constant 7 : i32
    %dma_wait3A_616 = arith.constant 7 : i32
    %dma_wait3A_617 = arith.constant 0 : i32
    %dma_wait3A_618 = arith.constant 0 : i32
    %dma_wait3A_619 = tpu.memref_slice %arg6[%dma_wait3A_615, %dma_wait3A_617, %dma_wait3A_618] : memref<10x128x64xf32, #tpu.memory_space<vmem>> -> memref<1x128x64xf32, #tpu.memory_space<vmem>>
    %dma_wait3A_620 = tpu.memref_squeeze %dma_wait3A_619 : memref<1x128x64xf32, #tpu.memory_space<vmem>> -> memref<128x64xf32, #tpu.memory_space<vmem>>
    %dma_wait3A_621 = arith.constant 0 : i32
    %dma_wait3A_622 = tpu.memref_slice %arg4[%add3A_614, %dma_wait3A_621] : memref<819200x64xf32, #tpu.memory_space<hbm>> -> memref<128x64xf32, #tpu.memory_space<hbm>>
    %dma_wait3A_623 = tpu.memref_slice %arg8[%dma_wait3A_616] : memref<10x!tpu.dma_semaphore, #tpu.memory_space<semaphore_mem>> -> memref<1x!tpu.dma_semaphore, #tpu.memory_space<semaphore_mem>>
    %dma_wait3A_624 = tpu.memref_squeeze %dma_wait3A_623 : memref<1x!tpu.dma_semaphore, #tpu.memory_space<semaphore_mem>> -> memref<!tpu.dma_semaphore, #tpu.memory_space<semaphore_mem>>
    %dma_wait3A_625 = arith.constant 0 : i32
    %dma_wait3A_626 = tpu.memref_slice %arg4[%add3A_614, %dma_wait3A_625] : memref<819200x64xf32, #tpu.memory_space<hbm>> -> memref<128x64xf32, #tpu.memory_space<hbm>>
    %dma_wait3A_627 = arith.constant 0 : i32
    %dma_wait3A_628 = arith.constant 0 : i32
    %dma_wait3A_629 = tpu.memref_slice %arg6[%dma_wait3A_615, %dma_wait3A_627, %dma_wait3A_628] : memref<10x128x64xf32, #tpu.memory_space<vmem>> -> memref<1x128x64xf32, #tpu.memory_space<vmem>>
    %dma_wait3A_630 = tpu.memref_squeeze %dma_wait3A_629 : memref<1x128x64xf32, #tpu.memory_space<vmem>> -> memref<128x64xf32, #tpu.memory_space<vmem>>
    tpu.wait_dma2 semaphore(%dma_wait3A_624 : memref<!tpu.dma_semaphore, #tpu.memory_space<semaphore_mem>>) src(%dma_wait3A_630 : memref<128x64xf32, #tpu.memory_space<vmem>>) dst(%dma_wait3A_626 : memref<128x64xf32, #tpu.memory_space<hbm>>)
    %add3A_631 = arith.constant 25344 : i32
    %add3A_632 = arith.addi %mul3A_4, %add3A_631 : i32
    %dma_wait3A_633 = arith.constant 8 : i32
    %dma_wait3A_634 = arith.constant 8 : i32
    %dma_wait3A_635 = arith.constant 0 : i32
    %dma_wait3A_636 = arith.constant 0 : i32
    %dma_wait3A_637 = tpu.memref_slice %arg6[%dma_wait3A_633, %dma_wait3A_635, %dma_wait3A_636] : memref<10x128x64xf32, #tpu.memory_space<vmem>> -> memref<1x128x64xf32, #tpu.memory_space<vmem>>
    %dma_wait3A_638 = tpu.memref_squeeze %dma_wait3A_637 : memref<1x128x64xf32, #tpu.memory_space<vmem>> -> memref<128x64xf32, #tpu.memory_space<vmem>>
    %dma_wait3A_639 = arith.constant 0 : i32
    %dma_wait3A_640 = tpu.memref_slice %arg4[%add3A_632, %dma_wait3A_639] : memref<819200x64xf32, #tpu.memory_space<hbm>> -> memref<128x64xf32, #tpu.memory_space<hbm>>
    %dma_wait3A_641 = tpu.memref_slice %arg8[%dma_wait3A_634] : memref<10x!tpu.dma_semaphore, #tpu.memory_space<semaphore_mem>> -> memref<1x!tpu.dma_semaphore, #tpu.memory_space<semaphore_mem>>
    %dma_wait3A_642 = tpu.memref_squeeze %dma_wait3A_641 : memref<1x!tpu.dma_semaphore, #tpu.memory_space<semaphore_mem>> -> memref<!tpu.dma_semaphore, #tpu.memory_space<semaphore_mem>>
    %dma_wait3A_643 = arith.constant 0 : i32
    %dma_wait3A_644 = tpu.memref_slice %arg4[%add3A_632, %dma_wait3A_643] : memref<819200x64xf32, #tpu.memory_space<hbm>> -> memref<128x64xf32, #tpu.memory_space<hbm>>
    %dma_wait3A_645 = arith.constant 0 : i32
    %dma_wait3A_646 = arith.constant 0 : i32
    %dma_wait3A_647 = tpu.memref_slice %arg6[%dma_wait3A_633, %dma_wait3A_645, %dma_wait3A_646] : memref<10x128x64xf32, #tpu.memory_space<vmem>> -> memref<1x128x64xf32, #tpu.memory_space<vmem>>
    %dma_wait3A_648 = tpu.memref_squeeze %dma_wait3A_647 : memref<1x128x64xf32, #tpu.memory_space<vmem>> -> memref<128x64xf32, #tpu.memory_space<vmem>>
    tpu.wait_dma2 semaphore(%dma_wait3A_642 : memref<!tpu.dma_semaphore, #tpu.memory_space<semaphore_mem>>) src(%dma_wait3A_648 : memref<128x64xf32, #tpu.memory_space<vmem>>) dst(%dma_wait3A_644 : memref<128x64xf32, #tpu.memory_space<hbm>>)
    %add3A_649 = arith.constant 25472 : i32
    %add3A_650 = arith.addi %mul3A_4, %add3A_649 : i32
    %dma_wait3A_651 = arith.constant 9 : i32
    %dma_wait3A_652 = arith.constant 9 : i32
    %dma_wait3A_653 = arith.constant 0 : i32
    %dma_wait3A_654 = arith.constant 0 : i32
    %dma_wait3A_655 = tpu.memref_slice %arg6[%dma_wait3A_651, %dma_wait3A_653, %dma_wait3A_654] : memref<10x128x64xf32, #tpu.memory_space<vmem>> -> memref<1x128x64xf32, #tpu.memory_space<vmem>>
    %dma_wait3A_656 = tpu.memref_squeeze %dma_wait3A_655 : memref<1x128x64xf32, #tpu.memory_space<vmem>> -> memref<128x64xf32, #tpu.memory_space<vmem>>
    %dma_wait3A_657 = arith.constant 0 : i32
    %dma_wait3A_658 = tpu.memref_slice %arg4[%add3A_650, %dma_wait3A_657] : memref<819200x64xf32, #tpu.memory_space<hbm>> -> memref<128x64xf32, #tpu.memory_space<hbm>>
    %dma_wait3A_659 = tpu.memref_slice %arg8[%dma_wait3A_652] : memref<10x!tpu.dma_semaphore, #tpu.memory_space<semaphore_mem>> -> memref<1x!tpu.dma_semaphore, #tpu.memory_space<semaphore_mem>>
    %dma_wait3A_660 = tpu.memref_squeeze %dma_wait3A_659 : memref<1x!tpu.dma_semaphore, #tpu.memory_space<semaphore_mem>> -> memref<!tpu.dma_semaphore, #tpu.memory_space<semaphore_mem>>
    %dma_wait3A_661 = arith.constant 0 : i32
    %dma_wait3A_662 = tpu.memref_slice %arg4[%add3A_650, %dma_wait3A_661] : memref<819200x64xf32, #tpu.memory_space<hbm>> -> memref<128x64xf32, #tpu.memory_space<hbm>>
    %dma_wait3A_663 = arith.constant 0 : i32
    %dma_wait3A_664 = arith.constant 0 : i32
    %dma_wait3A_665 = tpu.memref_slice %arg6[%dma_wait3A_651, %dma_wait3A_663, %dma_wait3A_664] : memref<10x128x64xf32, #tpu.memory_space<vmem>> -> memref<1x128x64xf32, #tpu.memory_space<vmem>>
    %dma_wait3A_666 = tpu.memref_squeeze %dma_wait3A_665 : memref<1x128x64xf32, #tpu.memory_space<vmem>> -> memref<128x64xf32, #tpu.memory_space<vmem>>
    tpu.wait_dma2 semaphore(%dma_wait3A_660 : memref<!tpu.dma_semaphore, #tpu.memory_space<semaphore_mem>>) src(%dma_wait3A_666 : memref<128x64xf32, #tpu.memory_space<vmem>>) dst(%dma_wait3A_662 : memref<128x64xf32, #tpu.memory_space<hbm>>)
    return
  }
}

</mosaic_0001>

<sc_bundles>
// kernel: _gather.3.cloned.1.call-start
scs
__scs_entry_jumppad:
0x0: {  	(pc) =	sbr.rel $0x88, $3  }
0x1: {  	(tag) =	ssettag $0x0;
	lr =	simm.s32 $0x1  }
0x2: {  	[smem:$0x3F9F] =	sst lr;
	_ =	strace $0xD0000000  }
0x3: {  	_ = 	snop  }
0x4: {  	_ = 	snop  }
0x5: {  	_ = 	snop  }
0x6: {  	_ = 	snop  }
0x7: {  	_ = 	snop  }
__scs_overlays_trampoline_lowered:
0x8: {  	[smem:$0x3FAE] =	sst s0  }
0x9: {  	[smem:$0x3FAF] =	sst s1  }
0xa: {  	[smem:$0x3FB0] =	sst s2  }
0xb: {  	[smem:$0x3FB1] =	sst s3  }
0xc: {  	[smem:$0x3FB2] =	sst s4  }
0xd: {  	[smem:$0x3FB3] =	sst s5  }
0xe: {  	[smem:$0x3FB4] =	sst s6  }
0xf: {  	[smem:$0x3FB5] =	sst s7  }
0x10: {  	[smem:$0x3FB6] =	sst s8  }
0x11: {  	[smem:$0x3FB7] =	sst s9;
	s0 =	simm.s32 @!p0 $0x0  }
0x12: {  	s1 =	sld [smem:$0x3F9D];
	s0 =	simm.s32 @p0 $0x1  }
0x13: {  	[smem:$0x3FB8] =	sst s0;
	s0 =	simm.s32 @!p1 $0x0  }
0x14: {  	s2 =	sld [smem:$0x3F9C];
	s0 =	simm.s32 @p1 $0x1  }
0x15: {  	[smem:$0x3FB9] =	sst s0;
	s0 =	simm.s32 @!p2 $0x0  }
0x16: {  	s3 =	sld [smem:$0x3FDB];
	s0 =	simm.s32 @p2 $0x1  }
0x17: {  	s4 =	simm.s32 $0x1BF5;
	[smem:$0x3FBB] =	sst s0  }
0x18: {  	s0 =	sld [smem:$0x3F9E];
	_ =	swait.ge [sflag:s4], $0x0  }
0x19: {  	s7 =	sld [smem:$0x3F9F]  }
0x1a: {  	s8 =	sadd.s32 $0xFFFFE003, lr  }
0x1b: {  	s9 =	sadd.s32 $0xFFFFFEF7, lr;
	s5 =	simm.s32 $0xFFFFFFFF;
	p2 =	slt.u32 s8, $0xFFFFF086  }
0x1c: {  	p1 =	slt.u32 s9, $0xF7A;
	s5 =	simm.s32 @!p2 $0x0  }
0x1d: {  	s5 =	simm.s32 @p1 $0x1;
	p0 =	seq.s32 s7, s2  }
0x1e: {  	s7 =	smul.u32 @!p0 $0xF7A, s2;
	p2 =	seq.s32 @!p0 s5, $0x0  }
0x1f: {  	s9 =	smul.u32 $0xF7A, s1;
	s8 =	simm.s32 @!p0 $0x1BF5;
	p2 =	por !p2, p0  }
0x20: {  	[sflag:s8] =	ssyncset.s32 @!p0 $0xFFFFF086;
	s6 =	sadd.s32 @!p0 s3, s7;
	s7 =	simm.s32 @!p0 $0x108  }
0x21: {  	s3 =	sadd.s32 s3, s9;
	s6 =	sadd.s32 @!p0 $0x88, s6;
	s7 =	simm.s32 @p2 $0x1082  }
0x22: {  	[simem:s7], [sflag:s8] =	dma.local @!p0 [hbm:s6], $0xF7A  }
0x23: {  	s9 =	sor.u32 $0xD0000000, s2;
	s6 =	simm.s32 $0x108;
	_ =	swait.ge @!p0 [sflag:s8], $0x0  }
0x24: {  	s3 =	sadd.s32 $0x88, s3;
	s6 =	simm.s32 @!p1 $0x1082;
	[sflag:s4] =	ssyncset.s32 $0xFFFFF086  }
0x25: {  	[simem:s6], [sflag:s4] =	dma.local [hbm:s3], $0xF7A  }
0x26: {  	[smem:$0x3F9F] =	sst s1;
	(tag) =	ssettag s2;
	_ =	strace s9  }
0x27: {  	s1 =	sld [smem:$0x3FAF]  }
0x28: {  	s2 =	sld [smem:$0x3FB0]  }
0x29: {  	s4 =	sld [smem:$0x3FB2]  }
0x2a: {  	p0 =	seq.s32 s5, $0x0;
	s5 =	sld [smem:$0x3FB3]  }
0x2b: {  	s6 =	sld [smem:$0x3FB4]  }
0x2c: {  	s7 =	sld [smem:$0x3FB5]  }
0x2d: {  	s3 =	simm.s32 $0x108;
	s8 =	sld [smem:$0x3FB6]  }
0x2e: {  	s3 =	simm.s32 @!p0 $0x1082;
	s9 =	sld [smem:$0x3FB7]  }
0x2f: {  	lr =	sadd.s32 s0, s3;
	s0 =	sld [smem:$0x3FAE]  }
0x30: {  	s3 =	sld [smem:$0x3FB1]  }
0x31: {  	[smem:$0x3FBA] =	sst s10  }
0x32: {  	s10 =	sld [smem:$0x3FB8];
	_ =	sdelay $0x3  }
0x33: {  	p0 =	seq.s32 s10, $0x1;
	s10 =	sld [smem:$0x3FBA];
	_ =	sdelay $0x3  }
0x34: {  	[smem:$0x3FBA] =	sst s10  }
0x35: {  	s10 =	sld [smem:$0x3FB9];
	_ =	sdelay $0x3  }
0x36: {  	p1 =	seq.s32 s10, $0x1;
	s10 =	sld [smem:$0x3FBA];
	_ =	sdelay $0x3  }
0x37: {  	[smem:$0x3FBA] =	sst s10  }
0x38: {  	s10 =	sld [smem:$0x3FBB]  }
0x39: {  	_ = 	snop;
	(pc) =	sbr.ind lr, $3  }
0x3a: {  	_ = 	snop  }
0x3b: {  	_ = 	snop  }
0x3c: {  	p2 =	seq.s32 s10, $0x1;
	s10 =	sld [smem:$0x3FBA]  }
0x3d: {  	_ =	shalt  }
0x3e: {  	_ =	shalt  }
0x3f: {  	_ =	shalt  }
0x40: {  	_ =	shalt  }
0x41: {  	_ =	shalt  }
0x42: {  	_ =	shalt  }
0x43: {  	_ =	shalt  }
0x44: {  	_ =	shalt  }
0x45: {  	_ =	shalt  }
0x46: {  	_ =	shalt  }
0x47: {  	_ =	shalt  }
0x48: {  	_ =	shalt  }
0x49: {  	_ =	shalt  }
0x4a: {  	_ =	shalt  }
0x4b: {  	_ =	shalt  }
0x4c: {  	_ =	shalt  }
0x4d: {  	_ =	shalt  }
0x4e: {  	_ =	shalt  }
0x4f: {  	_ =	shalt  }
0x50: {  	_ =	shalt  }
0x51: {  	_ =	shalt  }
0x52: {  	_ =	shalt  }
0x53: {  	_ =	shalt  }
0x54: {  	_ =	shalt  }
0x55: {  	_ =	shalt  }
0x56: {  	_ =	shalt  }
0x57: {  	_ =	shalt  }
0x58: {  	_ =	shalt  }
0x59: {  	_ =	shalt  }
0x5a: {  	_ =	shalt  }
0x5b: {  	_ =	shalt  }
0x5c: {  	_ =	shalt  }
0x5d: {  	_ =	shalt  }
0x5e: {  	_ =	shalt  }
0x5f: {  	_ =	shalt  }
0x60: {  	_ =	shalt  }
0x61: {  	_ =	shalt  }
0x62: {  	_ =	shalt  }
0x63: {  	_ =	shalt  }
0x64: {  	_ =	shalt  }
0x65: {  	_ =	shalt  }
0x66: {  	_ =	shalt  }
0x67: {  	_ =	shalt  }
0x68: {  	_ =	shalt  }
0x69: {  	_ =	shalt  }
0x6a: {  	_ =	shalt  }
0x6b: {  	_ =	shalt  }
0x6c: {  	_ =	shalt  }
0x6d: {  	_ =	shalt  }
0x6e: {  	_ =	shalt  }
0x6f: {  	_ =	shalt  }
0x70: {  	_ =	shalt  }
0x71: {  	_ =	shalt  }
0x72: {  	_ =	shalt  }
0x73: {  	_ =	shalt  }
0x74: {  	_ =	shalt  }
0x75: {  	_ =	shalt  }
0x76: {  	_ =	shalt  }
0x77: {  	_ =	shalt  }
0x78: {  	_ =	shalt  }
0x79: {  	_ =	shalt  }
0x7a: {  	_ =	shalt  }
0x7b: {  	_ =	shalt  }
0x7c: {  	_ =	shalt  }
0x7d: {  	_ =	shalt  }
0x7e: {  	_ =	shalt  }
0x7f: {  	_ =	shalt  }
0x80: {  	_ =	shalt  }
0x81: {  	_ =	shalt  }
0x82: {  	_ =	shalt  }
0x83: {  	_ =	shalt  }
0x84: {  	_ =	shalt  }
0x85: {  	_ =	shalt  }
0x86: {  	_ =	shalt  }
0x87: {  	_ =	shalt  }
.Lfunc_end0:
.L_simem_size_0:
called_computation.1_lowered:
.L_overlay_start_0:
0x88: {  	s2 =	sld [smem:$0x3FD9]  }
0x89: {  	s3 =	sld [smem:$0x3FFE];
	_ =	sdelay $0x1  }
0x8a: {  	s1 =	srdreg.scid  }
0x8b: {  	s0 =	sand.u32 $0x1, s1  }
0x8c: {  	s17 =	sshll.u32 s0, $0xA;
	s2 =	sadd.s32 s3, s2  }
0x8d: {  	s2 =	sadd.s32 s2, s17  }
0x8e: {  	[smem:$0x3FC6] =	sst s2  }
0x8f: {  	_ = 	snop  }
0x90: {  	s2 =	sld [smem:$0x3FC8]  }
0x91: {  	s18 =	sld [smem:$0x3FD0];
	(tm) =	ssettm $0x1  }
0x92: {  	s4 =	sld [smem:$0x3FFB];
	_ =	sdelay $0x3  }
0x93: {  	_ =	strace s4  }
0x94: {  	s4 =	sld [smem:$0x3FFC];
	_ =	sdelay $0x3  }
0x95: {  	_ =	strace s4  }
0x96: {  	s4 =	sld [smem:$0x3FFD];
	_ =	sdelay $0x3  }
0x97: {  	_ =	strace s4  }
0x98: {  	_ =	strace $0x8FFFFFFF  }
0x99: {  	s19 =	sld [smem:$0x3FDB];
	_ =	sdelay $0x1  }
0x9a: {  	s5 =	simm.s32 $_scs_section_size  }
0x9b: {  	s6 =	simm.s32 $_size__tile_overlayer_lowered;
	s7 =	simm.s32 $_tile_overlayer_lowered  }
0x9c: {  	s22 =	simm.s32 $0x1BFF;
	s21 =	sshll.u32 s7, $0x1;
	s4 =	sadd.s32 s5, s19  }
0x9d: {  	s8 =	simm.s32 $0x0;
	s20 =	sshll.u32 s6, $0x1;
	s6 =	sadd.s32 s21, s4  }
0x9e: {  	[timem:s8], [sflag:s22] =	dma.local [hbm:s6], s20  }
0x9f: {  	_ =	swait.ge [sflag:s22], s20  }
0xa0: {  	s5 =	ssub.s32 $0x0, s20;
	[sflag:s22] =	ssyncset.done $0x0  }
0xa1: {  	[sflag:s22] =	ssyncadd.s32 s5;
	_ =	sdelay $0x1  }
0xa2: {  	s23 =	simm.s32 $0x1B8B  }
0xa3: {  	_ =	swait.ge [sflag:s23], $0x1  }
0xa4: {  	[sflag:s23] =	ssyncset.done $0x0  }
0xa5: {  	s25 =	simm.s32 $0x1B8E;
	s24 =	sld [smem:$0x3FFE];
	[sflag:s23] =	ssyncadd.s32 $0xFFFFFFFF  }
0xa6: {  	s26 =	simm.s32 $execute0_lowered;
	[smem:$0x3FD2] =	sst s25  }
0xa7: {  	s6 =	sshll.u32 s26, $0x1;
	_ =	strace $0x80000046;
	[dreg:$0x1] =	wrdreg $0xFFFFFFFF  }
0xa8: {  	s28 =	simm.s32 $_size_execute0_lowered;
	s4 =	sadd.s32 s4, s6;
	[dreg:$0x0] =	wrdreg $0x0  }
0xa9: {  	s6 =	sshll.u32 s28, $0x1;
	[dreg:$0x2] =	wrdreg s4  }
0xaa: {  	[dreg:$0x3] =	wrdreg s6  }
0xab: {  	[dreg:$0x4] =	wrdreg $0xC0  }
0xac: {  	_ =	task [dreg:s8], $0x5FFFF  }
0xad: {  	[dreg:$0x1] =	wrdreg $0xFFFFFFFF  }
0xae: {  	[dreg:$0x0] =	wrdreg $0x60  }
0xaf: {  	[dreg:$0x2] =	wrdreg s24  }
0xb0: {  	[dreg:$0x3] =	wrdreg s2  }
0xb1: {  	[dreg:$0x4] =	wrdreg s18  }
0xb2: {  	[dreg:$0x5] =	wrdreg $0x9  }
0xb3: {  	_ =	task.clear_ibuf [dreg:s8], $0x6FFFF;
	_ =	strace $0x90000046  }
0xb4: {  	s29 =	simm.s32 $0x9;
	_ =	strace $0x80000048  }
0xb5: {  	_ =	swait.ge [sflag:s29], $0x1  }
0xb6: {  	[sflag:s29] =	ssyncadd.s32 $0xFFFFFFFF  }
0xb7: {  	_ =	strace $0x90000048  }
0xb8: {  	_ =	sfence  }
0xb9: {  	s30 =	sld [smem:$0x0];
	_ =	sdelay $0x2  }
0xba: {  	s31 =	sshll.u32 s1, $0xD;
	s1 =	sshrl.u32 s1, $0x2  }
0xbb: {  	s3 =	sand.u32 $0x4000, s31;
	s1 =	sadd.s32 s1, s30  }
0xbc: {  	s0 =	sor.u32 s3, s0;
	s1 =	sshll.u32 s1, $0x11  }
0xbd: {  	s0 =	sor.u32 s1, s0  }
0xbe: {  	s0 =	sadd.s32 $0x8F2B, s0  }
0xbf: {  	[sflag:s0] =	ssyncadd.remote.s32 $0x1  }
0xc0: {  	_ =	sfence.sel $0xFFFF  }
0xc1: {  	[dreg:$0x0] =	wrdreg $0xFFFFFFFF;
	(pc) =	sbr.abs _section_cstart, $3  }
0xc2: {  	[dreg:$0x1] =	wrdreg $0xFFFFFFFF  }
0xc3: {  	_ =	task.clear_ibuf [dreg:s8], $0x2FFFF;
	_ =	strace $0x9FFFFFFF  }
0xc4: {  	(tm) =	ssettm $0x7FFFFFFF  }
0xc5: {  	_ =	shalt  }
tec
execute0_lowered:
.L_overlay_start_1:
0x0: {  	(tag) =	ssettag $0x1  }
0x1: {  	s0 =	rddreg [dreg:$0x0];
	s1 =	srdreg.scid  }
0x2: {  	s3 =	stileid.u32;
	s4 =	rddreg [dreg:$0x1]  }
0x3: {  	s1 =	sand.u32 $0x1, s1;
	s2 =	sshll.u32 s3, $0x1;
	s8 =	smul.u32 $0xC800, s3  }
0x4: {  	s6 =	sor.u32 s1, s2;
	s9 =	ssub.s32 $0x2, s1;
	s1 =	smul.u32 $0x6400, s1  }
0x5: {  	s5 =	rddreg [dreg:$0x2];
	s2 =	simm.s32 $0x0;
	s7 =	smul.u32 $0xC80, s6  }
0x6: {  	[smem:$0x7FF] =	sst s2;
	s31 =	sshrl.u32 s9, $0x1;
	s10 =	smul.u32 $0x32000, s6  }
0x7: {  	s3 =	sadd.s32 $0xF42C00, s0;
	_ =	strace $0x80000047;
	s0 =	ssub.s32 s9, s31  }
0x8: {  	s1 =	sadd.s32 s1, s8;
	s4 =	sadd.s32 s4, s7;
	s11 =	sadd.s32 s5, s10  }
0x9: {  	s1 =	sshll.u32 s1, $0x3;
	s0 =	smax.u32 s0, $0x1;
	[dreg:$0xe] =	wrdreg s4  }
0xa: {  	[dreg:$0xf] =	wrdreg s11;
	s4 =	sadd.s32 $0x400, s11;
	s13 =	sadd.s32 $0x20002400, s1  }
0xb: {  	s14 =	sadd.s32 $0x20002000, s1;
	s1 =	sadd.s32 s5, s1;
	[dreg:$0x19] =	wrdreg s0  }
0xc: {  	[dreg:$0x10] =	wrdreg s4;
	s18 =	sadd.s32 $0x1C00, s1  }
0xd: {  	s20 =	sadd.s32 $0x1800, s1;
	[dreg:$0x6] =	wrdreg s18  }
0xe: {  	s22 =	sadd.s32 $0x1400, s1;
	[dreg:$0x7] =	wrdreg s20  }
0xf: {  	s6 =	smul.u32 $0x190000, s6;
	s24 =	sadd.s32 $0x1000, s1;
	[dreg:$0x8] =	wrdreg s22  }
0x10: {  	s8 =	simm.s32 $0xE;
	s26 =	sadd.s32 $0xC00, s1;
	[dreg:$0x9] =	wrdreg s24  }
0x11: {  	s9 =	simm.s32 $0xF;
	s29 =	sadd.s32 $0x800, s1;
	[dreg:$0xa] =	wrdreg s26  }
0x12: {  	s12 =	sshrl.u32 s6, $0x3;
	s30 =	sadd.s32 $0x2800, s1;
	[dreg:$0xb] =	wrdreg s29  }
0x13: {  	s4 =	sadd.s32 s5, s12;
	s31 =	sadd.s32 $0x2C00, s1;
	[dreg:$0xc] =	wrdreg s30  }
0x14: {  	s6 =	sand.u32 $0x1FFE400, s13;
	s15 =	sadd.s32 $0x30000, s4;
	[dreg:$0xd] =	wrdreg s31  }
0x15: {  	s10 =	simm.s32 $0x7;
	s6 =	sadd.s32 s6, s5;
	[dreg:$0x11] =	wrdreg s15  }
0x16: {  	s7 =	sand.u32 $0x1FFE000, s14;
	s17 =	sadd.s32 $0x30400, s4;
	[dreg:$0x4] =	wrdreg s6  }
0x17: {  	s11 =	simm.s32 $0x10;
	s16 =	sadd.s32 s7, s5;
	[dreg:$0x12] =	wrdreg s17  }
0x18: {  	s0 =	simm.s32 $0x0;
	s19 =	sadd.s32 $0x30800, s4;
	[dreg:$0x5] =	wrdreg s16  }
0x19: {  	s12 =	simm.s32 $0x8;
	s21 =	sadd.s32 $0x30C00, s4;
	[dreg:$0x13] =	wrdreg s19  }
0x1a: {  	s13 =	simm.s32 $0x11;
	s23 =	sadd.s32 $0x31000, s4;
	[dreg:$0x14] =	wrdreg s21  }
0x1b: {  	s14 =	simm.s32 $0x9;
	s25 =	sadd.s32 $0x31400, s4;
	[dreg:$0x15] =	wrdreg s23  }
0x1c: {  	s28 =	sadd.s32 $0x31800, s4;
	s4 =	sadd.s32 $0x31C00, s4;
	[dreg:$0x16] =	wrdreg s25  }
0x1d: {  	s7 =	simm.s32 $0x2;
	s5 =	simm.s32 $0x6;
	[dreg:$0x17] =	wrdreg s28  }
0x1e: {  	s18 =	simm.s32 $0x13;
	[dreg:$0x18] =	wrdreg s4;
	s17 =	simm.s32 $0x80  }
0x1f: {  	s23 =	simm.s32 $0x6400;
	s4 =	simm.s32 $0x1;
	s15 =	simm.s32 $0x12  }
0x20: {  	s16 =	simm.s32 $0xA;
	s19 =	simm.s32 $0x14;
	s6 =	simm.s32 $0x18400  }
.LBB2_1:
0x21: {  	[dreg:$0x1a] =	wrdreg s0  }
0x22: {  	s21 =	rddreg [dreg:$0xe];
	s28 =	simm.s32 $0x15  }
0x23: {  	[tilespmem:s2], [sflag:$0x15] =	stream.linear.gather [hbm4b:s21+s2], $0x6400, $0x38;
	[tilespmem:$0x1A400] =	vst v63  }
0x24: {  	_ =	swait.ge [sflag:s28], $0x6400  }
0x25: {  	[sflag:s28] =	ssyncset.done $0x0  }
0x26: {  	[sflag:s28] =	ssyncadd.s32 $0xFFFF9C00  }
0x27: {  	[tilespmem:s23], [sflag:$0x1] =	stream.indirect.gather [hbm4b:s3+s17], $0x40, s2, s17, $0xb8;
	[tilespmem:$0x1A400] =	vst v63  }
0x28: {  	s1 =	simm.s32 $0x8400  }
0x29: {  	[tilespmem:s1], [sflag:$0x2] =	stream.indirect.gather [hbm4b:s3+s17], $0x40, s17, s17, $0xb8;
	[tilespmem:$0x1A400] =	vst v63  }
0x2a: {  	s20 =	simm.s32 $0x100;
	s25 =	simm.s32 $0xA400  }
0x2b: {  	[tilespmem:s25], [sflag:$0x3] =	stream.indirect.gather [hbm4b:s3+s17], $0x40, s20, s17, $0xb8;
	[tilespmem:$0x1A400] =	vst v63  }
0x2c: {  	s29 =	simm.s32 $0x180;
	s26 =	simm.s32 $0xC400  }
0x2d: {  	[tilespmem:s26], [sflag:$0x4] =	stream.indirect.gather [hbm4b:s3+s17], $0x40, s29, s17, $0xb8;
	[tilespmem:$0x1A400] =	vst v63  }
0x2e: {  	s31 =	simm.s32 $0x200;
	s22 =	simm.s32 $0xE400  }
0x2f: {  	[tilespmem:s22], [sflag:$0x5] =	stream.indirect.gather [hbm4b:s3+s17], $0x40, s31, s17, $0xb8;
	[tilespmem:$0x1A400] =	vst v63  }
0x30: {  	s0 =	simm.s32 $0x280;
	s28 =	simm.s32 $0x10400  }
0x31: {  	[tilespmem:s28], [sflag:$0x6] =	stream.indirect.gather [hbm4b:s3+s17], $0x40, s0, s17, $0xb8;
	[tilespmem:$0x1A400] =	vst v63  }
0x32: {  	s21 =	simm.s32 $0x300;
	s29 =	simm.s32 $0x12400  }
0x33: {  	[tilespmem:s29], [sflag:$0x7] =	stream.indirect.gather [hbm4b:s3+s17], $0x40, s21, s17, $0xb8;
	[tilespmem:$0x1A400] =	vst v63  }
0x34: {  	s24 =	simm.s32 $0x380;
	s20 =	simm.s32 $0x14400  }
0x35: {  	[tilespmem:s20], [sflag:$0x8] =	stream.indirect.gather [hbm4b:s3+s17], $0x40, s24, s17, $0xb8;
	[tilespmem:$0x1A400] =	vst v63  }
0x36: {  	s31 =	simm.s32 $0x400;
	s24 =	simm.s32 $0x16400  }
0x37: {  	[tilespmem:s24], [sflag:$0x9] =	stream.indirect.gather [hbm4b:s3+s17], $0x40, s31, s17, $0xb8;
	[tilespmem:$0x1A400] =	vst v63  }
0x38: {  	_ =	swait.ge [sflag:s4], $0x2000  }
0x39: {  	[sflag:s4] =	ssyncset.done $0x0  }
0x3a: {  	s0 =	rddreg [dreg:$0xf];
	[sflag:s4] =	ssyncadd.s32 $0xFFFFE000  }
0x3b: {  	[hbm4b:s0+s2] =	stream.linear.scatter [tilespmem:s23], [sflag:$0xB], $0x2000, $0x38;
	[tilespmem:$0x1A400] =	vst v63  }
0x3c: {  	s30 =	simm.s32 $0x18400;
	s31 =	simm.s32 $0x480  }
0x3d: {  	[tilespmem:s30], [sflag:$0xA] =	stream.indirect.gather [hbm4b:s3+s17], $0x40, s31, s17, $0xb8;
	[tilespmem:$0x1A400] =	vst v63  }
0x3e: {  	_ =	swait.ge [sflag:s7], $0x2000  }
0x3f: {  	[sflag:s7] =	ssyncset.done $0x0  }
0x40: {  	s31 =	simm.s32 $0xB;
	s0 =	rddreg [dreg:$0x10];
	[sflag:s7] =	ssyncadd.s32 $0xFFFFE000  }
0x41: {  	[hbm4b:s0+s2] =	stream.linear.scatter [tilespmem:s1], [sflag:$0xC], $0x2000, $0x38;
	[tilespmem:$0x1A400] =	vst v63  }
0x42: {  	_ =	swait.ge [sflag:s31], $0x2000  }
0x43: {  	[sflag:s31] =	ssyncset.done $0x0  }
0x44: {  	s21 =	simm.s32 $0x3;
	s0 =	simm.s32 $0x500;
	[sflag:s31] =	ssyncadd.s32 $0xFFFFE000  }
0x45: {  	[tilespmem:s23], [sflag:$0x1] =	stream.indirect.gather [hbm4b:s3+s17], $0x40, s0, s17, $0xb8;
	[tilespmem:$0x1A400] =	vst v63  }
0x46: {  	_ =	swait.ge [sflag:s21], $0x2000  }
0x47: {  	s31 =	rddreg [dreg:$0xb];
	[sflag:s21] =	ssyncset.done $0x0  }
0x48: {  	[sflag:s21] =	ssyncadd.s32 $0xFFFFE000;
	s21 =	sadd.s32 $0x0, s31;
	s31 =	simm.s32 $0xC  }
0x49: {  	[hbm4b:s21+s2] =	stream.linear.scatter [tilespmem:s25], [sflag:$0xD], $0x2000, $0x38;
	[tilespmem:$0x1A400] =	vst v63  }
0x4a: {  	_ =	swait.ge [sflag:s31], $0x2000  }
0x4b: {  	[sflag:s31] =	ssyncset.done $0x0  }
0x4c: {  	s0 =	simm.s32 $0x580;
	[sflag:s31] =	ssyncadd.s32 $0xFFFFE000;
	s31 =	simm.s32 $0x4  }
0x4d: {  	[tilespmem:s1], [sflag:$0x2] =	stream.indirect.gather [hbm4b:s3+s17], $0x40, s0, s17, $0xb8;
	[tilespmem:$0x1A400] =	vst v63  }
0x4e: {  	_ =	swait.ge [sflag:s31], $0x2000  }
0x4f: {  	s1 =	rddreg [dreg:$0xa];
	[sflag:s31] =	ssyncset.done $0x0  }
0x50: {  	[sflag:s31] =	ssyncadd.s32 $0xFFFFE000;
	s21 =	sadd.s32 $0x0, s1;
	s31 =	simm.s32 $0xD  }
0x51: {  	[hbm4b:s21+s2] =	stream.linear.scatter [tilespmem:s26], [sflag:$0xE], $0x2000, $0x38;
	[tilespmem:$0x1A400] =	vst v63  }
0x52: {  	_ =	swait.ge [sflag:s31], $0x2000  }
0x53: {  	[sflag:s31] =	ssyncset.done $0x0  }
0x54: {  	s1 =	simm.s32 $0x600;
	s21 =	simm.s32 $0x5;
	[sflag:s31] =	ssyncadd.s32 $0xFFFFE000  }
0x55: {  	[tilespmem:s25], [sflag:$0x3] =	stream.indirect.gather [hbm4b:s3+s17], $0x40, s1, s17, $0xb8;
	[tilespmem:$0x1A400] =	vst v63  }
0x56: {  	_ =	swait.ge [sflag:s21], $0x2000  }
0x57: {  	s25 =	rddreg [dreg:$0x9];
	[sflag:s21] =	ssyncset.done $0x0  }
0x58: {  	[sflag:s21] =	ssyncadd.s32 $0xFFFFE000;
	s21 =	sadd.s32 $0x0, s25  }
0x59: {  	[hbm4b:s21+s2] =	stream.linear.scatter [tilespmem:s22], [sflag:$0xF], $0x2000, $0x38;
	[tilespmem:$0x1A400] =	vst v63  }
0x5a: {  	_ =	swait.ge [sflag:s8], $0x2000  }
0x5b: {  	[sflag:s8] =	ssyncset.done $0x0  }
0x5c: {  	s31 =	simm.s32 $0x680;
	[sflag:s8] =	ssyncadd.s32 $0xFFFFE000  }
0x5d: {  	[tilespmem:s26], [sflag:$0x4] =	stream.indirect.gather [hbm4b:s3+s17], $0x40, s31, s17, $0xb8;
	[tilespmem:$0x1A400] =	vst v63  }
0x5e: {  	_ =	swait.ge [sflag:s5], $0x2000  }
0x5f: {  	s0 =	rddreg [dreg:$0x8];
	[sflag:s5] =	ssyncset.done $0x0  }
0x60: {  	[sflag:s5] =	ssyncadd.s32 $0xFFFFE000;
	s21 =	sadd.s32 $0x0, s0  }
0x61: {  	[hbm4b:s21+s2] =	stream.linear.scatter [tilespmem:s28], [sflag:$0x10], $0x2000, $0x38;
	[tilespmem:$0x1A400] =	vst v63  }
0x62: {  	_ =	swait.ge [sflag:s9], $0x2000  }
0x63: {  	[sflag:s9] =	ssyncset.done $0x0  }
0x64: {  	s1 =	simm.s32 $0x700;
	[sflag:s9] =	ssyncadd.s32 $0xFFFFE000  }
0x65: {  	[tilespmem:s22], [sflag:$0x5] =	stream.indirect.gather [hbm4b:s3+s17], $0x40, s1, s17, $0xb8;
	[tilespmem:$0x1A400] =	vst v63  }
0x66: {  	_ =	swait.ge [sflag:s10], $0x2000  }
0x67: {  	s25 =	rddreg [dreg:$0x7];
	[sflag:s10] =	ssyncset.done $0x0  }
0x68: {  	[sflag:s10] =	ssyncadd.s32 $0xFFFFE000;
	s21 =	sadd.s32 $0x0, s25  }
0x69: {  	[hbm4b:s21+s2] =	stream.linear.scatter [tilespmem:s29], [sflag:$0x11], $0x2000, $0x38;
	[tilespmem:$0x1A400] =	vst v63  }
0x6a: {  	_ =	swait.ge [sflag:s11], $0x2000  }
0x6b: {  	[sflag:s11] =	ssyncset.done $0x0  }
0x6c: {  	s26 =	simm.s32 $0x780;
	[sflag:s11] =	ssyncadd.s32 $0xFFFFE000  }
0x6d: {  	[tilespmem:s28], [sflag:$0x6] =	stream.indirect.gather [hbm4b:s3+s17], $0x40, s26, s17, $0xb8;
	[tilespmem:$0x1A400] =	vst v63  }
0x6e: {  	_ =	swait.ge [sflag:s12], $0x2000  }
0x6f: {  	s31 =	rddreg [dreg:$0x6];
	[sflag:s12] =	ssyncset.done $0x0  }
0x70: {  	[sflag:s12] =	ssyncadd.s32 $0xFFFFE000;
	s21 =	sadd.s32 $0x0, s31  }
0x71: {  	[hbm4b:s21+s2] =	stream.linear.scatter [tilespmem:s20], [sflag:$0x12], $0x2000, $0x38;
	[tilespmem:$0x1A400] =	vst v63  }
0x72: {  	_ =	swait.ge [sflag:s13], $0x2000  }
0x73: {  	[sflag:s13] =	ssyncset.done $0x0  }
0x74: {  	s0 =	simm.s32 $0x800;
	[sflag:s13] =	ssyncadd.s32 $0xFFFFE000  }
0x75: {  	[tilespmem:s29], [sflag:$0x7] =	stream.indirect.gather [hbm4b:s3+s17], $0x40, s0, s17, $0xb8;
	[tilespmem:$0x1A400] =	vst v63  }
0x76: {  	_ =	swait.ge [sflag:s14], $0x2000  }
0x77: {  	s1 =	rddreg [dreg:$0x5];
	[sflag:s14] =	ssyncset.done $0x0  }
0x78: {  	[sflag:s14] =	ssyncadd.s32 $0xFFFFE000;
	s21 =	sadd.s32 $0x0, s1  }
0x79: {  	[hbm4b:s21+s2] =	stream.linear.scatter [tilespmem:s24], [sflag:$0x13], $0x2000, $0x38;
	[tilespmem:$0x1A400] =	vst v63  }
0x7a: {  	_ =	swait.ge [sflag:s15], $0x2000  }
0x7b: {  	[sflag:s15] =	ssyncset.done $0x0  }
0x7c: {  	s22 =	simm.s32 $0x880;
	[sflag:s15] =	ssyncadd.s32 $0xFFFFE000  }
0x7d: {  	[tilespmem:s20], [sflag:$0x8] =	stream.indirect.gather [hbm4b:s3+s17], $0x40, s22, s17, $0xb8;
	[tilespmem:$0x1A400] =	vst v63  }
0x7e: {  	_ =	swait.ge [sflag:s16], $0x2000  }
0x7f: {  	s25 =	rddreg [dreg:$0x4];
	[sflag:s16] =	ssyncset.done $0x0  }
0x80: {  	[sflag:s16] =	ssyncadd.s32 $0xFFFFE000;
	s21 =	sadd.s32 $0x0, s25  }
0x81: {  	[hbm4b:s21+s2] =	stream.linear.scatter [tilespmem:s30], [sflag:$0x14], $0x2000, $0x38;
	[tilespmem:$0x1A400] =	vst v63  }
0x82: {  	_ =	swait.ge [sflag:s18], $0x2000  }
0x83: {  	[sflag:s18] =	ssyncset.done $0x0  }
0x84: {  	s26 =	simm.s32 $0x900;
	[sflag:s18] =	ssyncadd.s32 $0xFFFFE000  }
0x85: {  	[tilespmem:s24], [sflag:$0x9] =	stream.indirect.gather [hbm4b:s3+s17], $0x40, s26, s17, $0xb8;
	[tilespmem:$0x1A400] =	vst v63  }
0x86: {  	_ =	swait.ge [sflag:s4], $0x2000  }
0x87: {  	s28 =	rddreg [dreg:$0xc];
	[sflag:s4] =	ssyncset.done $0x0  }
0x88: {  	[sflag:s4] =	ssyncadd.s32 $0xFFFFE000;
	s21 =	sadd.s32 $0x0, s28  }
0x89: {  	[hbm4b:s21+s2] =	stream.linear.scatter [tilespmem:s23], [sflag:$0xB], $0x2000, $0x38;
	[tilespmem:$0x1A400] =	vst v63  }
0x8a: {  	_ =	swait.ge [sflag:s19], $0x2000  }
0x8b: {  	[sflag:s19] =	ssyncset.done $0x0  }
0x8c: {  	s29 =	simm.s32 $0x980;
	[sflag:s19] =	ssyncadd.s32 $0xFFFFE000  }
0x8d: {  	[tilespmem:s30], [sflag:$0xA] =	stream.indirect.gather [hbm4b:s3+s17], $0x40, s29, s17, $0xb8;
	[tilespmem:$0x1A400] =	vst v63  }
0x8e: {  	s21 =	simm.s32 $0x2800;
	_ =	swait.ge [sflag:s7], $0x2000  }
0x8f: {  	s23 =	simm.s32 $0xE80;
	s31 =	rddreg [dreg:$0xd];
	[sflag:s7] =	ssyncset.done $0x0  }
0x90: {  	s30 =	simm.s32 $0x6400;
	[sflag:s7] =	ssyncadd.s32 $0xFFFFE000;
	s25 =	sadd.s32 $0x0, s31  }
.LBB2_2:
0x91: {  	s20 =	simm.s32 $0x8400;
	s0 =	simm.s32 $0xB  }
0x92: {  	[hbm4b:s25+s2] =	stream.linear.scatter [tilespmem:s20], [sflag:$0xC], $0x2000, $0x38;
	[tilespmem:$0x1A400] =	vst v63  }
0x93: {  	_ =	swait.ge [sflag:s0], $0x2000  }
0x94: {  	[sflag:s0] =	ssyncset.done $0x0  }
0x95: {  	s28 =	sadd.s32 $0xFFFFFB80, s23;
	s26 =	simm.s32 $0x3;
	[sflag:s0] =	ssyncadd.s32 $0xFFFFE000  }
0x96: {  	[tilespmem:s30], [sflag:$0x1] =	stream.indirect.gather [hbm4b:s3+s17], $0x40, s28, s17, $0xb8;
	[tilespmem:$0x1A400] =	vst v63  }
0x97: {  	s4 =	simm.s32 $0xC;
	_ =	swait.ge [sflag:s26], $0x2000  }
0x98: {  	s25 =	smov.u32 s21;
	s1 =	rddreg [dreg:$0xb];
	[sflag:s26] =	ssyncset.done $0x0  }
0x99: {  	[sflag:s26] =	ssyncadd.s32 $0xFFFFE000;
	s28 =	sadd.s32 s25, s1;
	s26 =	simm.s32 $0xA400  }
0x9a: {  	[hbm4b:s28+s2] =	stream.linear.scatter [tilespmem:s26], [sflag:$0xD], $0x2000, $0x38;
	[tilespmem:$0x1A400] =	vst v63  }
0x9b: {  	_ =	swait.ge [sflag:s4], $0x2000  }
0x9c: {  	[sflag:s4] =	ssyncset.done $0x0  }
0x9d: {  	s7 =	sadd.s32 $0xFFFFFC00, s23;
	s22 =	simm.s32 $0x4;
	[sflag:s4] =	ssyncadd.s32 $0xFFFFE000  }
0x9e: {  	[tilespmem:s20], [sflag:$0x2] =	stream.indirect.gather [hbm4b:s3+s17], $0x40, s7, s17, $0xb8;
	[tilespmem:$0x1A400] =	vst v63  }
0x9f: {  	_ =	swait.ge [sflag:s22], $0x2000  }
0xa0: {  	s24 =	rddreg [dreg:$0xa];
	[sflag:s22] =	ssyncset.done $0x0  }
0xa1: {  	[sflag:s22] =	ssyncadd.s32 $0xFFFFE000;
	s28 =	sadd.s32 s25, s24;
	s22 =	simm.s32 $0xC400  }
0xa2: {  	[hbm4b:s28+s2] =	stream.linear.scatter [tilespmem:s22], [sflag:$0xE], $0x2000, $0x38;
	[tilespmem:$0x1A400] =	vst v63  }
0xa3: {  	s28 =	simm.s32 $0xD  }
0xa4: {  	_ =	swait.ge [sflag:s28], $0x2000  }
0xa5: {  	[sflag:s28] =	ssyncset.done $0x0  }
0xa6: {  	s0 =	sadd.s32 $0xFFFFFC80, s23;
	s4 =	simm.s32 $0x5;
	[sflag:s28] =	ssyncadd.s32 $0xFFFFE000  }
0xa7: {  	[tilespmem:s26], [sflag:$0x3] =	stream.indirect.gather [hbm4b:s3+s17], $0x40, s0, s17, $0xb8;
	[tilespmem:$0x1A400] =	vst v63  }
0xa8: {  	_ =	swait.ge [sflag:s4], $0x2000  }
0xa9: {  	s7 =	rddreg [dreg:$0x9];
	[sflag:s4] =	ssyncset.done $0x0  }
0xaa: {  	s29 =	simm.s32 $0xE400;
	[sflag:s4] =	ssyncadd.s32 $0xFFFFE000;
	s28 =	sadd.s32 s25, s7  }
0xab: {  	[hbm4b:s28+s2] =	stream.linear.scatter [tilespmem:s29], [sflag:$0xF], $0x2000, $0x38;
	[tilespmem:$0x1A400] =	vst v63  }
0xac: {  	_ =	swait.ge [sflag:s8], $0x2000  }
0xad: {  	[sflag:s8] =	ssyncset.done $0x0  }
0xae: {  	s24 =	sadd.s32 $0xFFFFFD00, s23;
	[sflag:s8] =	ssyncadd.s32 $0xFFFFE000  }
0xaf: {  	[tilespmem:s22], [sflag:$0x4] =	stream.indirect.gather [hbm4b:s3+s17], $0x40, s24, s17, $0xb8;
	[tilespmem:$0x1A400] =	vst v63  }
0xb0: {  	_ =	swait.ge [sflag:s5], $0x2000  }
0xb1: {  	s0 =	rddreg [dreg:$0x8];
	[sflag:s5] =	ssyncset.done $0x0  }
0xb2: {  	s31 =	simm.s32 $0x10400;
	[sflag:s5] =	ssyncadd.s32 $0xFFFFE000;
	s28 =	sadd.s32 s25, s0  }
0xb3: {  	[hbm4b:s28+s2] =	stream.linear.scatter [tilespmem:s31], [sflag:$0x10], $0x2000, $0x38;
	[tilespmem:$0x1A400] =	vst v63  }
0xb4: {  	_ =	swait.ge [sflag:s9], $0x2000  }
0xb5: {  	[sflag:s9] =	ssyncset.done $0x0  }
0xb6: {  	s4 =	sadd.s32 $0xFFFFFD80, s23;
	[sflag:s9] =	ssyncadd.s32 $0xFFFFE000  }
0xb7: {  	[tilespmem:s29], [sflag:$0x5] =	stream.indirect.gather [hbm4b:s3+s17], $0x40, s4, s17, $0xb8;
	[tilespmem:$0x1A400] =	vst v63  }
0xb8: {  	_ =	swait.ge [sflag:s10], $0x2000  }
0xb9: {  	s7 =	rddreg [dreg:$0x7];
	[sflag:s10] =	ssyncset.done $0x0  }
0xba: {  	s0 =	simm.s32 $0x12400;
	[sflag:s10] =	ssyncadd.s32 $0xFFFFE000;
	s28 =	sadd.s32 s25, s7  }
0xbb: {  	[hbm4b:s28+s2] =	stream.linear.scatter [tilespmem:s0], [sflag:$0x11], $0x2000, $0x38;
	[tilespmem:$0x1A400] =	vst v63  }
0xbc: {  	_ =	swait.ge [sflag:s11], $0x2000  }
0xbd: {  	[sflag:s11] =	ssyncset.done $0x0  }
0xbe: {  	s24 =	sadd.s32 $0xFFFFFE00, s23;
	[sflag:s11] =	ssyncadd.s32 $0xFFFFE000  }
0xbf: {  	[tilespmem:s31], [sflag:$0x6] =	stream.indirect.gather [hbm4b:s3+s17], $0x40, s24, s17, $0xb8;
	[tilespmem:$0x1A400] =	vst v63  }
0xc0: {  	_ =	swait.ge [sflag:s12], $0x2000  }
0xc1: {  	s4 =	rddreg [dreg:$0x6];
	[sflag:s12] =	ssyncset.done $0x0  }
0xc2: {  	s24 =	simm.s32 $0x14400;
	[sflag:s12] =	ssyncadd.s32 $0xFFFFE000;
	s28 =	sadd.s32 s25, s4  }
0xc3: {  	[hbm4b:s28+s2] =	stream.linear.scatter [tilespmem:s24], [sflag:$0x12], $0x2000, $0x38;
	[tilespmem:$0x1A400] =	vst v63  }
0xc4: {  	_ =	swait.ge [sflag:s13], $0x2000  }
0xc5: {  	[sflag:s13] =	ssyncset.done $0x0  }
0xc6: {  	s7 =	sadd.s32 $0xFFFFFE80, s23;
	[sflag:s13] =	ssyncadd.s32 $0xFFFFE000  }
0xc7: {  	[tilespmem:s0], [sflag:$0x7] =	stream.indirect.gather [hbm4b:s3+s17], $0x40, s7, s17, $0xb8;
	[tilespmem:$0x1A400] =	vst v63  }
0xc8: {  	_ =	swait.ge [sflag:s14], $0x2000  }
0xc9: {  	s4 =	rddreg [dreg:$0x5];
	[sflag:s14] =	ssyncset.done $0x0  }
0xca: {  	[sflag:s14] =	ssyncadd.s32 $0xFFFFE000;
	s28 =	sadd.s32 s25, s4;
	s4 =	simm.s32 $0x16400  }
0xcb: {  	[hbm4b:s28+s2] =	stream.linear.scatter [tilespmem:s4], [sflag:$0x13], $0x2000, $0x38;
	[tilespmem:$0x1A400] =	vst v63  }
0xcc: {  	_ =	swait.ge [sflag:s15], $0x2000  }
0xcd: {  	[sflag:s15] =	ssyncset.done $0x0  }
0xce: {  	s7 =	sadd.s32 $0xFFFFFF00, s23;
	[sflag:s15] =	ssyncadd.s32 $0xFFFFE000  }
0xcf: {  	[tilespmem:s24], [sflag:$0x8] =	stream.indirect.gather [hbm4b:s3+s17], $0x40, s7, s17, $0xb8;
	[tilespmem:$0x1A400] =	vst v63  }
0xd0: {  	_ =	swait.ge [sflag:s16], $0x2000  }
0xd1: {  	s24 =	rddreg [dreg:$0x4];
	[sflag:s16] =	ssyncset.done $0x0  }
0xd2: {  	s7 =	simm.s32 $0x18400;
	[sflag:s16] =	ssyncadd.s32 $0xFFFFE000;
	s28 =	sadd.s32 s25, s24  }
0xd3: {  	[hbm4b:s28+s2] =	stream.linear.scatter [tilespmem:s7], [sflag:$0x14], $0x2000, $0x38;
	[tilespmem:$0x1A400] =	vst v63  }
0xd4: {  	_ =	swait.ge [sflag:s18], $0x2000  }
0xd5: {  	[sflag:s18] =	ssyncset.done $0x0  }
0xd6: {  	s28 =	sadd.s32 $0xFFFFFF80, s23;
	[sflag:s18] =	ssyncadd.s32 $0xFFFFE000  }
0xd7: {  	[tilespmem:s4], [sflag:$0x9] =	stream.indirect.gather [hbm4b:s3+s17], $0x40, s28, s17, $0xb8;
	[tilespmem:$0x1A400] =	vst v63  }
0xd8: {  	s4 =	simm.s32 $0x1  }
0xd9: {  	_ =	swait.ge [sflag:s4], $0x2000  }
0xda: {  	s28 =	rddreg [dreg:$0xc];
	[sflag:s4] =	ssyncset.done $0x0  }
0xdb: {  	[sflag:s4] =	ssyncadd.s32 $0xFFFFE000;
	s28 =	sadd.s32 s25, s28  }
0xdc: {  	[hbm4b:s28+s2] =	stream.linear.scatter [tilespmem:s30], [sflag:$0xB], $0x2000, $0x38;
	[tilespmem:$0x1A400] =	vst v63  }
0xdd: {  	_ =	swait.ge [sflag:s19], $0x2000  }
0xde: {  	p0 =	sne.s32 s21, $0x2D000;
	[sflag:s19] =	ssyncset.done $0x0  }
0xdf: {  	s21 =	sadd.s32 $0x2800, s21;
	s1 =	simm.s32 $0x8400;
	[sflag:s19] =	ssyncadd.s32 $0xFFFFE000  }
0xe0: {  	[tilespmem:s7], [sflag:$0xA] =	stream.indirect.gather [hbm4b:s3+s17], $0x40, s23, s17, $0xb8;
	[tilespmem:$0x1A400] =	vst v63  }
.Ltmp0:
0xe1: {  	s20 =	simm.s32 $0xA400;
	s26 =	simm.s32 $0xC400;
	(pc) =	sbr.rel @p0 .LBB2_2-.Ltmp0, $4  }
0xe2: {  	s22 =	simm.s32 $0xE400;
	s29 =	simm.s32 $0x10400;
	s7 =	simm.s32 $0x2  }
0xe3: {  	s31 =	simm.s32 $0x12400;
	s0 =	simm.s32 $0x14400;
	_ =	swait.ge [sflag:s7], $0x2000  }
0xe4: {  	s24 =	simm.s32 $0x16400;
	[sflag:s7] =	ssyncset.done $0x0;
	s28 =	rddreg [dreg:$0xd]  }
0xe5: {  	s23 =	sadd.s32 $0x500, s23;
	[sflag:s7] =	ssyncadd.s32 $0xFFFFE000;
	s25 =	sadd.s32 s25, s28  }
0xe6: {  	[hbm4b:s25+s2] =	stream.linear.scatter [tilespmem:s1], [sflag:$0xC], $0x2000, $0x38;
	[tilespmem:$0x1A400] =	vst v63  }
0xe7: {  	s21 =	simm.s32 $0x3  }
0xe8: {  	_ =	swait.ge [sflag:s21], $0x2000  }
0xe9: {  	[sflag:s21] =	ssyncset.done $0x0  }
0xea: {  	s23 =	simm.s32 $0x4;
	[sflag:s21] =	ssyncadd.s32 $0xFFFFE000;
	s21 =	rddreg [dreg:$0x11]  }
0xeb: {  	[hbm4b:s21+s2] =	stream.linear.scatter [tilespmem:s20], [sflag:$0xD], $0x2000, $0x38;
	[tilespmem:$0x1A400] =	vst v63  }
0xec: {  	_ =	swait.ge [sflag:s23], $0x2000  }
0xed: {  	[sflag:s23] =	ssyncset.done $0x0  }
0xee: {  	s28 =	simm.s32 $0x5;
	s25 =	rddreg [dreg:$0x12];
	[sflag:s23] =	ssyncadd.s32 $0xFFFFE000  }
0xef: {  	[hbm4b:s25+s2] =	stream.linear.scatter [tilespmem:s26], [sflag:$0xE], $0x2000, $0x38;
	[tilespmem:$0x1A400] =	vst v63  }
0xf0: {  	_ =	swait.ge [sflag:s28], $0x2000  }
0xf1: {  	[sflag:s28] =	ssyncset.done $0x0  }
0xf2: {  	s30 =	rddreg [dreg:$0x13];
	[sflag:s28] =	ssyncadd.s32 $0xFFFFE000  }
0xf3: {  	[hbm4b:s30+s2] =	stream.linear.scatter [tilespmem:s22], [sflag:$0xF], $0x2000, $0x38;
	[tilespmem:$0x1A400] =	vst v63  }
0xf4: {  	_ =	swait.ge [sflag:s5], $0x2000  }
0xf5: {  	[sflag:s5] =	ssyncset.done $0x0  }
0xf6: {  	s1 =	rddreg [dreg:$0x14];
	[sflag:s5] =	ssyncadd.s32 $0xFFFFE000  }
0xf7: {  	[hbm4b:s1+s2] =	stream.linear.scatter [tilespmem:s29], [sflag:$0x10], $0x2000, $0x38;
	[tilespmem:$0x1A400] =	vst v63  }
0xf8: {  	_ =	swait.ge [sflag:s10], $0x2000  }
0xf9: {  	[sflag:s10] =	ssyncset.done $0x0  }
0xfa: {  	s20 =	rddreg [dreg:$0x15];
	[sflag:s10] =	ssyncadd.s32 $0xFFFFE000  }
0xfb: {  	[hbm4b:s20+s2] =	stream.linear.scatter [tilespmem:s31], [sflag:$0x11], $0x2000, $0x38;
	[tilespmem:$0x1A400] =	vst v63  }
0xfc: {  	_ =	swait.ge [sflag:s12], $0x2000  }
0xfd: {  	[sflag:s12] =	ssyncset.done $0x0  }
0xfe: {  	s22 =	rddreg [dreg:$0x16];
	[sflag:s12] =	ssyncadd.s32 $0xFFFFE000  }
0xff: {  	[hbm4b:s22+s2] =	stream.linear.scatter [tilespmem:s0], [sflag:$0x12], $0x2000, $0x38;
	[tilespmem:$0x1A400] =	vst v63  }
0x100: {  	_ =	swait.ge [sflag:s14], $0x2000  }
0x101: {  	[sflag:s14] =	ssyncset.done $0x0  }
0x102: {  	s23 =	rddreg [dreg:$0x17];
	[sflag:s14] =	ssyncadd.s32 $0xFFFFE000  }
0x103: {  	[hbm4b:s23+s2] =	stream.linear.scatter [tilespmem:s24], [sflag:$0x13], $0x2000, $0x38;
	[tilespmem:$0x1A400] =	vst v63  }
0x104: {  	_ =	swait.ge [sflag:s16], $0x2000  }
0x105: {  	[sflag:s16] =	ssyncset.done $0x0  }
0x106: {  	s26 =	simm.s32 $0xB;
	s25 =	rddreg [dreg:$0x18];
	[sflag:s16] =	ssyncadd.s32 $0xFFFFE000  }
0x107: {  	[hbm4b:s25+s2] =	stream.linear.scatter [tilespmem:s6], [sflag:$0x14], $0x2000, $0x38;
	[tilespmem:$0x1A400] =	vst v63  }
0x108: {  	_ =	swait.ge [sflag:s26], $0x2000  }
0x109: {  	[sflag:s26] =	ssyncset.done $0x0  }
0x10a: {  	s28 =	simm.s32 $0xC;
	[sflag:s26] =	ssyncadd.s32 $0xFFFFE000  }
0x10b: {  	_ =	swait.ge [sflag:s28], $0x2000  }
0x10c: {  	[sflag:s28] =	ssyncset.done $0x0  }
0x10d: {  	s29 =	simm.s32 $0xD;
	[sflag:s28] =	ssyncadd.s32 $0xFFFFE000  }
0x10e: {  	_ =	swait.ge [sflag:s29], $0x2000  }
0x10f: {  	[sflag:s29] =	ssyncset.done $0x0  }
0x110: {  	[sflag:s29] =	ssyncadd.s32 $0xFFFFE000  }
0x111: {  	_ =	swait.ge [sflag:s8], $0x2000  }
0x112: {  	[sflag:s8] =	ssyncset.done $0x0  }
0x113: {  	[sflag:s8] =	ssyncadd.s32 $0xFFFFE000  }
0x114: {  	_ =	swait.ge [sflag:s9], $0x2000  }
0x115: {  	[sflag:s9] =	ssyncset.done $0x0  }
0x116: {  	[sflag:s9] =	ssyncadd.s32 $0xFFFFE000  }
0x117: {  	_ =	swait.ge [sflag:s11], $0x2000  }
0x118: {  	[sflag:s11] =	ssyncset.done $0x0  }
0x119: {  	[sflag:s11] =	ssyncadd.s32 $0xFFFFE000  }
0x11a: {  	_ =	swait.ge [sflag:s13], $0x2000  }
0x11b: {  	[sflag:s13] =	ssyncset.done $0x0  }
0x11c: {  	[sflag:s13] =	ssyncadd.s32 $0xFFFFE000  }
0x11d: {  	_ =	swait.ge [sflag:s15], $0x2000  }
0x11e: {  	[sflag:s15] =	ssyncset.done $0x0  }
0x11f: {  	[sflag:s15] =	ssyncadd.s32 $0xFFFFE000  }
0x120: {  	_ =	swait.ge [sflag:s18], $0x2000  }
0x121: {  	[sflag:s18] =	ssyncset.done $0x0  }
0x122: {  	[sflag:s18] =	ssyncadd.s32 $0xFFFFE000  }
0x123: {  	_ =	swait.ge [sflag:s19], $0x2000  }
0x124: {  	s30 =	rddreg [dreg:$0x1a]  }
0x125: {  	s31 =	rddreg [dreg:$0x19];
	s0 =	sadd.s32 $0x1, s30  }
0x126: {  	p0 =	sne.s32 s0, s31  }
.Ltmp1:
0x127: {  	_ = 	snop;
	(pc) =	sbr.rel @p0 .LBB2_1-.Ltmp1, $3  }
0x128: {  	_ =	sdelay $0x1  }
0x129: {  	[sflag:s19] =	ssyncset.done $0x0  }
0x12a: {  	s23 =	simm.s32 $0x6400;
	[sflag:s19] =	ssyncadd.s32 $0xFFFFE000  }
0x12b: {  	_ =	sfence.sel $0x180000  }
0x12c: {  	[bflag:$0x0] =	sbarrier.arrive $0xFFFF  }
0x12d: {  	_ =	strace $0x90000047  }
0x12e: {  	s0 =	stileid.u32;
	[bflag:$0x2] =	sbarrier.arrive $0xFFFF  }
0x12f: {  	p0 =	sne.s32 s0, $0x0;
	s0 =	rddreg [dreg:$0x3]  }
0x130: {  	s0 =	sadd.s32 @!p0 $0x100000, s0  }
0x131: {  	[sflag:s0] =	ssyncadd.tile.s32 @!p0 $0x1;
	_ =	shalt  }
.Lfunc_end2:
_tile_overlayer_lowered:
.L_overlay_start_2:
0x132: {  	(tag) =	ssettag $0x2  }
0x133: {  	s0 =	rddreg [dreg:$0x0];
	s2 =	stileid.u32  }
0x134: {  	s1 =	rddreg [dreg:$0x1];
	p0 =	sne.s32 s2, $0x0  }
0x135: {  	s3 =	rddreg [dreg:$0x2];
	[bflag:$0x3] =	sbarrier.arrive $0xFFFF;
	s2 =	simm.s32 @!p0 $0x1C15  }
0x136: {  	[timem:s3], [sflag:s2] =	dma.local @!p0 [hbm:s0], s1  }
0x137: {  	s0 =	simm.s32 @!p0 $0x15  }
0x138: {  	_ =	swait.ge @!p0 [sflag:s0], s1  }
0x139: {  	s1 =	ssub.s32 @!p0 $0x0, s1;
	[sflag:s0] =	ssyncset.done @!p0 $0x0  }
0x13a: {  	[sflag:s0] =	ssyncadd.s32 @!p0 s1  }
0x13b: {  	[bflag:$0x3] =	sbarrier.arrive $0xFFFF  }
0x13c: {  	_ =	shalt  }

// kernel: sparse-core-data-format-call.cloned.1.call-start
scs
called_computation_lowered:
.L_overlay_start_0:
0x0: {  	s2 =	sld [smem:$0x3FD9]  }
0x1: {  	s3 =	sld [smem:$0x3FFE];
	_ =	sdelay $0x1  }
0x2: {  	s1 =	srdreg.scid  }
0x3: {  	s0 =	sand.u32 $0x1, s1  }
0x4: {  	s18 =	sshll.u32 s0, $0xA;
	s2 =	sadd.s32 s3, s2  }
0x5: {  	s2 =	sadd.s32 s2, s18  }
0x6: {  	[smem:$0x3FC6] =	sst s2  }
0x7: {  	_ = 	snop  }
0x8: {  	s2 =	sld [smem:$0x3FD0];
	(tm) =	ssettm $0x1  }
0x9: {  	s19 =	sld [smem:$0x3FFB];
	_ =	sdelay $0x3  }
0xa: {  	_ =	strace s19  }
0xb: {  	s3 =	sld [smem:$0x3FFC];
	_ =	sdelay $0x3  }
0xc: {  	_ =	strace s3  }
0xd: {  	s3 =	sld [smem:$0x3FFD];
	_ =	sdelay $0x3  }
0xe: {  	_ =	strace s3  }
0xf: {  	_ =	strace $0x8FFFFFFF  }
0x10: {  	s20 =	sld [smem:$0x3FDB];
	_ =	sdelay $0x1  }
0x11: {  	s4 =	simm.s32 $_scs_section_size  }
0x12: {  	s5 =	simm.s32 $_size__tile_overlayer_lowered;
	s6 =	simm.s32 $_tile_overlayer_lowered  }
0x13: {  	s23 =	simm.s32 $0x1BFF;
	s22 =	sshll.u32 s6, $0x1;
	s3 =	sadd.s32 s4, s20  }
0x14: {  	s7 =	simm.s32 $0x0;
	s21 =	sshll.u32 s5, $0x1;
	s5 =	sadd.s32 s22, s3  }
0x15: {  	[timem:s7], [sflag:s23] =	dma.local [hbm:s5], s21  }
0x16: {  	_ =	swait.ge [sflag:s23], s21  }
0x17: {  	s4 =	ssub.s32 $0x0, s21;
	[sflag:s23] =	ssyncset.done $0x0  }
0x18: {  	[sflag:s23] =	ssyncadd.s32 s4;
	_ =	sdelay $0x1  }
0x19: {  	s24 =	simm.s32 $0x1B8B  }
0x1a: {  	_ =	swait.ge [sflag:s24], $0x1  }
0x1b: {  	[sflag:s24] =	ssyncset.done $0x0  }
0x1c: {  	s26 =	simm.s32 $0x1B8E;
	s25 =	sld [smem:$0x3FFE];
	[sflag:s24] =	ssyncadd.s32 $0xFFFFFFFF  }
0x1d: {  	s27 =	simm.s32 $execute0_lowered;
	[smem:$0x3FD2] =	sst s26  }
0x1e: {  	s5 =	sshll.u32 s27, $0x1;
	_ =	strace $0x80000049;
	[dreg:$0x1] =	wrdreg $0xFFFFFFFF  }
0x1f: {  	s28 =	simm.s32 $_size_execute0_lowered;
	s3 =	sadd.s32 s3, s5;
	[dreg:$0x0] =	wrdreg $0x0  }
0x20: {  	s5 =	sshll.u32 s28, $0x1;
	[dreg:$0x2] =	wrdreg s3  }
0x21: {  	[dreg:$0x3] =	wrdreg s5  }
0x22: {  	[dreg:$0x4] =	wrdreg $0xC0  }
0x23: {  	_ =	task [dreg:s7], $0x5FFFF  }
0x24: {  	[dreg:$0x1] =	wrdreg $0xFFFFFFFF  }
0x25: {  	[dreg:$0x0] =	wrdreg $0x60  }
0x26: {  	[dreg:$0x2] =	wrdreg s25  }
0x27: {  	[dreg:$0x3] =	wrdreg s2  }
0x28: {  	[dreg:$0x4] =	wrdreg $0x9  }
0x29: {  	_ =	task.clear_ibuf [dreg:s7], $0x5FFFF;
	_ =	strace $0x90000049  }
0x2a: {  	s29 =	simm.s32 $0x9;
	_ =	strace $0x8000004B  }
0x2b: {  	_ =	swait.ge [sflag:s29], $0x1  }
0x2c: {  	[sflag:s29] =	ssyncadd.s32 $0xFFFFFFFF  }
0x2d: {  	_ =	strace $0x9000004B  }
0x2e: {  	_ =	sfence  }
0x2f: {  	s30 =	sld [smem:$0x0];
	_ =	sdelay $0x2  }
0x30: {  	s31 =	sshll.u32 s1, $0xD;
	s1 =	sshrl.u32 s1, $0x2  }
0x31: {  	s3 =	sand.u32 $0x4000, s31;
	s1 =	sadd.s32 s1, s30  }
0x32: {  	s0 =	sor.u32 s3, s0;
	s1 =	sshll.u32 s1, $0x11  }
0x33: {  	s0 =	sor.u32 s1, s0  }
0x34: {  	s0 =	sadd.s32 $0x8F2B, s0  }
0x35: {  	[sflag:s0] =	ssyncadd.remote.s32 $0x1  }
0x36: {  	_ =	sfence.sel $0xFFFF  }
0x37: {  	[dreg:$0x0] =	wrdreg $0xFFFFFFFF;
	(pc) =	sbr.abs _section_cstart, $3  }
0x38: {  	[dreg:$0x1] =	wrdreg $0xFFFFFFFF  }
0x39: {  	_ =	task.clear_ibuf [dreg:s7], $0x2FFFF;
	_ =	strace $0x9FFFFFFF  }
0x3a: {  	(tm) =	ssettm $0x7FFFFFFF  }
0x3b: {  	_ =	shalt  }
tec
execute0_lowered:
.L_overlay_start_1:
0x0: {  	(tag) =	ssettag $0x1  }
0x1: {  	s0 =	srdreg.scid  }
0x2: {  	s1 =	sshll.u32 s0, $0x4  }
0x3: {  	s4 =	rddreg [dreg:$0x0];
	s0 =	stileid.u32;
	s1 =	sand.u32 $0x10, s1  }
0x4: {  	s2 =	rddreg [dreg:$0x1];
	s7 =	simm.s32 $0x1;
	s1 =	sor.u32 s0, s1  }
0x5: {  	s8 =	simm.s32 $0x2;
	s11 =	simm.s32 $0x0;
	s3 =	sshll.u32 s1, $0x7  }
0x6: {  	s10 =	simm.s32 $0x0;
	s4 =	sadd.s32 $0x800, s4;
	s6 =	ssub.s32 $0xC8000, s3  }
.Ltmp0:
0x7: {  	s1 =	rddreg [dreg:$0x2];
	s5 =	sand.u32 $0xF80, s6;
	(pc) =	sbr.rel .LBB1_1-.Ltmp0, $4  }
0x8: {  	_ =	strace $0x8000004A;
	s9 =	smov.u32 s3;
	p0 =	sne.s32 s5, $0x0  }
0x9: {  	s6 =	sshrl.u32 s6, $0xC;
	s5 =	simm.s32 $0x1;
	s7 =	simm.s32 @!p0 $0x0  }
0xa: {  	[sflag:s5] =	ssyncpa.u1 $0x0;
	p0 =	por $0x0, $0x0;
	s6 =	sadd.s32 s7, s6  }
0xb: {  	[sflag:s8] =	ssyncpa.u1 $0x0;
	s8 =	simm.s32 $0x640000;
	s7 =	sadd.s32 $0x1, s6  }
.LBB1_4:
0xc: {  	s14 =	sshll.u32 s11, $0x3  }
0xd: {  	s30 =	sand.u32 $0x7F, s11;
	s15 =	sand.u32 $0xFFFFFC00, s14  }
0xe: {  	s11 =	sor.u32 s30, s15  }
0xf: {  	s15 =	smulhi.u32 $0x51EB851F, s11  }
0x10: {  	s14 =	smulhi.u32 $0x51EB851F, s14  }
0x11: {  	s15 =	sshrl.u32 s15, $0x12  }
0x12: {  	s14 =	sshrl.u32 s14, $0x12;
	s15 =	smul.u32 $0xC8000, s15  }
0x13: {  	s14 =	sand.u32 $0x3F, s14  }
0x14: {  	s14 =	smul.u32 $0x19000, s14;
	s11 =	ssub.s32 s11, s15  }
0x15: {  	[tilespmem:s13+$0x810 ss:$0x81] =	vst.msk $0xffff, v2;
	s15 =	sand.u32 $0x7, s11  }
0x16: {  	[tilespmem:s13+$0x1020 ss:$0x81] =	vst.msk $0xffff, v0;
	s14 =	sadd.s32 s2, s14;
	s11 =	sshrl.u32 s11, $0x3;
	s15 =	sshll.u32 s15, $0x12  }
0x17: {  	[tilespmem:s13+$0x0 ss:$0x81] =	vst.msk $0xffff, v1;
	s11 =	sadd.s32 s11, s14;
	s31 =	sor.u32 $0x400, s15  }
0x18: {  	[hbm4b:s11+s31] =	stream.strided.scatter [tilespmem:s12], [sflag:$0x2], $0x2000, s8, s31, $0x20;
	[tilespmem:$0x8080] =	vst v63  }
.LBB1_5:
0x19: {  	s13 =	sadd.s32 $0x1000, s9  }
0x1a: {  	p2 =	sgt.s32 s13, $0xC7FFF  }
0x1b: {  	s13 =	smov.u32 @p2 s3;
	p2 =	sne.s32 s10, s7  }
.Ltmp1:
0x1c: {  	p1 =	slt.u32 s10, $0x2;
	(pc) =	sbr.rel @!p2 .LBB1_6-.Ltmp1, $4  }
0x1d: {  	s12 =	simm.s32 @!p1 $0x2  }
0x1e: {  	s14 =	sadd.s32 $0x1, s10;
	_ =	swait.ge @!p1 [sflag:s12], $0x2000  }
0x1f: {  	s11 =	smov.u32 s9;
	p0 =	por !p0, !p0;
	[sflag:s12] =	ssyncset.done @!p1 $0x0  }
0x20: {  	s10 =	smov.u32 s14;
	s9 =	smov.u32 s13;
	[sflag:s12] =	ssyncadd.s32 @!p1 $0xFFFFE000  }
.LBB1_1:
0x21: {  	p1 =	sge.u32 s10, s6  }
0x22: {  	s12 =	sand.u32 @!p1 $0x1FFFFFF, s9  }
0x23: {  	s13 =	smulhi.u32 @!p1 $0x147AE15, s12;
	_ =	sdelay $0x1  }
0x24: {  	s13 =	sshrl.u32 @!p1 s13, $0xC  }
0x25: {  	s13 =	smul.u32 @!p1 $0xC8000, s13;
	_ =	sdelay $0x1  }
0x26: {  	s31 =	sadd.s32 $0xFFFFFFFF, s10;
	s14 =	sxor.u32 @!p1 $0xFFFFFFFF, s10;
	s12 =	ssub.s32 @!p1 s12, s13  }
0x27: {  	s15 =	simm.s32 @!p1 $0x80;
	s14 =	sshll.u32 @!p1 s14, $0xD;
	s12 =	sshll.u32 @!p1 s12, $0x4  }
0x28: {  	s13 =	sand.u32 @!p1 $0x2000, s14;
	s14 =	simm.s32 @!p1 $0x40;
	s12 =	sadd.s32 @!p1 s4, s12  }
0x29: {  	[tilespmem:s13], [sflag:$0x1] =	stream.strided.gather @!p1 [hbm4b:s12+s14], $0x2000, s15, s14, $0x38;
	[tilespmem:$0x8080] =	vst v63  }
0x2a: {  	p1 =	sge.u32 s31, s6  }
.Ltmp2:
0x2b: {  	_ = 	snop;
	(pc) =	sbr.rel @p1 .LBB1_5-.Ltmp2, $1  }
0x2c: {  	_ =	sdelay $0x3  }
0x2d: {  	s12 =	simm.s32 $0x1  }
0x2e: {  	_ =	swait.ge [sflag:s5], $0x2000;
	s12 =	simm.s32 @!p0 $0x0  }
0x2f: {  	[sflag:s5] =	ssyncset.done $0x0;
	s13 =	sshll.u32 s12, $0xD  }
0x30: {  	[sflag:s5] =	ssyncadd.s32 $0xFFFFE000;
	s16 =	sor.u32 $0x20, s13  }
0x31: {  	s12 =	smul.u32 $0x8100, s12;
	v3 =	vld [tilespmem:s16+$0x10]  }
0x32: {  	s30 =	sand.u32 $0x1, s10;
	v2 =	vld [tilespmem:s16+$0xFFFFFFF0]  }
0x33: {  	s13 =	smul.u32 $0x8100, s30;
	s12 =	sshrl.u32 s12, $0x2;
	v0 =	vld [tilespmem:s16+$0x0]  }
0x34: {  	v1 =	vld [tilespmem:s16+$0xFFFFFFE0];
	s14 =	sor.u32 $0x4000, s12  }
0x35: {  	s31 =	sshrl.u32 s13, $0x2;
	s13 =	sadd.s32 $0x0, s14  }
0x36: {  	s15 =	simm.s32 $0x4;
	s16 =	sadd.s32 $0x40, s16;
	s12 =	sor.u32 $0x4000, s31;
	[tilespmem:s13+$0x1830 ss:$0x81] =	vst.msk $0xffff, v3  }
.LBB1_3:
0x37: {  	v3 =	vld [tilespmem:s16+$0x10];
	p1 =	sne.s32 s15, $0x1FC;
	[tilespmem:s13+$0x810 ss:$0x81] =	vst.msk $0xffff, v2;
	s17 =	smov.u32 s15;
	s15 =	sadd.s32 $0x4, s15  }
.Ltmp3:
0x38: {  	v2 =	vld [tilespmem:s16+$0xFFFFFFF0];
	[tilespmem:s13+$0x1020 ss:$0x81] =	vst.msk $0xffff, v0;
	(pc) =	sbr.rel @p1 .LBB1_3-.Ltmp3, $4  }
0x39: {  	v0 =	vld [tilespmem:s16+$0x0];
	[tilespmem:s13+$0x0 ss:$0x81] =	vst.msk $0xffff, v1  }
0x3a: {  	s13 =	sshra.s32 s17, $0x2;
	v1 =	vld [tilespmem:s16+$0xFFFFFFE0]  }
0x3b: {  	s13 =	sadd.s32 s13, s14  }
0x3c: {  	s16 =	sadd.s32 $0x40, s16;
	[tilespmem:s13+$0x1830 ss:$0x81] =	vst.msk $0xffff, v3  }
.Ltmp4:
0x3d: {  	_ = 	snop;
	(pc) =	sbr.rel .LBB1_4-.Ltmp4, $1  }
0x3e: {  	_ =	sdelay $0x3  }
.LBB1_6:
0x3f: {  	_ =	sfence.sel $0x180000  }
0x40: {  	s2 =	simm.s32 $0x1;
	[bflag:$0x0] =	sbarrier.arrive $0xFFFF  }
0x41: {  	s31 =	simm.s32 $0x2;
	[sflag:s2] =	ssyncpa.u1 $0x1  }
0x42: {  	[sflag:s31] =	ssyncpa.u1 $0x1  }
0x43: {  	p0 =	sne.s32 s0, $0x0;
	_ =	strace $0x9000004A  }
0x44: {  	s0 =	sadd.s32 @!p0 $0x100000, s1;
	[bflag:$0x2] =	sbarrier.arrive $0xFFFF  }
0x45: {  	[sflag:s0] =	ssyncadd.tile.s32 @!p0 $0x1;
	_ =	shalt  }
.Lfunc_end1:
_tile_overlayer_lowered:
.L_overlay_start_2:
0x46: {  	(tag) =	ssettag $0x2  }
0x47: {  	s0 =	rddreg [dreg:$0x0];
	s2 =	stileid.u32  }
0x48: {  	s1 =	rddreg [dreg:$0x1];
	p0 =	sne.s32 s2, $0x0  }
0x49: {  	s3 =	rddreg [dreg:$0x2];
	[bflag:$0x3] =	sbarrier.arrive $0xFFFF;
	s2 =	simm.s32 @!p0 $0x1C01  }
0x4a: {  	[timem:s3], [sflag:s2] =	dma.local @!p0 [hbm:s0], s1  }
0x4b: {  	s0 =	simm.s32 @!p0 $0x1  }
0x4c: {  	_ =	swait.ge @!p0 [sflag:s0], s1  }
0x4d: {  	s1 =	ssub.s32 @!p0 $0x0, s1;
	[sflag:s0] =	ssyncset.done @!p0 $0x0  }
0x4e: {  	[sflag:s0] =	ssyncadd.s32 @!p0 s1  }
0x4f: {  	[bflag:$0x3] =	sbarrier.arrive $0xFFFF  }
0x50: {  	_ =	shalt  }

</sc_bundles>
